<compile_context>
chip_gen: v7x
topology: tpu7x:2x2x1
jax: 0.10.2.dev20260603
libtpu: 0.0.44.dev20260713+nightly
codegen_flags: <defaults>
</compile_context>

<pallas_src>
import functools

import jax
import jax.numpy as jnp
from jax import lax
from jax.experimental import pallas as pl
from jax.experimental.pallas import tpu as pltpu
from jax.experimental.pallas import tpu_sc as plsc

_N = 10000
_E = 320000
_NC = 2
_NS = 16
_CH = 128
_KT = 160
_EPT = _KT * _CH
_E_PAD = _EPT * _NS
_NCHUNK = _E_PAD // _CH
_NPAD = 10240
_RPT = _NPAD // _NS

_mesh = plsc.VectorSubcoreMesh(core_axis_name="c", subcore_axis_name="s")


def _make_scatter(Dh):

  @functools.partial(
      pl.kernel,
      out_type=jax.ShapeDtypeStruct((_NC * _NPAD, Dh), jnp.float32),
      mesh=_mesh,
      compiler_params=pltpu.CompilerParams(use_tc_tiling_on_sc=False),
      scratch_types=[
          pltpu.VMEM((_KT, _CH), jnp.int32),
          pltpu.VMEM((_KT, _CH), jnp.int32),
          pltpu.VMEM((_CH, Dh), jnp.float32),
          pltpu.VMEM((_CH, Dh), jnp.float32),
          pltpu.VMEM_SHARED((_NPAD, Dh), jnp.float32),
          pltpu.SemaphoreType.DMA,
          pltpu.SemaphoreType.DMA,
          pltpu.SemaphoreType.DMA,
          pltpu.SemaphoreType.DMA,
      ],
  )
  def scat(y_hbm, srcb_hbm, dst_hbm, out_hbm, src_v, dst_v,
           buf0, buf1, z_sh, g0, g1, s0, s1):
    cid = lax.axis_index("c")
    sid = lax.axis_index("s")
    bufs = (buf0, buf1)
    gs = (g0, g1)
    ss = (s0, s1)

    pltpu.sync_copy(srcb_hbm.at[cid, pl.ds(sid * _KT, _KT)], src_v)
    pltpu.sync_copy(dst_hbm.at[pl.ds(sid * _KT, _KT)], dst_v)

    def zrow(r, _):
      for c in range(Dh // 16):
        buf0[r, pl.ds(c * 16, 16)] = jnp.zeros((16,), jnp.float32)
      return 0
    lax.fori_loop(0, _CH, zrow, 0)
    for j in range(_RPT // _CH):
      pltpu.sync_copy(buf0, z_sh.at[pl.ds(sid * _RPT + j * _CH, _CH)])
    plsc.subcore_barrier()

    def g_start(k, b):
      pltpu.async_copy(y_hbm.at[src_v.at[k]], bufs[b], gs[b])

    def g_wait(k, b):
      pltpu.make_async_copy(y_hbm.at[src_v.at[k]], bufs[b], gs[b]).wait()

    def s_start(k, b):
      pltpu.async_copy(bufs[b], z_sh.at[dst_v.at[k]], ss[b], add=True)

    def s_wait(k, b):
      pltpu.make_async_copy(bufs[b], z_sh.at[dst_v.at[k]], ss[b]).wait()

    def step(k, b, do_swait, do_gstart):
      g_wait(k, b)
      s_start(k, b)
      if do_swait:
        s_wait(k - 1, 1 - b)
      if do_gstart:
        g_start(k + 1, 1 - b)

    g_start(0, 0)
    step(0, 0, False, True)
    step(1, 1, True, True)

    def body(i, _):
      k = i * 2
      step(k, 0, True, True)
      step(k + 1, 1, True, True)
      return 0
    lax.fori_loop(1, _KT // 2 - 1, body, 0)

    step(_KT - 2, 0, True, True)
    step(_KT - 1, 1, True, False)
    s_wait(_KT - 1, 1)

    plsc.subcore_barrier()
    pltpu.sync_copy(z_sh.at[pl.ds(sid * _RPT, _RPT)],
                    out_hbm.at[pl.ds(cid * _NPAD + sid * _RPT, _RPT)])

  return scat


_scat64 = _make_scatter(64)
_scat32 = _make_scatter(32)


@functools.partial(
    pl.kernel,
    out_type=jax.ShapeDtypeStruct((_NC * _NPAD,), jnp.float32),
    mesh=_mesh,
    scratch_types=[
        pltpu.VMEM((_KT // 2, _CH), jnp.int32),
        pltpu.VMEM((_CH,), jnp.float32),
        pltpu.VMEM((_RPT,), jnp.float32),
        pltpu.VMEM_SHARED((_NPAD,), jnp.float32),
        pltpu.SemaphoreType.DMA,
        pltpu.SemaphoreType.DMA,
    ],
)
def _deg_kernel(dst_hbm, out_hbm, dst_v, ones_v, zer_v, d_sh, s0, s1):
  cid = lax.axis_index("c")
  sid = lax.axis_index("s")
  wid = sid * _NC + cid
  kw = _KT // 2
  ss = (s0, s1)

  pltpu.sync_copy(dst_hbm.at[pl.ds(wid * kw, kw)], dst_v)
  for c in range(_CH // 16):
    ones_v[pl.ds(c * 16, 16)] = jnp.ones((16,), jnp.float32)
  for c in range(_RPT // 16):
    zer_v[pl.ds(c * 16, 16)] = jnp.zeros((16,), jnp.float32)
  pltpu.sync_copy(zer_v, d_sh.at[pl.ds(sid * _RPT, _RPT)])
  plsc.subcore_barrier()

  def s_start(k, b):
    pltpu.async_copy(ones_v, d_sh.at[dst_v.at[k]], ss[b], add=True)

  def s_wait(k, b):
    pltpu.make_async_copy(ones_v, d_sh.at[dst_v.at[k]], ss[b]).wait()

  s_start(0, 0)
  s_start(1, 1)
  def body(i, _):
    k = i * 2
    s_wait(k - 2, 0)
    s_start(k, 0)
    s_wait(k - 1, 1)
    s_start(k + 1, 1)
    return 0
  lax.fori_loop(1, kw // 2, body, 0)
  s_wait(kw - 2, 0)
  s_wait(kw - 1, 1)

  plsc.subcore_barrier()
  pltpu.sync_copy(d_sh.at[pl.ds(sid * _RPT, _RPT)],
                  out_hbm.at[pl.ds(cid * _NPAD + sid * _RPT, _RPT)])


_BLK = 1000


def _tc1_body(x_ref, w_ref, d0_ref, d1_ref, y_ref, dinv_ref):
  deg = d0_ref[...] + d1_ref[...] + 1.0
  dinv = lax.rsqrt(deg)
  dinv_ref[...] = dinv
  y_ref[...] = jnp.dot(x_ref[...], w_ref[...],
                       preferred_element_type=jnp.float32) * dinv


def _tc1(x, W1, d0, d1):
  return pl.pallas_call(
      _tc1_body,
      grid=(_N // _BLK,),
      in_specs=[
          pl.BlockSpec((_BLK, 128), lambda i: (i, 0)),
          pl.BlockSpec((128, 128), lambda i: (0, 0)),
          pl.BlockSpec((_BLK, 1), lambda i: (i, 0)),
          pl.BlockSpec((_BLK, 1), lambda i: (i, 0)),
      ],
      out_specs=[
          pl.BlockSpec((_BLK, 128), lambda i: (i, 0)),
          pl.BlockSpec((_BLK, 1), lambda i: (i, 0)),
      ],
      out_shape=[
          jax.ShapeDtypeStruct((_N, 128), jnp.float32),
          jax.ShapeDtypeStruct((_N, 1), jnp.float32),
      ],
  )(x, W1, d0, d1)


def _tc2_body(y_ref, sa_ref, sb_ref, dinv_ref, w_ref, out_ref):
  dinv = dinv_ref[...]
  s = jnp.concatenate([sa_ref[...], sb_ref[...]], axis=1)
  z = (y_ref[...] + s) * dinv
  h = jnp.maximum(z, 0.0)
  out_ref[...] = jnp.dot(h, w_ref[...],
                         preferred_element_type=jnp.float32) * dinv


def _tc2(y1, s1a, s1b, dinv, W2):
  return pl.pallas_call(
      _tc2_body,
      grid=(_N // _BLK,),
      in_specs=[
          pl.BlockSpec((_BLK, 128), lambda i: (i, 0)),
          pl.BlockSpec((_BLK, 64), lambda i: (i, 0)),
          pl.BlockSpec((_BLK, 64), lambda i: (i, 0)),
          pl.BlockSpec((_BLK, 1), lambda i: (i, 0)),
          pl.BlockSpec((128, 64), lambda i: (0, 0)),
      ],
      out_specs=pl.BlockSpec((_BLK, 64), lambda i: (i, 0)),
      out_shape=jax.ShapeDtypeStruct((_N, 64), jnp.float32),
  )(y1, s1a, s1b, dinv, W2)


def _tc3_body(y_ref, sa_ref, sb_ref, dinv_ref, out_ref):
  s = jnp.concatenate([sa_ref[...], sb_ref[...]], axis=1)
  z = (y_ref[...] + s) * dinv_ref[...]
  out_ref[...] = jnp.maximum(z, 0.0)


def _tc3(y2, s2a, s2b, dinv):
  return pl.pallas_call(
      _tc3_body,
      grid=(_N // _BLK,),
      in_specs=[
          pl.BlockSpec((_BLK, 64), lambda i: (i, 0)),
          pl.BlockSpec((_BLK, 32), lambda i: (i, 0)),
          pl.BlockSpec((_BLK, 32), lambda i: (i, 0)),
          pl.BlockSpec((_BLK, 1), lambda i: (i, 0)),
      ],
      out_specs=pl.BlockSpec((_BLK, 64), lambda i: (i, 0)),
      out_shape=jax.ShapeDtypeStruct((_N, 64), jnp.float32),
  )(y2, s2a, s2b, dinv)


def kernel(x, edge_index, W1, W2):
  pad = _E_PAD - _E
  src_p = jnp.concatenate([edge_index[0], jnp.zeros((pad,), jnp.int32)])
  dst_p = jnp.concatenate(
      [edge_index[1], jnp.full((pad,), _N, jnp.int32)]).reshape(_NCHUNK, _CH)
  srcb = jnp.stack([2 * src_p, 2 * src_p + 1]).reshape(_NC, _NCHUNK, _CH)

  deg2 = _deg_kernel(dst_p)
  d0 = deg2[:_N].reshape(_N, 1)
  d1 = deg2[_NPAD:_NPAD + _N].reshape(_N, 1)

  y1, dinv = _tc1(x, W1, d0, d1)
  s1 = _scat64(y1.reshape(2 * _N, 64), srcb, dst_p)
  y2 = _tc2(y1, s1[:_N], s1[_NPAD:_NPAD + _N], dinv, W2)
  s2 = _scat32(y2.reshape(2 * _N, 32), srcb, dst_p)
  return _tc3(y2, s2[:_N], s2[_NPAD:_NPAD + _N], dinv)

# --- scband reference (transcript-rebuilt; emitter-appended) ---
"""Pipeline reference for scband-gcn-39530878992718 (READ-ONLY COPY).

The authoritative reference and input builder live on the scoring server;
editing this copy changes nothing except your own understanding.
"""

import jax, jax.numpy as jnp
import numpy as np

N_NODES = 10000
N_EDGES = 320000
D_IN = 128
D_HID = 128
N_CLS = 64


def setup_inputs(seed: int = 0) -> dict:
    key = jax.random.key(seed)
    k1, k2, k3, k4 = jax.random.split(key, 4)
    x = jax.random.normal(k1, (N_NODES, D_IN), dtype=jnp.float32)
    edge_index = jax.random.randint(k2, (2, N_EDGES), 0, N_NODES, dtype=jnp.int32)
    # GCNConv linear weights (bias=False), glorot-ish init
    W1 = jax.random.normal(k3, (D_IN, D_HID), dtype=jnp.float32) * (1.0 / np.sqrt(D_IN))
    W2 = jax.random.normal(k4, (D_HID, N_CLS), dtype=jnp.float32) * (1.0 / np.sqrt(D_HID))
    return {"x": x, "edge_index": edge_index, "W1": W1, "W2": W2}


def _gcn_conv(x, edge_index, W):
    # PyG GCNConv (bias=False): linear -> add self-loops -> sym-normalized scatter-add
    src = edge_index[0]
    dst = edge_index[1]
    loop = jnp.arange(N_NODES, dtype=src.dtype)
    src = jnp.concatenate([src, loop])
    dst = jnp.concatenate([dst, loop])
    xw = x @ W
    ones = jnp.ones(src.shape[0], dtype=xw.dtype)
    deg = jax.ops.segment_sum(ones, dst, num_segments=N_NODES)
    deg_inv_sqrt = jnp.where(deg > 0, jax.lax.rsqrt(jnp.maximum(deg, 1e-12)), 0.0)
    norm = deg_inv_sqrt[src] * deg_inv_sqrt[dst]
    msgs = xw[src] * norm[:, None]
    return jax.ops.segment_sum(msgs, dst, num_segments=N_NODES)


def reference(x, edge_index, W1, W2):
    # eval mode: dropout/dropedge inactive; type_norm='None' -> bn is identity
    h = _gcn_conv(x, edge_index, W1)
    h = jax.nn.relu(h)
    out = _gcn_conv(h, edge_index, W2)
    out = jax.nn.relu(out)
    return out

if __name__ == "__main__":
    import jax
    _d = setup_inputs()
    print(jax.jit(kernel)(*tuple(_d.values())))

</pallas_src>

<mosaic_0001>
#map = affine_map<(d0, d1) -> (0, 0)>
#map1 = affine_map<(d0, d1) -> (0, 0, 0)>
module attributes {stable_mosaic.version = 14 : i64} {
  func.func @scat(%arg0: i32, %arg1: i32, %arg2: memref<20000x64xf32, #tpu.memory_space<hbm>>, %arg3: memref<2x2560x128xi32, #tpu.memory_space<hbm>>, %arg4: memref<2560x128xi32, #tpu.memory_space<hbm>>, %arg5: memref<20480x64xf32, #tpu.memory_space<hbm>>, %arg6: memref<160x128xi32, #tpu.memory_space<vmem>>, %arg7: memref<160x128xi32, #tpu.memory_space<vmem>>, %arg8: memref<128x64xf32, #tpu.memory_space<vmem>>, %arg9: memref<128x64xf32, #tpu.memory_space<vmem>>, %arg10: memref<10240x64xf32, #tpu.memory_space<vmem_shared>>, %arg11: memref<!tpu.dma_semaphore, #tpu.memory_space<semaphore_mem>>, %arg12: memref<!tpu.dma_semaphore, #tpu.memory_space<semaphore_mem>>, %arg13: memref<!tpu.dma_semaphore, #tpu.memory_space<semaphore_mem>>, %arg14: memref<!tpu.dma_semaphore, #tpu.memory_space<semaphore_mem>>) attributes {dimension_semantics = [#tpu.dimension_semantics<core_parallel>, #tpu.dimension_semantics<subcore_parallel>], iteration_bounds = array<i64: 2, 16>, scalar_prefetch = 0 : i64, scratch_operands = 9 : i64, tpu.core_type = #tpu.core_type<sc_vector_subcore>, window_params = [{transform_indices = #map}, {transform_indices = #map1}, {transform_indices = #map}, {transform_indices = #map}]} {
    %mul3A = arith.constant 160 : i32
    %mul3A_0 = arith.muli %arg1, %mul3A : i32
    "tpu.region"() ({
      %run_scoped3A = tpu.sem_alloc : memref<!tpu.dma_semaphore, #tpu.memory_space<semaphore_mem>>
      %dma_start3A_153 = arith.constant 0 : i32
      %dma_start3A_154 = tpu.memref_slice %arg3[%arg0, %mul3A_0, %dma_start3A_153] : memref<2x2560x128xi32, #tpu.memory_space<hbm>> -> memref<1x160x128xi32, #tpu.memory_space<hbm>>
      %dma_start3A_155 = tpu.memref_squeeze %dma_start3A_154 : memref<1x160x128xi32, #tpu.memory_space<hbm>> -> memref<160x128xi32, #tpu.memory_space<hbm>>
      %dma_start3A_156 = arith.constant 0 : i32
      %dma_start3A_157 = tpu.memref_slice %arg3[%arg0, %mul3A_0, %dma_start3A_156] : memref<2x2560x128xi32, #tpu.memory_space<hbm>> -> memref<1x160x128xi32, #tpu.memory_space<hbm>>
      %dma_start3A_158 = tpu.memref_squeeze %dma_start3A_157 : memref<1x160x128xi32, #tpu.memory_space<hbm>> -> memref<160x128xi32, #tpu.memory_space<hbm>>
      tpu.enqueue_dma source(%dma_start3A_158 : memref<160x128xi32, #tpu.memory_space<hbm>>) target(%arg6 : memref<160x128xi32, #tpu.memory_space<vmem>>) target_semaphore(%run_scoped3A : memref<!tpu.dma_semaphore, #tpu.memory_space<semaphore_mem>>)
      %dma_wait3A_159 = arith.constant 0 : i32
      %dma_wait3A_160 = tpu.memref_slice %arg3[%arg0, %mul3A_0, %dma_wait3A_159] : memref<2x2560x128xi32, #tpu.memory_space<hbm>> -> memref<1x160x128xi32, #tpu.memory_space<hbm>>
      %dma_wait3A_161 = tpu.memref_squeeze %dma_wait3A_160 : memref<1x160x128xi32, #tpu.memory_space<hbm>> -> memref<160x128xi32, #tpu.memory_space<hbm>>
      %dma_wait3A_162 = arith.constant 0 : i32
      %dma_wait3A_163 = tpu.memref_slice %arg3[%arg0, %mul3A_0, %dma_wait3A_162] : memref<2x2560x128xi32, #tpu.memory_space<hbm>> -> memref<1x160x128xi32, #tpu.memory_space<hbm>>
      %dma_wait3A_164 = tpu.memref_squeeze %dma_wait3A_163 : memref<1x160x128xi32, #tpu.memory_space<hbm>> -> memref<160x128xi32, #tpu.memory_space<hbm>>
      tpu.wait_dma2 semaphore(%run_scoped3A : memref<!tpu.dma_semaphore, #tpu.memory_space<semaphore_mem>>) src(%dma_wait3A_164 : memref<160x128xi32, #tpu.memory_space<hbm>>) dst(%arg6 : memref<160x128xi32, #tpu.memory_space<vmem>>)
      tpu.yield
    }) : () -> ()
    %mul3A_1 = arith.constant 160 : i32
    %mul3A_2 = arith.muli %arg1, %mul3A_1 : i32
    "tpu.region"() ({
      %run_scoped3A = tpu.sem_alloc : memref<!tpu.dma_semaphore, #tpu.memory_space<semaphore_mem>>
      %dma_start3A_153 = arith.constant 0 : i32
      %dma_start3A_154 = tpu.memref_slice %arg4[%mul3A_2, %dma_start3A_153] : memref<2560x128xi32, #tpu.memory_space<hbm>> -> memref<160x128xi32, #tpu.memory_space<hbm>>
      %dma_start3A_155 = arith.constant 0 : i32
      %dma_start3A_156 = tpu.memref_slice %arg4[%mul3A_2, %dma_start3A_155] : memref<2560x128xi32, #tpu.memory_space<hbm>> -> memref<160x128xi32, #tpu.memory_space<hbm>>
      tpu.enqueue_dma source(%dma_start3A_156 : memref<160x128xi32, #tpu.memory_space<hbm>>) target(%arg7 : memref<160x128xi32, #tpu.memory_space<vmem>>) target_semaphore(%run_scoped3A : memref<!tpu.dma_semaphore, #tpu.memory_space<semaphore_mem>>)
      %dma_wait3A_157 = arith.constant 0 : i32
      %dma_wait3A_158 = tpu.memref_slice %arg4[%mul3A_2, %dma_wait3A_157] : memref<2560x128xi32, #tpu.memory_space<hbm>> -> memref<160x128xi32, #tpu.memory_space<hbm>>
      %dma_wait3A_159 = arith.constant 0 : i32
      %dma_wait3A_160 = tpu.memref_slice %arg4[%mul3A_2, %dma_wait3A_159] : memref<2560x128xi32, #tpu.memory_space<hbm>> -> memref<160x128xi32, #tpu.memory_space<hbm>>
      tpu.wait_dma2 semaphore(%run_scoped3A : memref<!tpu.dma_semaphore, #tpu.memory_space<semaphore_mem>>) src(%dma_wait3A_160 : memref<160x128xi32, #tpu.memory_space<hbm>>) dst(%arg7 : memref<160x128xi32, #tpu.memory_space<vmem>>)
      tpu.yield
    }) : () -> ()
    %scan3A = arith.constant 0 : i32
    %scan3A_3 = arith.constant 0 : i32
    %scan3A_4 = arith.constant 128 : i32
    %scan3A_5 = arith.addi %scan3A_3, %scan3A_4 : i32
    %scan3A_6 = arith.constant 1 : i32
    %scan3A_7 = scf.for %scan3A_153 = %scan3A_3 to %scan3A_5 step %scan3A_6 iter_args(%scan3A_154 = %scan3A) -> (i32)  : i32 {
      %broadcast_in_dim3A = arith.constant 0.000000e+00 : f32
      %broadcast_in_dim3A_155 = vector.broadcast %broadcast_in_dim3A : f32 to vector<16xf32>
      %swap3A = arith.index_cast %scan3A_153 : i32 to index
      %swap3A_156 = arith.constant 0 : index
      %swap3A_157 = tpu.vector_load %arg8[%swap3A, %swap3A_156] {strides = array<i32>} : memref<128x64xf32, #tpu.memory_space<vmem>>, vector<1x16xf32>,
      %swap3A_158 = vector.shape_cast %swap3A_157 : vector<1x16xf32> to vector<16xf32>
      %swap3A_159 = vector.shape_cast %broadcast_in_dim3A_155 : vector<16xf32> to vector<1x16xf32>
      tpu.vector_store %arg8[%swap3A, %swap3A_156], %swap3A_159 {strides = array<i32>} : memref<128x64xf32, #tpu.memory_space<vmem>>, vector<1x16xf32>,
      %broadcast_in_dim3A_160 = arith.constant 0.000000e+00 : f32
      %broadcast_in_dim3A_161 = vector.broadcast %broadcast_in_dim3A_160 : f32 to vector<16xf32>
      %swap3A_162 = arith.index_cast %scan3A_153 : i32 to index
      %swap3A_163 = arith.constant 16 : index
      %swap3A_164 = tpu.vector_load %arg8[%swap3A_162, %swap3A_163] {strides = array<i32>} : memref<128x64xf32, #tpu.memory_space<vmem>>, vector<1x16xf32>,
      %swap3A_165 = vector.shape_cast %swap3A_164 : vector<1x16xf32> to vector<16xf32>
      %swap3A_166 = vector.shape_cast %broadcast_in_dim3A_161 : vector<16xf32> to vector<1x16xf32>
      tpu.vector_store %arg8[%swap3A_162, %swap3A_163], %swap3A_166 {strides = array<i32>} : memref<128x64xf32, #tpu.memory_space<vmem>>, vector<1x16xf32>,
      %broadcast_in_dim3A_167 = arith.constant 0.000000e+00 : f32
      %broadcast_in_dim3A_168 = vector.broadcast %broadcast_in_dim3A_167 : f32 to vector<16xf32>
      %swap3A_169 = arith.index_cast %scan3A_153 : i32 to index
      %swap3A_170 = arith.constant 32 : index
      %swap3A_171 = tpu.vector_load %arg8[%swap3A_169, %swap3A_170] {strides = array<i32>} : memref<128x64xf32, #tpu.memory_space<vmem>>, vector<1x16xf32>,
      %swap3A_172 = vector.shape_cast %swap3A_171 : vector<1x16xf32> to vector<16xf32>
      %swap3A_173 = vector.shape_cast %broadcast_in_dim3A_168 : vector<16xf32> to vector<1x16xf32>
      tpu.vector_store %arg8[%swap3A_169, %swap3A_170], %swap3A_173 {strides = array<i32>} : memref<128x64xf32, #tpu.memory_space<vmem>>, vector<1x16xf32>,
      %broadcast_in_dim3A_174 = arith.constant 0.000000e+00 : f32
      %broadcast_in_dim3A_175 = vector.broadcast %broadcast_in_dim3A_174 : f32 to vector<16xf32>
      %swap3A_176 = arith.index_cast %scan3A_153 : i32 to index
      %swap3A_177 = arith.constant 48 : index
      %swap3A_178 = tpu.vector_load %arg8[%swap3A_176, %swap3A_177] {strides = array<i32>} : memref<128x64xf32, #tpu.memory_space<vmem>>, vector<1x16xf32>,
      %swap3A_179 = vector.shape_cast %swap3A_178 : vector<1x16xf32> to vector<16xf32>
      %swap3A_180 = vector.shape_cast %broadcast_in_dim3A_175 : vector<16xf32> to vector<1x16xf32>
      tpu.vector_store %arg8[%swap3A_176, %swap3A_177], %swap3A_180 {strides = array<i32>} : memref<128x64xf32, #tpu.memory_space<vmem>>, vector<1x16xf32>,
      %scan3A_181 = arith.constant 0 : i32
      scf.yield %scan3A_181 : i32
    }
    %scan3A_8 = arith.constant 128 : i32
    %mul3A_9 = arith.constant 640 : i32
    %mul3A_10 = arith.muli %arg1, %mul3A_9 : i32
    %add3A = arith.constant 0 : i32
    %add3A_11 = arith.addi %mul3A_10, %add3A : i32
    "tpu.region"() ({
      %run_scoped3A = tpu.sem_alloc : memref<!tpu.dma_semaphore, #tpu.memory_space<semaphore_mem>>
      %dma_start3A_153 = arith.constant 0 : i32
      %dma_start3A_154 = tpu.memref_slice %arg10[%add3A_11, %dma_start3A_153] : memref<10240x64xf32, #tpu.memory_space<vmem_shared>> -> memref<128x64xf32, #tpu.memory_space<vmem_shared>>
      %dma_start3A_155 = arith.constant 0 : i32
      %dma_start3A_156 = tpu.memref_slice %arg10[%add3A_11, %dma_start3A_155] : memref<10240x64xf32, #tpu.memory_space<vmem_shared>> -> memref<128x64xf32, #tpu.memory_space<vmem_shared>>
      tpu.enqueue_dma source(%arg8 : memref<128x64xf32, #tpu.memory_space<vmem>>) target(%dma_start3A_156 : memref<128x64xf32, #tpu.memory_space<vmem_shared>>) target_semaphore(%run_scoped3A : memref<!tpu.dma_semaphore, #tpu.memory_space<semaphore_mem>>)
      %dma_wait3A_157 = arith.constant 0 : i32
      %dma_wait3A_158 = tpu.memref_slice %arg10[%add3A_11, %dma_wait3A_157] : memref<10240x64xf32, #tpu.memory_space<vmem_shared>> -> memref<128x64xf32, #tpu.memory_space<vmem_shared>>
      %dma_wait3A_159 = arith.constant 0 : i32
      %dma_wait3A_160 = tpu.memref_slice %arg10[%add3A_11, %dma_wait3A_159] : memref<10240x64xf32, #tpu.memory_space<vmem_shared>> -> memref<128x64xf32, #tpu.memory_space<vmem_shared>>
      tpu.wait_dma2 semaphore(%run_scoped3A : memref<!tpu.dma_semaphore, #tpu.memory_space<semaphore_mem>>) src(%arg8 : memref<128x64xf32, #tpu.memory_space<vmem>>) dst(%dma_wait3A_160 : memref<128x64xf32, #tpu.memory_space<vmem_shared>>)
      tpu.yield
    }) : () -> ()
    %mul3A_12 = arith.constant 640 : i32
    %mul3A_13 = arith.muli %arg1, %mul3A_12 : i32
    %add3A_14 = arith.constant 128 : i32
    %add3A_15 = arith.addi %mul3A_13, %add3A_14 : i32
    "tpu.region"() ({
      %run_scoped3A = tpu.sem_alloc : memref<!tpu.dma_semaphore, #tpu.memory_space<semaphore_mem>>
      %dma_start3A_153 = arith.constant 0 : i32
      %dma_start3A_154 = tpu.memref_slice %arg10[%add3A_15, %dma_start3A_153] : memref<10240x64xf32, #tpu.memory_space<vmem_shared>> -> memref<128x64xf32, #tpu.memory_space<vmem_shared>>
      %dma_start3A_155 = arith.constant 0 : i32
      %dma_start3A_156 = tpu.memref_slice %arg10[%add3A_15, %dma_start3A_155] : memref<10240x64xf32, #tpu.memory_space<vmem_shared>> -> memref<128x64xf32, #tpu.memory_space<vmem_shared>>
      tpu.enqueue_dma source(%arg8 : memref<128x64xf32, #tpu.memory_space<vmem>>) target(%dma_start3A_156 : memref<128x64xf32, #tpu.memory_space<vmem_shared>>) target_semaphore(%run_scoped3A : memref<!tpu.dma_semaphore, #tpu.memory_space<semaphore_mem>>)
      %dma_wait3A_157 = arith.constant 0 : i32
      %dma_wait3A_158 = tpu.memref_slice %arg10[%add3A_15, %dma_wait3A_157] : memref<10240x64xf32, #tpu.memory_space<vmem_shared>> -> memref<128x64xf32, #tpu.memory_space<vmem_shared>>
      %dma_wait3A_159 = arith.constant 0 : i32
      %dma_wait3A_160 = tpu.memref_slice %arg10[%add3A_15, %dma_wait3A_159] : memref<10240x64xf32, #tpu.memory_space<vmem_shared>> -> memref<128x64xf32, #tpu.memory_space<vmem_shared>>
      tpu.wait_dma2 semaphore(%run_scoped3A : memref<!tpu.dma_semaphore, #tpu.memory_space<semaphore_mem>>) src(%arg8 : memref<128x64xf32, #tpu.memory_space<vmem>>) dst(%dma_wait3A_160 : memref<128x64xf32, #tpu.memory_space<vmem_shared>>)
      tpu.yield
    }) : () -> ()
    %mul3A_16 = arith.constant 640 : i32
    %mul3A_17 = arith.muli %arg1, %mul3A_16 : i32
    %add3A_18 = arith.constant 256 : i32
    %add3A_19 = arith.addi %mul3A_17, %add3A_18 : i32
    "tpu.region"() ({
      %run_scoped3A = tpu.sem_alloc : memref<!tpu.dma_semaphore, #tpu.memory_space<semaphore_mem>>
      %dma_start3A_153 = arith.constant 0 : i32
      %dma_start3A_154 = tpu.memref_slice %arg10[%add3A_19, %dma_start3A_153] : memref<10240x64xf32, #tpu.memory_space<vmem_shared>> -> memref<128x64xf32, #tpu.memory_space<vmem_shared>>
      %dma_start3A_155 = arith.constant 0 : i32
      %dma_start3A_156 = tpu.memref_slice %arg10[%add3A_19, %dma_start3A_155] : memref<10240x64xf32, #tpu.memory_space<vmem_shared>> -> memref<128x64xf32, #tpu.memory_space<vmem_shared>>
      tpu.enqueue_dma source(%arg8 : memref<128x64xf32, #tpu.memory_space<vmem>>) target(%dma_start3A_156 : memref<128x64xf32, #tpu.memory_space<vmem_shared>>) target_semaphore(%run_scoped3A : memref<!tpu.dma_semaphore, #tpu.memory_space<semaphore_mem>>)
      %dma_wait3A_157 = arith.constant 0 : i32
      %dma_wait3A_158 = tpu.memref_slice %arg10[%add3A_19, %dma_wait3A_157] : memref<10240x64xf32, #tpu.memory_space<vmem_shared>> -> memref<128x64xf32, #tpu.memory_space<vmem_shared>>
      %dma_wait3A_159 = arith.constant 0 : i32
      %dma_wait3A_160 = tpu.memref_slice %arg10[%add3A_19, %dma_wait3A_159] : memref<10240x64xf32, #tpu.memory_space<vmem_shared>> -> memref<128x64xf32, #tpu.memory_space<vmem_shared>>
      tpu.wait_dma2 semaphore(%run_scoped3A : memref<!tpu.dma_semaphore, #tpu.memory_space<semaphore_mem>>) src(%arg8 : memref<128x64xf32, #tpu.memory_space<vmem>>) dst(%dma_wait3A_160 : memref<128x64xf32, #tpu.memory_space<vmem_shared>>)
      tpu.yield
    }) : () -> ()
    %mul3A_20 = arith.constant 640 : i32
    %mul3A_21 = arith.muli %arg1, %mul3A_20 : i32
    %add3A_22 = arith.constant 384 : i32
    %add3A_23 = arith.addi %mul3A_21, %add3A_22 : i32
    "tpu.region"() ({
      %run_scoped3A = tpu.sem_alloc : memref<!tpu.dma_semaphore, #tpu.memory_space<semaphore_mem>>
      %dma_start3A_153 = arith.constant 0 : i32
      %dma_start3A_154 = tpu.memref_slice %arg10[%add3A_23, %dma_start3A_153] : memref<10240x64xf32, #tpu.memory_space<vmem_shared>> -> memref<128x64xf32, #tpu.memory_space<vmem_shared>>
      %dma_start3A_155 = arith.constant 0 : i32
      %dma_start3A_156 = tpu.memref_slice %arg10[%add3A_23, %dma_start3A_155] : memref<10240x64xf32, #tpu.memory_space<vmem_shared>> -> memref<128x64xf32, #tpu.memory_space<vmem_shared>>
      tpu.enqueue_dma source(%arg8 : memref<128x64xf32, #tpu.memory_space<vmem>>) target(%dma_start3A_156 : memref<128x64xf32, #tpu.memory_space<vmem_shared>>) target_semaphore(%run_scoped3A : memref<!tpu.dma_semaphore, #tpu.memory_space<semaphore_mem>>)
      %dma_wait3A_157 = arith.constant 0 : i32
      %dma_wait3A_158 = tpu.memref_slice %arg10[%add3A_23, %dma_wait3A_157] : memref<10240x64xf32, #tpu.memory_space<vmem_shared>> -> memref<128x64xf32, #tpu.memory_space<vmem_shared>>
      %dma_wait3A_159 = arith.constant 0 : i32
      %dma_wait3A_160 = tpu.memref_slice %arg10[%add3A_23, %dma_wait3A_159] : memref<10240x64xf32, #tpu.memory_space<vmem_shared>> -> memref<128x64xf32, #tpu.memory_space<vmem_shared>>
      tpu.wait_dma2 semaphore(%run_scoped3A : memref<!tpu.dma_semaphore, #tpu.memory_space<semaphore_mem>>) src(%arg8 : memref<128x64xf32, #tpu.memory_space<vmem>>) dst(%dma_wait3A_160 : memref<128x64xf32, #tpu.memory_space<vmem_shared>>)
      tpu.yield
    }) : () -> ()
    %mul3A_24 = arith.constant 640 : i32
    %mul3A_25 = arith.muli %arg1, %mul3A_24 : i32
    %add3A_26 = arith.constant 512 : i32
    %add3A_27 = arith.addi %mul3A_25, %add3A_26 : i32
    "tpu.region"() ({
      %run_scoped3A = tpu.sem_alloc : memref<!tpu.dma_semaphore, #tpu.memory_space<semaphore_mem>>
      %dma_start3A_153 = arith.constant 0 : i32
      %dma_start3A_154 = tpu.memref_slice %arg10[%add3A_27, %dma_start3A_153] : memref<10240x64xf32, #tpu.memory_space<vmem_shared>> -> memref<128x64xf32, #tpu.memory_space<vmem_shared>>
      %dma_start3A_155 = arith.constant 0 : i32
      %dma_start3A_156 = tpu.memref_slice %arg10[%add3A_27, %dma_start3A_155] : memref<10240x64xf32, #tpu.memory_space<vmem_shared>> -> memref<128x64xf32, #tpu.memory_space<vmem_shared>>
      tpu.enqueue_dma source(%arg8 : memref<128x64xf32, #tpu.memory_space<vmem>>) target(%dma_start3A_156 : memref<128x64xf32, #tpu.memory_space<vmem_shared>>) target_semaphore(%run_scoped3A : memref<!tpu.dma_semaphore, #tpu.memory_space<semaphore_mem>>)
      %dma_wait3A_157 = arith.constant 0 : i32
      %dma_wait3A_158 = tpu.memref_slice %arg10[%add3A_27, %dma_wait3A_157] : memref<10240x64xf32, #tpu.memory_space<vmem_shared>> -> memref<128x64xf32, #tpu.memory_space<vmem_shared>>
      %dma_wait3A_159 = arith.constant 0 : i32
      %dma_wait3A_160 = tpu.memref_slice %arg10[%add3A_27, %dma_wait3A_159] : memref<10240x64xf32, #tpu.memory_space<vmem_shared>> -> memref<128x64xf32, #tpu.memory_space<vmem_shared>>
      tpu.wait_dma2 semaphore(%run_scoped3A : memref<!tpu.dma_semaphore, #tpu.memory_space<semaphore_mem>>) src(%arg8 : memref<128x64xf32, #tpu.memory_space<vmem>>) dst(%dma_wait3A_160 : memref<128x64xf32, #tpu.memory_space<vmem_shared>>)
      tpu.yield
    }) : () -> ()
    %barrier3A = arith.constant 0 : index
    tpu.barrier barrier_id(%barrier3A)
    %dma_start3A = arith.constant 0 : i32
    %dma_start3A_28 = arith.constant 0 : i32
    %dma_start3A_29 = tpu.memref_slice %arg6[%dma_start3A, %dma_start3A_28] : memref<160x128xi32, #tpu.memory_space<vmem>> -> memref<1x128xi32, #tpu.memory_space<vmem>>
    %dma_start3A_30 = tpu.memref_squeeze %dma_start3A_29 : memref<1x128xi32, #tpu.memory_space<vmem>> -> memref<128xi32, #tpu.memory_space<vmem>>
    %dma_start3A_31 = arith.constant 0 : i32
    %dma_start3A_32 = arith.constant 0 : i32
    %dma_start3A_33 = tpu.memref_slice %arg2[%dma_start3A_31, %dma_start3A_32] : memref<20000x64xf32, #tpu.memory_space<hbm>> -> memref<20000x64xf32, #tpu.memory_space<hbm>>
    tpu.enqueue_indirect_dma source(%dma_start3A_33 : memref<20000x64xf32, #tpu.memory_space<hbm>>) target(%arg8 : memref<128x64xf32, #tpu.memory_space<vmem>>) offsets(%dma_start3A_30 : memref<128xi32, #tpu.memory_space<vmem>>) semaphore(%arg11 : memref<!tpu.dma_semaphore, #tpu.memory_space<semaphore_mem>>)
    %dma_wait3A = arith.constant 0 : i32
    %dma_wait3A_34 = arith.constant 0 : i32
    %dma_wait3A_35 = tpu.memref_slice %arg6[%dma_wait3A, %dma_wait3A_34] : memref<160x128xi32, #tpu.memory_space<vmem>> -> memref<1x128xi32, #tpu.memory_space<vmem>>
    %dma_wait3A_36 = tpu.memref_squeeze %dma_wait3A_35 : memref<1x128xi32, #tpu.memory_space<vmem>> -> memref<128xi32, #tpu.memory_space<vmem>>
    %dma_wait3A_37 = arith.constant 0 : i32
    %dma_wait3A_38 = arith.constant 0 : i32
    %dma_wait3A_39 = tpu.memref_slice %arg2[%dma_wait3A_37, %dma_wait3A_38] : memref<20000x64xf32, #tpu.memory_space<hbm>> -> memref<20000x64xf32, #tpu.memory_space<hbm>>
    tpu.wait_indirect_dma semaphore(%arg11 : memref<!tpu.dma_semaphore, #tpu.memory_space<semaphore_mem>>) src(%dma_wait3A_39 : memref<20000x64xf32, #tpu.memory_space<hbm>>) dst(%arg8 : memref<128x64xf32, #tpu.memory_space<vmem>>)
    %dma_start3A_40 = arith.constant 0 : i32
    %dma_start3A_41 = arith.constant 0 : i32
    %dma_start3A_42 = tpu.memref_slice %arg7[%dma_start3A_40, %dma_start3A_41] : memref<160x128xi32, #tpu.memory_space<vmem>> -> memref<1x128xi32, #tpu.memory_space<vmem>>
    %dma_start3A_43 = tpu.memref_squeeze %dma_start3A_42 : memref<1x128xi32, #tpu.memory_space<vmem>> -> memref<128xi32, #tpu.memory_space<vmem>>
    %dma_start3A_44 = arith.constant 0 : i32
    %dma_start3A_45 = arith.constant 0 : i32
    %dma_start3A_46 = tpu.memref_slice %arg10[%dma_start3A_44, %dma_start3A_45] : memref<10240x64xf32, #tpu.memory_space<vmem_shared>> -> memref<10240x64xf32, #tpu.memory_space<vmem_shared>>
    tpu.enqueue_indirect_dma source(%arg8 : memref<128x64xf32, #tpu.memory_space<vmem>>) target(%dma_start3A_46 : memref<10240x64xf32, #tpu.memory_space<vmem_shared>>) offsets(%dma_start3A_43 : memref<128xi32, #tpu.memory_space<vmem>>) semaphore(%arg13 : memref<!tpu.dma_semaphore, #tpu.memory_space<semaphore_mem>>) {add = true}
    %dma_start3A_47 = arith.constant 1 : i32
    %dma_start3A_48 = arith.constant 0 : i32
    %dma_start3A_49 = tpu.memref_slice %arg6[%dma_start3A_47, %dma_start3A_48] : memref<160x128xi32, #tpu.memory_space<vmem>> -> memref<1x128xi32, #tpu.memory_space<vmem>>
    %dma_start3A_50 = tpu.memref_squeeze %dma_start3A_49 : memref<1x128xi32, #tpu.memory_space<vmem>> -> memref<128xi32, #tpu.memory_space<vmem>>
    %dma_start3A_51 = arith.constant 0 : i32
    %dma_start3A_52 = arith.constant 0 : i32
    %dma_start3A_53 = tpu.memref_slice %arg2[%dma_start3A_51, %dma_start3A_52] : memref<20000x64xf32, #tpu.memory_space<hbm>> -> memref<20000x64xf32, #tpu.memory_space<hbm>>
    tpu.enqueue_indirect_dma source(%dma_start3A_53 : memref<20000x64xf32, #tpu.memory_space<hbm>>) target(%arg9 : memref<128x64xf32, #tpu.memory_space<vmem>>) offsets(%dma_start3A_50 : memref<128xi32, #tpu.memory_space<vmem>>) semaphore(%arg12 : memref<!tpu.dma_semaphore, #tpu.memory_space<semaphore_mem>>)
    %dma_wait3A_54 = arith.constant 1 : i32
    %dma_wait3A_55 = arith.constant 0 : i32
    %dma_wait3A_56 = tpu.memref_slice %arg6[%dma_wait3A_54, %dma_wait3A_55] : memref<160x128xi32, #tpu.memory_space<vmem>> -> memref<1x128xi32, #tpu.memory_space<vmem>>
    %dma_wait3A_57 = tpu.memref_squeeze %dma_wait3A_56 : memref<1x128xi32, #tpu.memory_space<vmem>> -> memref<128xi32, #tpu.memory_space<vmem>>
    %dma_wait3A_58 = arith.constant 0 : i32
    %dma_wait3A_59 = arith.constant 0 : i32
    %dma_wait3A_60 = tpu.memref_slice %arg2[%dma_wait3A_58, %dma_wait3A_59] : memref<20000x64xf32, #tpu.memory_space<hbm>> -> memref<20000x64xf32, #tpu.memory_space<hbm>>
    tpu.wait_indirect_dma semaphore(%arg12 : memref<!tpu.dma_semaphore, #tpu.memory_space<semaphore_mem>>) src(%dma_wait3A_60 : memref<20000x64xf32, #tpu.memory_space<hbm>>) dst(%arg9 : memref<128x64xf32, #tpu.memory_space<vmem>>)
    %dma_start3A_61 = arith.constant 1 : i32
    %dma_start3A_62 = arith.constant 0 : i32
    %dma_start3A_63 = tpu.memref_slice %arg7[%dma_start3A_61, %dma_start3A_62] : memref<160x128xi32, #tpu.memory_space<vmem>> -> memref<1x128xi32, #tpu.memory_space<vmem>>
    %dma_start3A_64 = tpu.memref_squeeze %dma_start3A_63 : memref<1x128xi32, #tpu.memory_space<vmem>> -> memref<128xi32, #tpu.memory_space<vmem>>
    %dma_start3A_65 = arith.constant 0 : i32
    %dma_start3A_66 = arith.constant 0 : i32
    %dma_start3A_67 = tpu.memref_slice %arg10[%dma_start3A_65, %dma_start3A_66] : memref<10240x64xf32, #tpu.memory_space<vmem_shared>> -> memref<10240x64xf32, #tpu.memory_space<vmem_shared>>
    tpu.enqueue_indirect_dma source(%arg9 : memref<128x64xf32, #tpu.memory_space<vmem>>) target(%dma_start3A_67 : memref<10240x64xf32, #tpu.memory_space<vmem_shared>>) offsets(%dma_start3A_64 : memref<128xi32, #tpu.memory_space<vmem>>) semaphore(%arg14 : memref<!tpu.dma_semaphore, #tpu.memory_space<semaphore_mem>>) {add = true}
    %dma_wait3A_68 = arith.constant 0 : i32
    %dma_wait3A_69 = arith.constant 0 : i32
    %dma_wait3A_70 = tpu.memref_slice %arg7[%dma_wait3A_68, %dma_wait3A_69] : memref<160x128xi32, #tpu.memory_space<vmem>> -> memref<1x128xi32, #tpu.memory_space<vmem>>
    %dma_wait3A_71 = tpu.memref_squeeze %dma_wait3A_70 : memref<1x128xi32, #tpu.memory_space<vmem>> -> memref<128xi32, #tpu.memory_space<vmem>>
    %dma_wait3A_72 = arith.constant 0 : i32
    %dma_wait3A_73 = arith.constant 0 : i32
    %dma_wait3A_74 = tpu.memref_slice %arg10[%dma_wait3A_72, %dma_wait3A_73] : memref<10240x64xf32, #tpu.memory_space<vmem_shared>> -> memref<10240x64xf32, #tpu.memory_space<vmem_shared>>
    tpu.wait_indirect_dma semaphore(%arg13 : memref<!tpu.dma_semaphore, #tpu.memory_space<semaphore_mem>>) src(%arg8 : memref<128x64xf32, #tpu.memory_space<vmem>>) dst(%dma_wait3A_74 : memref<10240x64xf32, #tpu.memory_space<vmem_shared>>)
    %dma_start3A_75 = arith.constant 2 : i32
    %dma_start3A_76 = arith.constant 0 : i32
    %dma_start3A_77 = tpu.memref_slice %arg6[%dma_start3A_75, %dma_start3A_76] : memref<160x128xi32, #tpu.memory_space<vmem>> -> memref<1x128xi32, #tpu.memory_space<vmem>>
    %dma_start3A_78 = tpu.memref_squeeze %dma_start3A_77 : memref<1x128xi32, #tpu.memory_space<vmem>> -> memref<128xi32, #tpu.memory_space<vmem>>
    %dma_start3A_79 = arith.constant 0 : i32
    %dma_start3A_80 = arith.constant 0 : i32
    %dma_start3A_81 = tpu.memref_slice %arg2[%dma_start3A_79, %dma_start3A_80] : memref<20000x64xf32, #tpu.memory_space<hbm>> -> memref<20000x64xf32, #tpu.memory_space<hbm>>
    tpu.enqueue_indirect_dma source(%dma_start3A_81 : memref<20000x64xf32, #tpu.memory_space<hbm>>) target(%arg8 : memref<128x64xf32, #tpu.memory_space<vmem>>) offsets(%dma_start3A_78 : memref<128xi32, #tpu.memory_space<vmem>>) semaphore(%arg11 : memref<!tpu.dma_semaphore, #tpu.memory_space<semaphore_mem>>)
    %scan3A_82 = arith.constant 0 : i32
    %scan3A_83 = arith.constant 1 : i32
    %scan3A_84 = arith.constant 78 : i32
    %scan3A_85 = arith.addi %scan3A_83, %scan3A_84 : i32
    %scan3A_86 = arith.constant 1 : i32
    %scan3A_87 = scf.for %scan3A_153 = %scan3A_83 to %scan3A_85 step %scan3A_86 iter_args(%scan3A_154 = %scan3A_82) -> (i32)  : i32 {
      %mul3A_155 = arith.constant 2 : i32
      %mul3A_156 = arith.muli %scan3A_153, %mul3A_155 : i32
      %dma_wait3A_157 = arith.constant 0 : i32
      %dma_wait3A_158 = tpu.memref_slice %arg6[%mul3A_156, %dma_wait3A_157] : memref<160x128xi32, #tpu.memory_space<vmem>> -> memref<1x128xi32, #tpu.memory_space<vmem>>
      %dma_wait3A_159 = tpu.memref_squeeze %dma_wait3A_158 : memref<1x128xi32, #tpu.memory_space<vmem>> -> memref<128xi32, #tpu.memory_space<vmem>>
      %dma_wait3A_160 = arith.constant 0 : i32
      %dma_wait3A_161 = arith.constant 0 : i32
      %dma_wait3A_162 = tpu.memref_slice %arg2[%dma_wait3A_160, %dma_wait3A_161] : memref<20000x64xf32, #tpu.memory_space<hbm>> -> memref<20000x64xf32, #tpu.memory_space<hbm>>
      tpu.wait_indirect_dma semaphore(%arg11 : memref<!tpu.dma_semaphore, #tpu.memory_space<semaphore_mem>>) src(%dma_wait3A_162 : memref<20000x64xf32, #tpu.memory_space<hbm>>) dst(%arg8 : memref<128x64xf32, #tpu.memory_space<vmem>>)
      %dma_start3A_163 = arith.constant 0 : i32
      %dma_start3A_164 = tpu.memref_slice %arg7[%mul3A_156, %dma_start3A_163] : memref<160x128xi32, #tpu.memory_space<vmem>> -> memref<1x128xi32, #tpu.memory_space<vmem>>
      %dma_start3A_165 = tpu.memref_squeeze %dma_start3A_164 : memref<1x128xi32, #tpu.memory_space<vmem>> -> memref<128xi32, #tpu.memory_space<vmem>>
      %dma_start3A_166 = arith.constant 0 : i32
      %dma_start3A_167 = arith.constant 0 : i32
      %dma_start3A_168 = tpu.memref_slice %arg10[%dma_start3A_166, %dma_start3A_167] : memref<10240x64xf32, #tpu.memory_space<vmem_shared>> -> memref<10240x64xf32, #tpu.memory_space<vmem_shared>>
      tpu.enqueue_indirect_dma source(%arg8 : memref<128x64xf32, #tpu.memory_space<vmem>>) target(%dma_start3A_168 : memref<10240x64xf32, #tpu.memory_space<vmem_shared>>) offsets(%dma_start3A_165 : memref<128xi32, #tpu.memory_space<vmem>>) semaphore(%arg13 : memref<!tpu.dma_semaphore, #tpu.memory_space<semaphore_mem>>) {add = true}
      %sub3A = arith.constant 1 : i32
      %sub3A_169 = arith.subi %mul3A_156, %sub3A : i32
      %dma_wait3A_170 = arith.constant 0 : i32
      %dma_wait3A_171 = tpu.memref_slice %arg7[%sub3A_169, %dma_wait3A_170] : memref<160x128xi32, #tpu.memory_space<vmem>> -> memref<1x128xi32, #tpu.memory_space<vmem>>
      %dma_wait3A_172 = tpu.memref_squeeze %dma_wait3A_171 : memref<1x128xi32, #tpu.memory_space<vmem>> -> memref<128xi32, #tpu.memory_space<vmem>>
      %dma_wait3A_173 = arith.constant 0 : i32
      %dma_wait3A_174 = arith.constant 0 : i32
      %dma_wait3A_175 = tpu.memref_slice %arg10[%dma_wait3A_173, %dma_wait3A_174] : memref<10240x64xf32, #tpu.memory_space<vmem_shared>> -> memref<10240x64xf32, #tpu.memory_space<vmem_shared>>
      tpu.wait_indirect_dma semaphore(%arg14 : memref<!tpu.dma_semaphore, #tpu.memory_space<semaphore_mem>>) src(%arg9 : memref<128x64xf32, #tpu.memory_space<vmem>>) dst(%dma_wait3A_175 : memref<10240x64xf32, #tpu.memory_space<vmem_shared>>)
      %add3A_176 = arith.constant 1 : i32
      %add3A_177 = arith.addi %mul3A_156, %add3A_176 : i32
      %dma_start3A_178 = arith.constant 0 : i32
      %dma_start3A_179 = tpu.memref_slice %arg6[%add3A_177, %dma_start3A_178] : memref<160x128xi32, #tpu.memory_space<vmem>> -> memref<1x128xi32, #tpu.memory_space<vmem>>
      %dma_start3A_180 = tpu.memref_squeeze %dma_start3A_179 : memref<1x128xi32, #tpu.memory_space<vmem>> -> memref<128xi32, #tpu.memory_space<vmem>>
      %dma_start3A_181 = arith.constant 0 : i32
      %dma_start3A_182 = arith.constant 0 : i32
      %dma_start3A_183 = tpu.memref_slice %arg2[%dma_start3A_181, %dma_start3A_182] : memref<20000x64xf32, #tpu.memory_space<hbm>> -> memref<20000x64xf32, #tpu.memory_space<hbm>>
      tpu.enqueue_indirect_dma source(%dma_start3A_183 : memref<20000x64xf32, #tpu.memory_space<hbm>>) target(%arg9 : memref<128x64xf32, #tpu.memory_space<vmem>>) offsets(%dma_start3A_180 : memref<128xi32, #tpu.memory_space<vmem>>) semaphore(%arg12 : memref<!tpu.dma_semaphore, #tpu.memory_space<semaphore_mem>>)
      %add3A_184 = arith.constant 1 : i32
      %add3A_185 = arith.addi %mul3A_156, %add3A_184 : i32
      %dma_wait3A_186 = arith.constant 0 : i32
      %dma_wait3A_187 = tpu.memref_slice %arg6[%add3A_185, %dma_wait3A_186] : memref<160x128xi32, #tpu.memory_space<vmem>> -> memref<1x128xi32, #tpu.memory_space<vmem>>
      %dma_wait3A_188 = tpu.memref_squeeze %dma_wait3A_187 : memref<1x128xi32, #tpu.memory_space<vmem>> -> memref<128xi32, #tpu.memory_space<vmem>>
      %dma_wait3A_189 = arith.constant 0 : i32
      %dma_wait3A_190 = arith.constant 0 : i32
      %dma_wait3A_191 = tpu.memref_slice %arg2[%dma_wait3A_189, %dma_wait3A_190] : memref<20000x64xf32, #tpu.memory_space<hbm>> -> memref<20000x64xf32, #tpu.memory_space<hbm>>
      tpu.wait_indirect_dma semaphore(%arg12 : memref<!tpu.dma_semaphore, #tpu.memory_space<semaphore_mem>>) src(%dma_wait3A_191 : memref<20000x64xf32, #tpu.memory_space<hbm>>) dst(%arg9 : memref<128x64xf32, #tpu.memory_space<vmem>>)
      %dma_start3A_192 = arith.constant 0 : i32
      %dma_start3A_193 = tpu.memref_slice %arg7[%add3A_185, %dma_start3A_192] : memref<160x128xi32, #tpu.memory_space<vmem>> -> memref<1x128xi32, #tpu.memory_space<vmem>>
      %dma_start3A_194 = tpu.memref_squeeze %dma_start3A_193 : memref<1x128xi32, #tpu.memory_space<vmem>> -> memref<128xi32, #tpu.memory_space<vmem>>
      %dma_start3A_195 = arith.constant 0 : i32
      %dma_start3A_196 = arith.constant 0 : i32
      %dma_start3A_197 = tpu.memref_slice %arg10[%dma_start3A_195, %dma_start3A_196] : memref<10240x64xf32, #tpu.memory_space<vmem_shared>> -> memref<10240x64xf32, #tpu.memory_space<vmem_shared>>
      tpu.enqueue_indirect_dma source(%arg9 : memref<128x64xf32, #tpu.memory_space<vmem>>) target(%dma_start3A_197 : memref<10240x64xf32, #tpu.memory_space<vmem_shared>>) offsets(%dma_start3A_194 : memref<128xi32, #tpu.memory_space<vmem>>) semaphore(%arg14 : memref<!tpu.dma_semaphore, #tpu.memory_space<semaphore_mem>>) {add = true}
      %sub3A_198 = arith.constant 1 : i32
      %sub3A_199 = arith.subi %add3A_185, %sub3A_198 : i32
      %dma_wait3A_200 = arith.constant 0 : i32
      %dma_wait3A_201 = tpu.memref_slice %arg7[%sub3A_199, %dma_wait3A_200] : memref<160x128xi32, #tpu.memory_space<vmem>> -> memref<1x128xi32, #tpu.memory_space<vmem>>
      %dma_wait3A_202 = tpu.memref_squeeze %dma_wait3A_201 : memref<1x128xi32, #tpu.memory_space<vmem>> -> memref<128xi32, #tpu.memory_space<vmem>>
      %dma_wait3A_203 = arith.constant 0 : i32
      %dma_wait3A_204 = arith.constant 0 : i32
      %dma_wait3A_205 = tpu.memref_slice %arg10[%dma_wait3A_203, %dma_wait3A_204] : memref<10240x64xf32, #tpu.memory_space<vmem_shared>> -> memref<10240x64xf32, #tpu.memory_space<vmem_shared>>
      tpu.wait_indirect_dma semaphore(%arg13 : memref<!tpu.dma_semaphore, #tpu.memory_space<semaphore_mem>>) src(%arg8 : memref<128x64xf32, #tpu.memory_space<vmem>>) dst(%dma_wait3A_205 : memref<10240x64xf32, #tpu.memory_space<vmem_shared>>)
      %add3A_206 = arith.constant 1 : i32
      %add3A_207 = arith.addi %add3A_185, %add3A_206 : i32
      %dma_start3A_208 = arith.constant 0 : i32
      %dma_start3A_209 = tpu.memref_slice %arg6[%add3A_207, %dma_start3A_208] : memref<160x128xi32, #tpu.memory_space<vmem>> -> memref<1x128xi32, #tpu.memory_space<vmem>>
      %dma_start3A_210 = tpu.memref_squeeze %dma_start3A_209 : memref<1x128xi32, #tpu.memory_space<vmem>> -> memref<128xi32, #tpu.memory_space<vmem>>
      %dma_start3A_211 = arith.constant 0 : i32
      %dma_start3A_212 = arith.constant 0 : i32
      %dma_start3A_213 = tpu.memref_slice %arg2[%dma_start3A_211, %dma_start3A_212] : memref<20000x64xf32, #tpu.memory_space<hbm>> -> memref<20000x64xf32, #tpu.memory_space<hbm>>
      tpu.enqueue_indirect_dma source(%dma_start3A_213 : memref<20000x64xf32, #tpu.memory_space<hbm>>) target(%arg8 : memref<128x64xf32, #tpu.memory_space<vmem>>) offsets(%dma_start3A_210 : memref<128xi32, #tpu.memory_space<vmem>>) semaphore(%arg11 : memref<!tpu.dma_semaphore, #tpu.memory_space<semaphore_mem>>)
      %scan3A_214 = arith.constant 0 : i32
      scf.yield %scan3A_214 : i32
    }
    %scan3A_88 = arith.constant 78 : i32
    %dma_wait3A_89 = arith.constant 158 : i32
    %dma_wait3A_90 = arith.constant 0 : i32
    %dma_wait3A_91 = tpu.memref_slice %arg6[%dma_wait3A_89, %dma_wait3A_90] : memref<160x128xi32, #tpu.memory_space<vmem>> -> memref<1x128xi32, #tpu.memory_space<vmem>>
    %dma_wait3A_92 = tpu.memref_squeeze %dma_wait3A_91 : memref<1x128xi32, #tpu.memory_space<vmem>> -> memref<128xi32, #tpu.memory_space<vmem>>
    %dma_wait3A_93 = arith.constant 0 : i32
    %dma_wait3A_94 = arith.constant 0 : i32
    %dma_wait3A_95 = tpu.memref_slice %arg2[%dma_wait3A_93, %dma_wait3A_94] : memref<20000x64xf32, #tpu.memory_space<hbm>> -> memref<20000x64xf32, #tpu.memory_space<hbm>>
    tpu.wait_indirect_dma semaphore(%arg11 : memref<!tpu.dma_semaphore, #tpu.memory_space<semaphore_mem>>) src(%dma_wait3A_95 : memref<20000x64xf32, #tpu.memory_space<hbm>>) dst(%arg8 : memref<128x64xf32, #tpu.memory_space<vmem>>)
    %dma_start3A_96 = arith.constant 158 : i32
    %dma_start3A_97 = arith.constant 0 : i32
    %dma_start3A_98 = tpu.memref_slice %arg7[%dma_start3A_96, %dma_start3A_97] : memref<160x128xi32, #tpu.memory_space<vmem>> -> memref<1x128xi32, #tpu.memory_space<vmem>>
    %dma_start3A_99 = tpu.memref_squeeze %dma_start3A_98 : memref<1x128xi32, #tpu.memory_space<vmem>> -> memref<128xi32, #tpu.memory_space<vmem>>
    %dma_start3A_100 = arith.constant 0 : i32
    %dma_start3A_101 = arith.constant 0 : i32
    %dma_start3A_102 = tpu.memref_slice %arg10[%dma_start3A_100, %dma_start3A_101] : memref<10240x64xf32, #tpu.memory_space<vmem_shared>> -> memref<10240x64xf32, #tpu.memory_space<vmem_shared>>
    tpu.enqueue_indirect_dma source(%arg8 : memref<128x64xf32, #tpu.memory_space<vmem>>) target(%dma_start3A_102 : memref<10240x64xf32, #tpu.memory_space<vmem_shared>>) offsets(%dma_start3A_99 : memref<128xi32, #tpu.memory_space<vmem>>) semaphore(%arg13 : memref<!tpu.dma_semaphore, #tpu.memory_space<semaphore_mem>>) {add = true}
    %dma_wait3A_103 = arith.constant 157 : i32
    %dma_wait3A_104 = arith.constant 0 : i32
    %dma_wait3A_105 = tpu.memref_slice %arg7[%dma_wait3A_103, %dma_wait3A_104] : memref<160x128xi32, #tpu.memory_space<vmem>> -> memref<1x128xi32, #tpu.memory_space<vmem>>
    %dma_wait3A_106 = tpu.memref_squeeze %dma_wait3A_105 : memref<1x128xi32, #tpu.memory_space<vmem>> -> memref<128xi32, #tpu.memory_space<vmem>>
    %dma_wait3A_107 = arith.constant 0 : i32
    %dma_wait3A_108 = arith.constant 0 : i32
    %dma_wait3A_109 = tpu.memref_slice %arg10[%dma_wait3A_107, %dma_wait3A_108] : memref<10240x64xf32, #tpu.memory_space<vmem_shared>> -> memref<10240x64xf32, #tpu.memory_space<vmem_shared>>
    tpu.wait_indirect_dma semaphore(%arg14 : memref<!tpu.dma_semaphore, #tpu.memory_space<semaphore_mem>>) src(%arg9 : memref<128x64xf32, #tpu.memory_space<vmem>>) dst(%dma_wait3A_109 : memref<10240x64xf32, #tpu.memory_space<vmem_shared>>)
    %dma_start3A_110 = arith.constant 159 : i32
    %dma_start3A_111 = arith.constant 0 : i32
    %dma_start3A_112 = tpu.memref_slice %arg6[%dma_start3A_110, %dma_start3A_111] : memref<160x128xi32, #tpu.memory_space<vmem>> -> memref<1x128xi32, #tpu.memory_space<vmem>>
    %dma_start3A_113 = tpu.memref_squeeze %dma_start3A_112 : memref<1x128xi32, #tpu.memory_space<vmem>> -> memref<128xi32, #tpu.memory_space<vmem>>
    %dma_start3A_114 = arith.constant 0 : i32
    %dma_start3A_115 = arith.constant 0 : i32
    %dma_start3A_116 = tpu.memref_slice %arg2[%dma_start3A_114, %dma_start3A_115] : memref<20000x64xf32, #tpu.memory_space<hbm>> -> memref<20000x64xf32, #tpu.memory_space<hbm>>
    tpu.enqueue_indirect_dma source(%dma_start3A_116 : memref<20000x64xf32, #tpu.memory_space<hbm>>) target(%arg9 : memref<128x64xf32, #tpu.memory_space<vmem>>) offsets(%dma_start3A_113 : memref<128xi32, #tpu.memory_space<vmem>>) semaphore(%arg12 : memref<!tpu.dma_semaphore, #tpu.memory_space<semaphore_mem>>)
    %dma_wait3A_117 = arith.constant 159 : i32
    %dma_wait3A_118 = arith.constant 0 : i32
    %dma_wait3A_119 = tpu.memref_slice %arg6[%dma_wait3A_117, %dma_wait3A_118] : memref<160x128xi32, #tpu.memory_space<vmem>> -> memref<1x128xi32, #tpu.memory_space<vmem>>
    %dma_wait3A_120 = tpu.memref_squeeze %dma_wait3A_119 : memref<1x128xi32, #tpu.memory_space<vmem>> -> memref<128xi32, #tpu.memory_space<vmem>>
    %dma_wait3A_121 = arith.constant 0 : i32
    %dma_wait3A_122 = arith.constant 0 : i32
    %dma_wait3A_123 = tpu.memref_slice %arg2[%dma_wait3A_121, %dma_wait3A_122] : memref<20000x64xf32, #tpu.memory_space<hbm>> -> memref<20000x64xf32, #tpu.memory_space<hbm>>
    tpu.wait_indirect_dma semaphore(%arg12 : memref<!tpu.dma_semaphore, #tpu.memory_space<semaphore_mem>>) src(%dma_wait3A_123 : memref<20000x64xf32, #tpu.memory_space<hbm>>) dst(%arg9 : memref<128x64xf32, #tpu.memory_space<vmem>>)
    %dma_start3A_124 = arith.constant 159 : i32
    %dma_start3A_125 = arith.constant 0 : i32
    %dma_start3A_126 = tpu.memref_slice %arg7[%dma_start3A_124, %dma_start3A_125] : memref<160x128xi32, #tpu.memory_space<vmem>> -> memref<1x128xi32, #tpu.memory_space<vmem>>
    %dma_start3A_127 = tpu.memref_squeeze %dma_start3A_126 : memref<1x128xi32, #tpu.memory_space<vmem>> -> memref<128xi32, #tpu.memory_space<vmem>>
    %dma_start3A_128 = arith.constant 0 : i32
    %dma_start3A_129 = arith.constant 0 : i32
    %dma_start3A_130 = tpu.memref_slice %arg10[%dma_start3A_128, %dma_start3A_129] : memref<10240x64xf32, #tpu.memory_space<vmem_shared>> -> memref<10240x64xf32, #tpu.memory_space<vmem_shared>>
    tpu.enqueue_indirect_dma source(%arg9 : memref<128x64xf32, #tpu.memory_space<vmem>>) target(%dma_start3A_130 : memref<10240x64xf32, #tpu.memory_space<vmem_shared>>) offsets(%dma_start3A_127 : memref<128xi32, #tpu.memory_space<vmem>>) semaphore(%arg14 : memref<!tpu.dma_semaphore, #tpu.memory_space<semaphore_mem>>) {add = true}
    %dma_wait3A_131 = arith.constant 158 : i32
    %dma_wait3A_132 = arith.constant 0 : i32
    %dma_wait3A_133 = tpu.memref_slice %arg7[%dma_wait3A_131, %dma_wait3A_132] : memref<160x128xi32, #tpu.memory_space<vmem>> -> memref<1x128xi32, #tpu.memory_space<vmem>>
    %dma_wait3A_134 = tpu.memref_squeeze %dma_wait3A_133 : memref<1x128xi32, #tpu.memory_space<vmem>> -> memref<128xi32, #tpu.memory_space<vmem>>
    %dma_wait3A_135 = arith.constant 0 : i32
    %dma_wait3A_136 = arith.constant 0 : i32
    %dma_wait3A_137 = tpu.memref_slice %arg10[%dma_wait3A_135, %dma_wait3A_136] : memref<10240x64xf32, #tpu.memory_space<vmem_shared>> -> memref<10240x64xf32, #tpu.memory_space<vmem_shared>>
    tpu.wait_indirect_dma semaphore(%arg13 : memref<!tpu.dma_semaphore, #tpu.memory_space<semaphore_mem>>) src(%arg8 : memref<128x64xf32, #tpu.memory_space<vmem>>) dst(%dma_wait3A_137 : memref<10240x64xf32, #tpu.memory_space<vmem_shared>>)
    %dma_wait3A_138 = arith.constant 159 : i32
    %dma_wait3A_139 = arith.constant 0 : i32
    %dma_wait3A_140 = tpu.memref_slice %arg7[%dma_wait3A_138, %dma_wait3A_139] : memref<160x128xi32, #tpu.memory_space<vmem>> -> memref<1x128xi32, #tpu.memory_space<vmem>>
    %dma_wait3A_141 = tpu.memref_squeeze %dma_wait3A_140 : memref<1x128xi32, #tpu.memory_space<vmem>> -> memref<128xi32, #tpu.memory_space<vmem>>
    %dma_wait3A_142 = arith.constant 0 : i32
    %dma_wait3A_143 = arith.constant 0 : i32
    %dma_wait3A_144 = tpu.memref_slice %arg10[%dma_wait3A_142, %dma_wait3A_143] : memref<10240x64xf32, #tpu.memory_space<vmem_shared>> -> memref<10240x64xf32, #tpu.memory_space<vmem_shared>>
    tpu.wait_indirect_dma semaphore(%arg14 : memref<!tpu.dma_semaphore, #tpu.memory_space<semaphore_mem>>) src(%arg9 : memref<128x64xf32, #tpu.memory_space<vmem>>) dst(%dma_wait3A_144 : memref<10240x64xf32, #tpu.memory_space<vmem_shared>>)
    %barrier3A_145 = arith.constant 0 : index
    tpu.barrier barrier_id(%barrier3A_145)
    %mul3A_146 = arith.constant 640 : i32
    %mul3A_147 = arith.muli %arg1, %mul3A_146 : i32
    %mul3A_148 = arith.constant 10240 : i32
    %mul3A_149 = arith.muli %arg0, %mul3A_148 : i32
    %mul3A_150 = arith.constant 640 : i32
    %mul3A_151 = arith.muli %arg1, %mul3A_150 : i32
    %add3A_152 = arith.addi %mul3A_149, %mul3A_151 : i32
    "tpu.region"() ({
      %run_scoped3A = tpu.sem_alloc : memref<!tpu.dma_semaphore, #tpu.memory_space<semaphore_mem>>
      %dma_start3A_153 = arith.constant 0 : i32
      %dma_start3A_154 = tpu.memref_slice %arg5[%add3A_152, %dma_start3A_153] : memref<20480x64xf32, #tpu.memory_space<hbm>> -> memref<640x64xf32, #tpu.memory_space<hbm>>
      %dma_start3A_155 = arith.constant 0 : i32
      %dma_start3A_156 = tpu.memref_slice %arg10[%mul3A_147, %dma_start3A_155] : memref<10240x64xf32, #tpu.memory_space<vmem_shared>> -> memref<640x64xf32, #tpu.memory_space<vmem_shared>>
      tpu.enqueue_dma source(%dma_start3A_156 : memref<640x64xf32, #tpu.memory_space<vmem_shared>>) target(%dma_start3A_154 : memref<640x64xf32, #tpu.memory_space<hbm>>) target_semaphore(%run_scoped3A : memref<!tpu.dma_semaphore, #tpu.memory_space<semaphore_mem>>)
      %dma_wait3A_157 = arith.constant 0 : i32
      %dma_wait3A_158 = tpu.memref_slice %arg5[%add3A_152, %dma_wait3A_157] : memref<20480x64xf32, #tpu.memory_space<hbm>> -> memref<640x64xf32, #tpu.memory_space<hbm>>
      %dma_wait3A_159 = arith.constant 0 : i32
      %dma_wait3A_160 = tpu.memref_slice %arg10[%mul3A_147, %dma_wait3A_159] : memref<10240x64xf32, #tpu.memory_space<vmem_shared>> -> memref<640x64xf32, #tpu.memory_space<vmem_shared>>
      tpu.wait_dma2 semaphore(%run_scoped3A : memref<!tpu.dma_semaphore, #tpu.memory_space<semaphore_mem>>) src(%dma_wait3A_160 : memref<640x64xf32, #tpu.memory_space<vmem_shared>>) dst(%dma_wait3A_158 : memref<640x64xf32, #tpu.memory_space<hbm>>)
      tpu.yield
    }) : () -> ()
    return
  }
}

#map = affine_map<(d0, d1) -> (0, 0)>
#map1 = affine_map<(d0, d1) -> (0)>
module attributes {stable_mosaic.version = 14 : i64} {
  func.func @_deg_kernel(%arg0: i32, %arg1: i32, %arg2: memref<2560x128xi32, #tpu.memory_space<hbm>>, %arg3: memref<20480xf32, #tpu.memory_space<hbm>>, %arg4: memref<80x128xi32, #tpu.memory_space<vmem>>, %arg5: memref<128xf32, #tpu.memory_space<vmem>>, %arg6: memref<640xf32, #tpu.memory_space<vmem>>, %arg7: memref<10240xf32, #tpu.memory_space<vmem_shared>>, %arg8: memref<!tpu.dma_semaphore, #tpu.memory_space<semaphore_mem>>, %arg9: memref<!tpu.dma_semaphore, #tpu.memory_space<semaphore_mem>>) attributes {dimension_semantics = [#tpu.dimension_semantics<core_parallel>, #tpu.dimension_semantics<subcore_parallel>], iteration_bounds = array<i64: 2, 16>, scalar_prefetch = 0 : i64, scratch_operands = 6 : i64, tpu.core_type = #tpu.core_type<sc_vector_subcore>, window_params = [{transform_indices = #map}, {transform_indices = #map1}]} {
    %mul3A = arith.constant 2 : i32
    %mul3A_0 = arith.muli %arg1, %mul3A : i32
    %add3A = arith.addi %mul3A_0, %arg0 : i32
    %mul3A_1 = arith.constant 80 : i32
    %mul3A_2 = arith.muli %add3A, %mul3A_1 : i32
    "tpu.region"() ({
      %run_scoped3A = tpu.sem_alloc : memref<!tpu.dma_semaphore, #tpu.memory_space<semaphore_mem>>
      %dma_start3A_327 = arith.constant 0 : i32
      %dma_start3A_328 = tpu.memref_slice %arg2[%mul3A_2, %dma_start3A_327] : memref<2560x128xi32, #tpu.memory_space<hbm>> -> memref<80x128xi32, #tpu.memory_space<hbm>>
      %dma_start3A_329 = arith.constant 0 : i32
      %dma_start3A_330 = tpu.memref_slice %arg2[%mul3A_2, %dma_start3A_329] : memref<2560x128xi32, #tpu.memory_space<hbm>> -> memref<80x128xi32, #tpu.memory_space<hbm>>
      tpu.enqueue_dma source(%dma_start3A_330 : memref<80x128xi32, #tpu.memory_space<hbm>>) target(%arg4 : memref<80x128xi32, #tpu.memory_space<vmem>>) target_semaphore(%run_scoped3A : memref<!tpu.dma_semaphore, #tpu.memory_space<semaphore_mem>>)
      %dma_wait3A_331 = arith.constant 0 : i32
      %dma_wait3A_332 = tpu.memref_slice %arg2[%mul3A_2, %dma_wait3A_331] : memref<2560x128xi32, #tpu.memory_space<hbm>> -> memref<80x128xi32, #tpu.memory_space<hbm>>
      %dma_wait3A_333 = arith.constant 0 : i32
      %dma_wait3A_334 = tpu.memref_slice %arg2[%mul3A_2, %dma_wait3A_333] : memref<2560x128xi32, #tpu.memory_space<hbm>> -> memref<80x128xi32, #tpu.memory_space<hbm>>
      tpu.wait_dma2 semaphore(%run_scoped3A : memref<!tpu.dma_semaphore, #tpu.memory_space<semaphore_mem>>) src(%dma_wait3A_334 : memref<80x128xi32, #tpu.memory_space<hbm>>) dst(%arg4 : memref<80x128xi32, #tpu.memory_space<vmem>>)
      tpu.yield
    }) : () -> ()
    %broadcast_in_dim3A = arith.constant 1.000000e+00 : f32
    %broadcast_in_dim3A_3 = vector.broadcast %broadcast_in_dim3A : f32 to vector<16xf32>
    %swap3A = arith.constant 0 : index
    %swap3A_4 = tpu.vector_load %arg5[%swap3A] {strides = array<i32>} : memref<128xf32, #tpu.memory_space<vmem>>, vector<16xf32>,
    %swap3A_5 = vector.shape_cast %swap3A_4 : vector<16xf32> to vector<16xf32>
    %swap3A_6 = vector.shape_cast %broadcast_in_dim3A_3 : vector<16xf32> to vector<16xf32>
    tpu.vector_store %arg5[%swap3A], %swap3A_6 {strides = array<i32>} : memref<128xf32, #tpu.memory_space<vmem>>, vector<16xf32>,
    %broadcast_in_dim3A_7 = arith.constant 1.000000e+00 : f32
    %broadcast_in_dim3A_8 = vector.broadcast %broadcast_in_dim3A_7 : f32 to vector<16xf32>
    %swap3A_9 = arith.constant 16 : index
    %swap3A_10 = tpu.vector_load %arg5[%swap3A_9] {strides = array<i32>} : memref<128xf32, #tpu.memory_space<vmem>>, vector<16xf32>,
    %swap3A_11 = vector.shape_cast %swap3A_10 : vector<16xf32> to vector<16xf32>
    %swap3A_12 = vector.shape_cast %broadcast_in_dim3A_8 : vector<16xf32> to vector<16xf32>
    tpu.vector_store %arg5[%swap3A_9], %swap3A_12 {strides = array<i32>} : memref<128xf32, #tpu.memory_space<vmem>>, vector<16xf32>,
    %broadcast_in_dim3A_13 = arith.constant 1.000000e+00 : f32
    %broadcast_in_dim3A_14 = vector.broadcast %broadcast_in_dim3A_13 : f32 to vector<16xf32>
    %swap3A_15 = arith.constant 32 : index
    %swap3A_16 = tpu.vector_load %arg5[%swap3A_15] {strides = array<i32>} : memref<128xf32, #tpu.memory_space<vmem>>, vector<16xf32>,
    %swap3A_17 = vector.shape_cast %swap3A_16 : vector<16xf32> to vector<16xf32>
    %swap3A_18 = vector.shape_cast %broadcast_in_dim3A_14 : vector<16xf32> to vector<16xf32>
    tpu.vector_store %arg5[%swap3A_15], %swap3A_18 {strides = array<i32>} : memref<128xf32, #tpu.memory_space<vmem>>, vector<16xf32>,
    %broadcast_in_dim3A_19 = arith.constant 1.000000e+00 : f32
    %broadcast_in_dim3A_20 = vector.broadcast %broadcast_in_dim3A_19 : f32 to vector<16xf32>
    %swap3A_21 = arith.constant 48 : index
    %swap3A_22 = tpu.vector_load %arg5[%swap3A_21] {strides = array<i32>} : memref<128xf32, #tpu.memory_space<vmem>>, vector<16xf32>,
    %swap3A_23 = vector.shape_cast %swap3A_22 : vector<16xf32> to vector<16xf32>
    %swap3A_24 = vector.shape_cast %broadcast_in_dim3A_20 : vector<16xf32> to vector<16xf32>
    tpu.vector_store %arg5[%swap3A_21], %swap3A_24 {strides = array<i32>} : memref<128xf32, #tpu.memory_space<vmem>>, vector<16xf32>,
    %broadcast_in_dim3A_25 = arith.constant 1.000000e+00 : f32
    %broadcast_in_dim3A_26 = vector.broadcast %broadcast_in_dim3A_25 : f32 to vector<16xf32>
    %swap3A_27 = arith.constant 64 : index
    %swap3A_28 = tpu.vector_load %arg5[%swap3A_27] {strides = array<i32>} : memref<128xf32, #tpu.memory_space<vmem>>, vector<16xf32>,
    %swap3A_29 = vector.shape_cast %swap3A_28 : vector<16xf32> to vector<16xf32>
    %swap3A_30 = vector.shape_cast %broadcast_in_dim3A_26 : vector<16xf32> to vector<16xf32>
    tpu.vector_store %arg5[%swap3A_27], %swap3A_30 {strides = array<i32>} : memref<128xf32, #tpu.memory_space<vmem>>, vector<16xf32>,
    %broadcast_in_dim3A_31 = arith.constant 1.000000e+00 : f32
    %broadcast_in_dim3A_32 = vector.broadcast %broadcast_in_dim3A_31 : f32 to vector<16xf32>
    %swap3A_33 = arith.constant 80 : index
    %swap3A_34 = tpu.vector_load %arg5[%swap3A_33] {strides = array<i32>} : memref<128xf32, #tpu.memory_space<vmem>>, vector<16xf32>,
    %swap3A_35 = vector.shape_cast %swap3A_34 : vector<16xf32> to vector<16xf32>
    %swap3A_36 = vector.shape_cast %broadcast_in_dim3A_32 : vector<16xf32> to vector<16xf32>
    tpu.vector_store %arg5[%swap3A_33], %swap3A_36 {strides = array<i32>} : memref<128xf32, #tpu.memory_space<vmem>>, vector<16xf32>,
    %broadcast_in_dim3A_37 = arith.constant 1.000000e+00 : f32
    %broadcast_in_dim3A_38 = vector.broadcast %broadcast_in_dim3A_37 : f32 to vector<16xf32>
    %swap3A_39 = arith.constant 96 : index
    %swap3A_40 = tpu.vector_load %arg5[%swap3A_39] {strides = array<i32>} : memref<128xf32, #tpu.memory_space<vmem>>, vector<16xf32>,
    %swap3A_41 = vector.shape_cast %swap3A_40 : vector<16xf32> to vector<16xf32>
    %swap3A_42 = vector.shape_cast %broadcast_in_dim3A_38 : vector<16xf32> to vector<16xf32>
    tpu.vector_store %arg5[%swap3A_39], %swap3A_42 {strides = array<i32>} : memref<128xf32, #tpu.memory_space<vmem>>, vector<16xf32>,
    %broadcast_in_dim3A_43 = arith.constant 1.000000e+00 : f32
    %broadcast_in_dim3A_44 = vector.broadcast %broadcast_in_dim3A_43 : f32 to vector<16xf32>
    %swap3A_45 = arith.constant 112 : index
    %swap3A_46 = tpu.vector_load %arg5[%swap3A_45] {strides = array<i32>} : memref<128xf32, #tpu.memory_space<vmem>>, vector<16xf32>,
    %swap3A_47 = vector.shape_cast %swap3A_46 : vector<16xf32> to vector<16xf32>
    %swap3A_48 = vector.shape_cast %broadcast_in_dim3A_44 : vector<16xf32> to vector<16xf32>
    tpu.vector_store %arg5[%swap3A_45], %swap3A_48 {strides = array<i32>} : memref<128xf32, #tpu.memory_space<vmem>>, vector<16xf32>,
    %broadcast_in_dim3A_49 = arith.constant 0.000000e+00 : f32
    %broadcast_in_dim3A_50 = vector.broadcast %broadcast_in_dim3A_49 : f32 to vector<16xf32>
    %swap3A_51 = arith.constant 0 : index
    %swap3A_52 = tpu.vector_load %arg6[%swap3A_51] {strides = array<i32>} : memref<640xf32, #tpu.memory_space<vmem>>, vector<16xf32>,
    %swap3A_53 = vector.shape_cast %swap3A_52 : vector<16xf32> to vector<16xf32>
    %swap3A_54 = vector.shape_cast %broadcast_in_dim3A_50 : vector<16xf32> to vector<16xf32>
    tpu.vector_store %arg6[%swap3A_51], %swap3A_54 {strides = array<i32>} : memref<640xf32, #tpu.memory_space<vmem>>, vector<16xf32>,
    %broadcast_in_dim3A_55 = arith.constant 0.000000e+00 : f32
    %broadcast_in_dim3A_56 = vector.broadcast %broadcast_in_dim3A_55 : f32 to vector<16xf32>
    %swap3A_57 = arith.constant 16 : index
    %swap3A_58 = tpu.vector_load %arg6[%swap3A_57] {strides = array<i32>} : memref<640xf32, #tpu.memory_space<vmem>>, vector<16xf32>,
    %swap3A_59 = vector.shape_cast %swap3A_58 : vector<16xf32> to vector<16xf32>
    %swap3A_60 = vector.shape_cast %broadcast_in_dim3A_56 : vector<16xf32> to vector<16xf32>
    tpu.vector_store %arg6[%swap3A_57], %swap3A_60 {strides = array<i32>} : memref<640xf32, #tpu.memory_space<vmem>>, vector<16xf32>,
    %broadcast_in_dim3A_61 = arith.constant 0.000000e+00 : f32
    %broadcast_in_dim3A_62 = vector.broadcast %broadcast_in_dim3A_61 : f32 to vector<16xf32>
    %swap3A_63 = arith.constant 32 : index
    %swap3A_64 = tpu.vector_load %arg6[%swap3A_63] {strides = array<i32>} : memref<640xf32, #tpu.memory_space<vmem>>, vector<16xf32>,
    %swap3A_65 = vector.shape_cast %swap3A_64 : vector<16xf32> to vector<16xf32>
    %swap3A_66 = vector.shape_cast %broadcast_in_dim3A_62 : vector<16xf32> to vector<16xf32>
    tpu.vector_store %arg6[%swap3A_63], %swap3A_66 {strides = array<i32>} : memref<640xf32, #tpu.memory_space<vmem>>, vector<16xf32>,
    %broadcast_in_dim3A_67 = arith.constant 0.000000e+00 : f32
    %broadcast_in_dim3A_68 = vector.broadcast %broadcast_in_dim3A_67 : f32 to vector<16xf32>
    %swap3A_69 = arith.constant 48 : index
    %swap3A_70 = tpu.vector_load %arg6[%swap3A_69] {strides = array<i32>} : memref<640xf32, #tpu.memory_space<vmem>>, vector<16xf32>,
    %swap3A_71 = vector.shape_cast %swap3A_70 : vector<16xf32> to vector<16xf32>
    %swap3A_72 = vector.shape_cast %broadcast_in_dim3A_68 : vector<16xf32> to vector<16xf32>
    tpu.vector_store %arg6[%swap3A_69], %swap3A_72 {strides = array<i32>} : memref<640xf32, #tpu.memory_space<vmem>>, vector<16xf32>,
    %broadcast_in_dim3A_73 = arith.constant 0.000000e+00 : f32
    %broadcast_in_dim3A_74 = vector.broadcast %broadcast_in_dim3A_73 : f32 to vector<16xf32>
    %swap3A_75 = arith.constant 64 : index
    %swap3A_76 = tpu.vector_load %arg6[%swap3A_75] {strides = array<i32>} : memref<640xf32, #tpu.memory_space<vmem>>, vector<16xf32>,
    %swap3A_77 = vector.shape_cast %swap3A_76 : vector<16xf32> to vector<16xf32>
    %swap3A_78 = vector.shape_cast %broadcast_in_dim3A_74 : vector<16xf32> to vector<16xf32>
    tpu.vector_store %arg6[%swap3A_75], %swap3A_78 {strides = array<i32>} : memref<640xf32, #tpu.memory_space<vmem>>, vector<16xf32>,
    %broadcast_in_dim3A_79 = arith.constant 0.000000e+00 : f32
    %broadcast_in_dim3A_80 = vector.broadcast %broadcast_in_dim3A_79 : f32 to vector<16xf32>
    %swap3A_81 = arith.constant 80 : index
    %swap3A_82 = tpu.vector_load %arg6[%swap3A_81] {strides = array<i32>} : memref<640xf32, #tpu.memory_space<vmem>>, vector<16xf32>,
    %swap3A_83 = vector.shape_cast %swap3A_82 : vector<16xf32> to vector<16xf32>
    %swap3A_84 = vector.shape_cast %broadcast_in_dim3A_80 : vector<16xf32> to vector<16xf32>
    tpu.vector_store %arg6[%swap3A_81], %swap3A_84 {strides = array<i32>} : memref<640xf32, #tpu.memory_space<vmem>>, vector<16xf32>,
    %broadcast_in_dim3A_85 = arith.constant 0.000000e+00 : f32
    %broadcast_in_dim3A_86 = vector.broadcast %broadcast_in_dim3A_85 : f32 to vector<16xf32>
    %swap3A_87 = arith.constant 96 : index
    %swap3A_88 = tpu.vector_load %arg6[%swap3A_87] {strides = array<i32>} : memref<640xf32, #tpu.memory_space<vmem>>, vector<16xf32>,
    %swap3A_89 = vector.shape_cast %swap3A_88 : vector<16xf32> to vector<16xf32>
    %swap3A_90 = vector.shape_cast %broadcast_in_dim3A_86 : vector<16xf32> to vector<16xf32>
    tpu.vector_store %arg6[%swap3A_87], %swap3A_90 {strides = array<i32>} : memref<640xf32, #tpu.memory_space<vmem>>, vector<16xf32>,
    %broadcast_in_dim3A_91 = arith.constant 0.000000e+00 : f32
    %broadcast_in_dim3A_92 = vector.broadcast %broadcast_in_dim3A_91 : f32 to vector<16xf32>
    %swap3A_93 = arith.constant 112 : index
    %swap3A_94 = tpu.vector_load %arg6[%swap3A_93] {strides = array<i32>} : memref<640xf32, #tpu.memory_space<vmem>>, vector<16xf32>,
    %swap3A_95 = vector.shape_cast %swap3A_94 : vector<16xf32> to vector<16xf32>
    %swap3A_96 = vector.shape_cast %broadcast_in_dim3A_92 : vector<16xf32> to vector<16xf32>
    tpu.vector_store %arg6[%swap3A_93], %swap3A_96 {strides = array<i32>} : memref<640xf32, #tpu.memory_space<vmem>>, vector<16xf32>,
    %broadcast_in_dim3A_97 = arith.constant 0.000000e+00 : f32
    %broadcast_in_dim3A_98 = vector.broadcast %broadcast_in_dim3A_97 : f32 to vector<16xf32>
    %swap3A_99 = arith.constant 128 : index
    %swap3A_100 = tpu.vector_load %arg6[%swap3A_99] {strides = array<i32>} : memref<640xf32, #tpu.memory_space<vmem>>, vector<16xf32>,
    %swap3A_101 = vector.shape_cast %swap3A_100 : vector<16xf32> to vector<16xf32>
    %swap3A_102 = vector.shape_cast %broadcast_in_dim3A_98 : vector<16xf32> to vector<16xf32>
    tpu.vector_store %arg6[%swap3A_99], %swap3A_102 {strides = array<i32>} : memref<640xf32, #tpu.memory_space<vmem>>, vector<16xf32>,
    %broadcast_in_dim3A_103 = arith.constant 0.000000e+00 : f32
    %broadcast_in_dim3A_104 = vector.broadcast %broadcast_in_dim3A_103 : f32 to vector<16xf32>
    %swap3A_105 = arith.constant 144 : index
    %swap3A_106 = tpu.vector_load %arg6[%swap3A_105] {strides = array<i32>} : memref<640xf32, #tpu.memory_space<vmem>>, vector<16xf32>,
    %swap3A_107 = vector.shape_cast %swap3A_106 : vector<16xf32> to vector<16xf32>
    %swap3A_108 = vector.shape_cast %broadcast_in_dim3A_104 : vector<16xf32> to vector<16xf32>
    tpu.vector_store %arg6[%swap3A_105], %swap3A_108 {strides = array<i32>} : memref<640xf32, #tpu.memory_space<vmem>>, vector<16xf32>,
    %broadcast_in_dim3A_109 = arith.constant 0.000000e+00 : f32
    %broadcast_in_dim3A_110 = vector.broadcast %broadcast_in_dim3A_109 : f32 to vector<16xf32>
    %swap3A_111 = arith.constant 160 : index
    %swap3A_112 = tpu.vector_load %arg6[%swap3A_111] {strides = array<i32>} : memref<640xf32, #tpu.memory_space<vmem>>, vector<16xf32>,
    %swap3A_113 = vector.shape_cast %swap3A_112 : vector<16xf32> to vector<16xf32>
    %swap3A_114 = vector.shape_cast %broadcast_in_dim3A_110 : vector<16xf32> to vector<16xf32>
    tpu.vector_store %arg6[%swap3A_111], %swap3A_114 {strides = array<i32>} : memref<640xf32, #tpu.memory_space<vmem>>, vector<16xf32>,
    %broadcast_in_dim3A_115 = arith.constant 0.000000e+00 : f32
    %broadcast_in_dim3A_116 = vector.broadcast %broadcast_in_dim3A_115 : f32 to vector<16xf32>
    %swap3A_117 = arith.constant 176 : index
    %swap3A_118 = tpu.vector_load %arg6[%swap3A_117] {strides = array<i32>} : memref<640xf32, #tpu.memory_space<vmem>>, vector<16xf32>,
    %swap3A_119 = vector.shape_cast %swap3A_118 : vector<16xf32> to vector<16xf32>
    %swap3A_120 = vector.shape_cast %broadcast_in_dim3A_116 : vector<16xf32> to vector<16xf32>
    tpu.vector_store %arg6[%swap3A_117], %swap3A_120 {strides = array<i32>} : memref<640xf32, #tpu.memory_space<vmem>>, vector<16xf32>,
    %broadcast_in_dim3A_121 = arith.constant 0.000000e+00 : f32
    %broadcast_in_dim3A_122 = vector.broadcast %broadcast_in_dim3A_121 : f32 to vector<16xf32>
    %swap3A_123 = arith.constant 192 : index
    %swap3A_124 = tpu.vector_load %arg6[%swap3A_123] {strides = array<i32>} : memref<640xf32, #tpu.memory_space<vmem>>, vector<16xf32>,
    %swap3A_125 = vector.shape_cast %swap3A_124 : vector<16xf32> to vector<16xf32>
    %swap3A_126 = vector.shape_cast %broadcast_in_dim3A_122 : vector<16xf32> to vector<16xf32>
    tpu.vector_store %arg6[%swap3A_123], %swap3A_126 {strides = array<i32>} : memref<640xf32, #tpu.memory_space<vmem>>, vector<16xf32>,
    %broadcast_in_dim3A_127 = arith.constant 0.000000e+00 : f32
    %broadcast_in_dim3A_128 = vector.broadcast %broadcast_in_dim3A_127 : f32 to vector<16xf32>
    %swap3A_129 = arith.constant 208 : index
    %swap3A_130 = tpu.vector_load %arg6[%swap3A_129] {strides = array<i32>} : memref<640xf32, #tpu.memory_space<vmem>>, vector<16xf32>,
    %swap3A_131 = vector.shape_cast %swap3A_130 : vector<16xf32> to vector<16xf32>
    %swap3A_132 = vector.shape_cast %broadcast_in_dim3A_128 : vector<16xf32> to vector<16xf32>
    tpu.vector_store %arg6[%swap3A_129], %swap3A_132 {strides = array<i32>} : memref<640xf32, #tpu.memory_space<vmem>>, vector<16xf32>,
    %broadcast_in_dim3A_133 = arith.constant 0.000000e+00 : f32
    %broadcast_in_dim3A_134 = vector.broadcast %broadcast_in_dim3A_133 : f32 to vector<16xf32>
    %swap3A_135 = arith.constant 224 : index
    %swap3A_136 = tpu.vector_load %arg6[%swap3A_135] {strides = array<i32>} : memref<640xf32, #tpu.memory_space<vmem>>, vector<16xf32>,
    %swap3A_137 = vector.shape_cast %swap3A_136 : vector<16xf32> to vector<16xf32>
    %swap3A_138 = vector.shape_cast %broadcast_in_dim3A_134 : vector<16xf32> to vector<16xf32>
    tpu.vector_store %arg6[%swap3A_135], %swap3A_138 {strides = array<i32>} : memref<640xf32, #tpu.memory_space<vmem>>, vector<16xf32>,
    %broadcast_in_dim3A_139 = arith.constant 0.000000e+00 : f32
    %broadcast_in_dim3A_140 = vector.broadcast %broadcast_in_dim3A_139 : f32 to vector<16xf32>
    %swap3A_141 = arith.constant 240 : index
    %swap3A_142 = tpu.vector_load %arg6[%swap3A_141] {strides = array<i32>} : memref<640xf32, #tpu.memory_space<vmem>>, vector<16xf32>,
    %swap3A_143 = vector.shape_cast %swap3A_142 : vector<16xf32> to vector<16xf32>
    %swap3A_144 = vector.shape_cast %broadcast_in_dim3A_140 : vector<16xf32> to vector<16xf32>
    tpu.vector_store %arg6[%swap3A_141], %swap3A_144 {strides = array<i32>} : memref<640xf32, #tpu.memory_space<vmem>>, vector<16xf32>,
    %broadcast_in_dim3A_145 = arith.constant 0.000000e+00 : f32
    %broadcast_in_dim3A_146 = vector.broadcast %broadcast_in_dim3A_145 : f32 to vector<16xf32>
    %swap3A_147 = arith.constant 256 : index
    %swap3A_148 = tpu.vector_load %arg6[%swap3A_147] {strides = array<i32>} : memref<640xf32, #tpu.memory_space<vmem>>, vector<16xf32>,
    %swap3A_149 = vector.shape_cast %swap3A_148 : vector<16xf32> to vector<16xf32>
    %swap3A_150 = vector.shape_cast %broadcast_in_dim3A_146 : vector<16xf32> to vector<16xf32>
    tpu.vector_store %arg6[%swap3A_147], %swap3A_150 {strides = array<i32>} : memref<640xf32, #tpu.memory_space<vmem>>, vector<16xf32>,
    %broadcast_in_dim3A_151 = arith.constant 0.000000e+00 : f32
    %broadcast_in_dim3A_152 = vector.broadcast %broadcast_in_dim3A_151 : f32 to vector<16xf32>
    %swap3A_153 = arith.constant 272 : index
    %swap3A_154 = tpu.vector_load %arg6[%swap3A_153] {strides = array<i32>} : memref<640xf32, #tpu.memory_space<vmem>>, vector<16xf32>,
    %swap3A_155 = vector.shape_cast %swap3A_154 : vector<16xf32> to vector<16xf32>
    %swap3A_156 = vector.shape_cast %broadcast_in_dim3A_152 : vector<16xf32> to vector<16xf32>
    tpu.vector_store %arg6[%swap3A_153], %swap3A_156 {strides = array<i32>} : memref<640xf32, #tpu.memory_space<vmem>>, vector<16xf32>,
    %broadcast_in_dim3A_157 = arith.constant 0.000000e+00 : f32
    %broadcast_in_dim3A_158 = vector.broadcast %broadcast_in_dim3A_157 : f32 to vector<16xf32>
    %swap3A_159 = arith.constant 288 : index
    %swap3A_160 = tpu.vector_load %arg6[%swap3A_159] {strides = array<i32>} : memref<640xf32, #tpu.memory_space<vmem>>, vector<16xf32>,
    %swap3A_161 = vector.shape_cast %swap3A_160 : vector<16xf32> to vector<16xf32>
    %swap3A_162 = vector.shape_cast %broadcast_in_dim3A_158 : vector<16xf32> to vector<16xf32>
    tpu.vector_store %arg6[%swap3A_159], %swap3A_162 {strides = array<i32>} : memref<640xf32, #tpu.memory_space<vmem>>, vector<16xf32>,
    %broadcast_in_dim3A_163 = arith.constant 0.000000e+00 : f32
    %broadcast_in_dim3A_164 = vector.broadcast %broadcast_in_dim3A_163 : f32 to vector<16xf32>
    %swap3A_165 = arith.constant 304 : index
    %swap3A_166 = tpu.vector_load %arg6[%swap3A_165] {strides = array<i32>} : memref<640xf32, #tpu.memory_space<vmem>>, vector<16xf32>,
    %swap3A_167 = vector.shape_cast %swap3A_166 : vector<16xf32> to vector<16xf32>
    %swap3A_168 = vector.shape_cast %broadcast_in_dim3A_164 : vector<16xf32> to vector<16xf32>
    tpu.vector_store %arg6[%swap3A_165], %swap3A_168 {strides = array<i32>} : memref<640xf32, #tpu.memory_space<vmem>>, vector<16xf32>,
    %broadcast_in_dim3A_169 = arith.constant 0.000000e+00 : f32
    %broadcast_in_dim3A_170 = vector.broadcast %broadcast_in_dim3A_169 : f32 to vector<16xf32>
    %swap3A_171 = arith.constant 320 : index
    %swap3A_172 = tpu.vector_load %arg6[%swap3A_171] {strides = array<i32>} : memref<640xf32, #tpu.memory_space<vmem>>, vector<16xf32>,
    %swap3A_173 = vector.shape_cast %swap3A_172 : vector<16xf32> to vector<16xf32>
    %swap3A_174 = vector.shape_cast %broadcast_in_dim3A_170 : vector<16xf32> to vector<16xf32>
    tpu.vector_store %arg6[%swap3A_171], %swap3A_174 {strides = array<i32>} : memref<640xf32, #tpu.memory_space<vmem>>, vector<16xf32>,
    %broadcast_in_dim3A_175 = arith.constant 0.000000e+00 : f32
    %broadcast_in_dim3A_176 = vector.broadcast %broadcast_in_dim3A_175 : f32 to vector<16xf32>
    %swap3A_177 = arith.constant 336 : index
    %swap3A_178 = tpu.vector_load %arg6[%swap3A_177] {strides = array<i32>} : memref<640xf32, #tpu.memory_space<vmem>>, vector<16xf32>,
    %swap3A_179 = vector.shape_cast %swap3A_178 : vector<16xf32> to vector<16xf32>
    %swap3A_180 = vector.shape_cast %broadcast_in_dim3A_176 : vector<16xf32> to vector<16xf32>
    tpu.vector_store %arg6[%swap3A_177], %swap3A_180 {strides = array<i32>} : memref<640xf32, #tpu.memory_space<vmem>>, vector<16xf32>,
    %broadcast_in_dim3A_181 = arith.constant 0.000000e+00 : f32
    %broadcast_in_dim3A_182 = vector.broadcast %broadcast_in_dim3A_181 : f32 to vector<16xf32>
    %swap3A_183 = arith.constant 352 : index
    %swap3A_184 = tpu.vector_load %arg6[%swap3A_183] {strides = array<i32>} : memref<640xf32, #tpu.memory_space<vmem>>, vector<16xf32>,
    %swap3A_185 = vector.shape_cast %swap3A_184 : vector<16xf32> to vector<16xf32>
    %swap3A_186 = vector.shape_cast %broadcast_in_dim3A_182 : vector<16xf32> to vector<16xf32>
    tpu.vector_store %arg6[%swap3A_183], %swap3A_186 {strides = array<i32>} : memref<640xf32, #tpu.memory_space<vmem>>, vector<16xf32>,
    %broadcast_in_dim3A_187 = arith.constant 0.000000e+00 : f32
    %broadcast_in_dim3A_188 = vector.broadcast %broadcast_in_dim3A_187 : f32 to vector<16xf32>
    %swap3A_189 = arith.constant 368 : index
    %swap3A_190 = tpu.vector_load %arg6[%swap3A_189] {strides = array<i32>} : memref<640xf32, #tpu.memory_space<vmem>>, vector<16xf32>,
    %swap3A_191 = vector.shape_cast %swap3A_190 : vector<16xf32> to vector<16xf32>
    %swap3A_192 = vector.shape_cast %broadcast_in_dim3A_188 : vector<16xf32> to vector<16xf32>
    tpu.vector_store %arg6[%swap3A_189], %swap3A_192 {strides = array<i32>} : memref<640xf32, #tpu.memory_space<vmem>>, vector<16xf32>,
    %broadcast_in_dim3A_193 = arith.constant 0.000000e+00 : f32
    %broadcast_in_dim3A_194 = vector.broadcast %broadcast_in_dim3A_193 : f32 to vector<16xf32>
    %swap3A_195 = arith.constant 384 : index
    %swap3A_196 = tpu.vector_load %arg6[%swap3A_195] {strides = array<i32>} : memref<640xf32, #tpu.memory_space<vmem>>, vector<16xf32>,
    %swap3A_197 = vector.shape_cast %swap3A_196 : vector<16xf32> to vector<16xf32>
    %swap3A_198 = vector.shape_cast %broadcast_in_dim3A_194 : vector<16xf32> to vector<16xf32>
    tpu.vector_store %arg6[%swap3A_195], %swap3A_198 {strides = array<i32>} : memref<640xf32, #tpu.memory_space<vmem>>, vector<16xf32>,
    %broadcast_in_dim3A_199 = arith.constant 0.000000e+00 : f32
    %broadcast_in_dim3A_200 = vector.broadcast %broadcast_in_dim3A_199 : f32 to vector<16xf32>
    %swap3A_201 = arith.constant 400 : index
    %swap3A_202 = tpu.vector_load %arg6[%swap3A_201] {strides = array<i32>} : memref<640xf32, #tpu.memory_space<vmem>>, vector<16xf32>,
    %swap3A_203 = vector.shape_cast %swap3A_202 : vector<16xf32> to vector<16xf32>
    %swap3A_204 = vector.shape_cast %broadcast_in_dim3A_200 : vector<16xf32> to vector<16xf32>
    tpu.vector_store %arg6[%swap3A_201], %swap3A_204 {strides = array<i32>} : memref<640xf32, #tpu.memory_space<vmem>>, vector<16xf32>,
    %broadcast_in_dim3A_205 = arith.constant 0.000000e+00 : f32
    %broadcast_in_dim3A_206 = vector.broadcast %broadcast_in_dim3A_205 : f32 to vector<16xf32>
    %swap3A_207 = arith.constant 416 : index
    %swap3A_208 = tpu.vector_load %arg6[%swap3A_207] {strides = array<i32>} : memref<640xf32, #tpu.memory_space<vmem>>, vector<16xf32>,
    %swap3A_209 = vector.shape_cast %swap3A_208 : vector<16xf32> to vector<16xf32>
    %swap3A_210 = vector.shape_cast %broadcast_in_dim3A_206 : vector<16xf32> to vector<16xf32>
    tpu.vector_store %arg6[%swap3A_207], %swap3A_210 {strides = array<i32>} : memref<640xf32, #tpu.memory_space<vmem>>, vector<16xf32>,
    %broadcast_in_dim3A_211 = arith.constant 0.000000e+00 : f32
    %broadcast_in_dim3A_212 = vector.broadcast %broadcast_in_dim3A_211 : f32 to vector<16xf32>
    %swap3A_213 = arith.constant 432 : index
    %swap3A_214 = tpu.vector_load %arg6[%swap3A_213] {strides = array<i32>} : memref<640xf32, #tpu.memory_space<vmem>>, vector<16xf32>,
    %swap3A_215 = vector.shape_cast %swap3A_214 : vector<16xf32> to vector<16xf32>
    %swap3A_216 = vector.shape_cast %broadcast_in_dim3A_212 : vector<16xf32> to vector<16xf32>
    tpu.vector_store %arg6[%swap3A_213], %swap3A_216 {strides = array<i32>} : memref<640xf32, #tpu.memory_space<vmem>>, vector<16xf32>,
    %broadcast_in_dim3A_217 = arith.constant 0.000000e+00 : f32
    %broadcast_in_dim3A_218 = vector.broadcast %broadcast_in_dim3A_217 : f32 to vector<16xf32>
    %swap3A_219 = arith.constant 448 : index
    %swap3A_220 = tpu.vector_load %arg6[%swap3A_219] {strides = array<i32>} : memref<640xf32, #tpu.memory_space<vmem>>, vector<16xf32>,
    %swap3A_221 = vector.shape_cast %swap3A_220 : vector<16xf32> to vector<16xf32>
    %swap3A_222 = vector.shape_cast %broadcast_in_dim3A_218 : vector<16xf32> to vector<16xf32>
    tpu.vector_store %arg6[%swap3A_219], %swap3A_222 {strides = array<i32>} : memref<640xf32, #tpu.memory_space<vmem>>, vector<16xf32>,
    %broadcast_in_dim3A_223 = arith.constant 0.000000e+00 : f32
    %broadcast_in_dim3A_224 = vector.broadcast %broadcast_in_dim3A_223 : f32 to vector<16xf32>
    %swap3A_225 = arith.constant 464 : index
    %swap3A_226 = tpu.vector_load %arg6[%swap3A_225] {strides = array<i32>} : memref<640xf32, #tpu.memory_space<vmem>>, vector<16xf32>,
    %swap3A_227 = vector.shape_cast %swap3A_226 : vector<16xf32> to vector<16xf32>
    %swap3A_228 = vector.shape_cast %broadcast_in_dim3A_224 : vector<16xf32> to vector<16xf32>
    tpu.vector_store %arg6[%swap3A_225], %swap3A_228 {strides = array<i32>} : memref<640xf32, #tpu.memory_space<vmem>>, vector<16xf32>,
    %broadcast_in_dim3A_229 = arith.constant 0.000000e+00 : f32
    %broadcast_in_dim3A_230 = vector.broadcast %broadcast_in_dim3A_229 : f32 to vector<16xf32>
    %swap3A_231 = arith.constant 480 : index
    %swap3A_232 = tpu.vector_load %arg6[%swap3A_231] {strides = array<i32>} : memref<640xf32, #tpu.memory_space<vmem>>, vector<16xf32>,
    %swap3A_233 = vector.shape_cast %swap3A_232 : vector<16xf32> to vector<16xf32>
    %swap3A_234 = vector.shape_cast %broadcast_in_dim3A_230 : vector<16xf32> to vector<16xf32>
    tpu.vector_store %arg6[%swap3A_231], %swap3A_234 {strides = array<i32>} : memref<640xf32, #tpu.memory_space<vmem>>, vector<16xf32>,
    %broadcast_in_dim3A_235 = arith.constant 0.000000e+00 : f32
    %broadcast_in_dim3A_236 = vector.broadcast %broadcast_in_dim3A_235 : f32 to vector<16xf32>
    %swap3A_237 = arith.constant 496 : index
    %swap3A_238 = tpu.vector_load %arg6[%swap3A_237] {strides = array<i32>} : memref<640xf32, #tpu.memory_space<vmem>>, vector<16xf32>,
    %swap3A_239 = vector.shape_cast %swap3A_238 : vector<16xf32> to vector<16xf32>
    %swap3A_240 = vector.shape_cast %broadcast_in_dim3A_236 : vector<16xf32> to vector<16xf32>
    tpu.vector_store %arg6[%swap3A_237], %swap3A_240 {strides = array<i32>} : memref<640xf32, #tpu.memory_space<vmem>>, vector<16xf32>,
    %broadcast_in_dim3A_241 = arith.constant 0.000000e+00 : f32
    %broadcast_in_dim3A_242 = vector.broadcast %broadcast_in_dim3A_241 : f32 to vector<16xf32>
    %swap3A_243 = arith.constant 512 : index
    %swap3A_244 = tpu.vector_load %arg6[%swap3A_243] {strides = array<i32>} : memref<640xf32, #tpu.memory_space<vmem>>, vector<16xf32>,
    %swap3A_245 = vector.shape_cast %swap3A_244 : vector<16xf32> to vector<16xf32>
    %swap3A_246 = vector.shape_cast %broadcast_in_dim3A_242 : vector<16xf32> to vector<16xf32>
    tpu.vector_store %arg6[%swap3A_243], %swap3A_246 {strides = array<i32>} : memref<640xf32, #tpu.memory_space<vmem>>, vector<16xf32>,
    %broadcast_in_dim3A_247 = arith.constant 0.000000e+00 : f32
    %broadcast_in_dim3A_248 = vector.broadcast %broadcast_in_dim3A_247 : f32 to vector<16xf32>
    %swap3A_249 = arith.constant 528 : index
    %swap3A_250 = tpu.vector_load %arg6[%swap3A_249] {strides = array<i32>} : memref<640xf32, #tpu.memory_space<vmem>>, vector<16xf32>,
    %swap3A_251 = vector.shape_cast %swap3A_250 : vector<16xf32> to vector<16xf32>
    %swap3A_252 = vector.shape_cast %broadcast_in_dim3A_248 : vector<16xf32> to vector<16xf32>
    tpu.vector_store %arg6[%swap3A_249], %swap3A_252 {strides = array<i32>} : memref<640xf32, #tpu.memory_space<vmem>>, vector<16xf32>,
    %broadcast_in_dim3A_253 = arith.constant 0.000000e+00 : f32
    %broadcast_in_dim3A_254 = vector.broadcast %broadcast_in_dim3A_253 : f32 to vector<16xf32>
    %swap3A_255 = arith.constant 544 : index
    %swap3A_256 = tpu.vector_load %arg6[%swap3A_255] {strides = array<i32>} : memref<640xf32, #tpu.memory_space<vmem>>, vector<16xf32>,
    %swap3A_257 = vector.shape_cast %swap3A_256 : vector<16xf32> to vector<16xf32>
    %swap3A_258 = vector.shape_cast %broadcast_in_dim3A_254 : vector<16xf32> to vector<16xf32>
    tpu.vector_store %arg6[%swap3A_255], %swap3A_258 {strides = array<i32>} : memref<640xf32, #tpu.memory_space<vmem>>, vector<16xf32>,
    %broadcast_in_dim3A_259 = arith.constant 0.000000e+00 : f32
    %broadcast_in_dim3A_260 = vector.broadcast %broadcast_in_dim3A_259 : f32 to vector<16xf32>
    %swap3A_261 = arith.constant 560 : index
    %swap3A_262 = tpu.vector_load %arg6[%swap3A_261] {strides = array<i32>} : memref<640xf32, #tpu.memory_space<vmem>>, vector<16xf32>,
    %swap3A_263 = vector.shape_cast %swap3A_262 : vector<16xf32> to vector<16xf32>
    %swap3A_264 = vector.shape_cast %broadcast_in_dim3A_260 : vector<16xf32> to vector<16xf32>
    tpu.vector_store %arg6[%swap3A_261], %swap3A_264 {strides = array<i32>} : memref<640xf32, #tpu.memory_space<vmem>>, vector<16xf32>,
    %broadcast_in_dim3A_265 = arith.constant 0.000000e+00 : f32
    %broadcast_in_dim3A_266 = vector.broadcast %broadcast_in_dim3A_265 : f32 to vector<16xf32>
    %swap3A_267 = arith.constant 576 : index
    %swap3A_268 = tpu.vector_load %arg6[%swap3A_267] {strides = array<i32>} : memref<640xf32, #tpu.memory_space<vmem>>, vector<16xf32>,
    %swap3A_269 = vector.shape_cast %swap3A_268 : vector<16xf32> to vector<16xf32>
    %swap3A_270 = vector.shape_cast %broadcast_in_dim3A_266 : vector<16xf32> to vector<16xf32>
    tpu.vector_store %arg6[%swap3A_267], %swap3A_270 {strides = array<i32>} : memref<640xf32, #tpu.memory_space<vmem>>, vector<16xf32>,
    %broadcast_in_dim3A_271 = arith.constant 0.000000e+00 : f32
    %broadcast_in_dim3A_272 = vector.broadcast %broadcast_in_dim3A_271 : f32 to vector<16xf32>
    %swap3A_273 = arith.constant 592 : index
    %swap3A_274 = tpu.vector_load %arg6[%swap3A_273] {strides = array<i32>} : memref<640xf32, #tpu.memory_space<vmem>>, vector<16xf32>,
    %swap3A_275 = vector.shape_cast %swap3A_274 : vector<16xf32> to vector<16xf32>
    %swap3A_276 = vector.shape_cast %broadcast_in_dim3A_272 : vector<16xf32> to vector<16xf32>
    tpu.vector_store %arg6[%swap3A_273], %swap3A_276 {strides = array<i32>} : memref<640xf32, #tpu.memory_space<vmem>>, vector<16xf32>,
    %broadcast_in_dim3A_277 = arith.constant 0.000000e+00 : f32
    %broadcast_in_dim3A_278 = vector.broadcast %broadcast_in_dim3A_277 : f32 to vector<16xf32>
    %swap3A_279 = arith.constant 608 : index
    %swap3A_280 = tpu.vector_load %arg6[%swap3A_279] {strides = array<i32>} : memref<640xf32, #tpu.memory_space<vmem>>, vector<16xf32>,
    %swap3A_281 = vector.shape_cast %swap3A_280 : vector<16xf32> to vector<16xf32>
    %swap3A_282 = vector.shape_cast %broadcast_in_dim3A_278 : vector<16xf32> to vector<16xf32>
    tpu.vector_store %arg6[%swap3A_279], %swap3A_282 {strides = array<i32>} : memref<640xf32, #tpu.memory_space<vmem>>, vector<16xf32>,
    %broadcast_in_dim3A_283 = arith.constant 0.000000e+00 : f32
    %broadcast_in_dim3A_284 = vector.broadcast %broadcast_in_dim3A_283 : f32 to vector<16xf32>
    %swap3A_285 = arith.constant 624 : index
    %swap3A_286 = tpu.vector_load %arg6[%swap3A_285] {strides = array<i32>} : memref<640xf32, #tpu.memory_space<vmem>>, vector<16xf32>,
    %swap3A_287 = vector.shape_cast %swap3A_286 : vector<16xf32> to vector<16xf32>
    %swap3A_288 = vector.shape_cast %broadcast_in_dim3A_284 : vector<16xf32> to vector<16xf32>
    tpu.vector_store %arg6[%swap3A_285], %swap3A_288 {strides = array<i32>} : memref<640xf32, #tpu.memory_space<vmem>>, vector<16xf32>,
    %mul3A_289 = arith.constant 640 : i32
    %mul3A_290 = arith.muli %arg1, %mul3A_289 : i32
    "tpu.region"() ({
      %run_scoped3A = tpu.sem_alloc : memref<!tpu.dma_semaphore, #tpu.memory_space<semaphore_mem>>
      %dma_start3A_327 = tpu.memref_slice %arg7[%mul3A_290] : memref<10240xf32, #tpu.memory_space<vmem_shared>> -> memref<640xf32, #tpu.memory_space<vmem_shared>>
      %dma_start3A_328 = tpu.memref_slice %arg7[%mul3A_290] : memref<10240xf32, #tpu.memory_space<vmem_shared>> -> memref<640xf32, #tpu.memory_space<vmem_shared>>
      tpu.enqueue_dma source(%arg6 : memref<640xf32, #tpu.memory_space<vmem>>) target(%dma_start3A_328 : memref<640xf32, #tpu.memory_space<vmem_shared>>) target_semaphore(%run_scoped3A : memref<!tpu.dma_semaphore, #tpu.memory_space<semaphore_mem>>)
      %dma_wait3A_329 = tpu.memref_slice %arg7[%mul3A_290] : memref<10240xf32, #tpu.memory_space<vmem_shared>> -> memref<640xf32, #tpu.memory_space<vmem_shared>>
      %dma_wait3A_330 = tpu.memref_slice %arg7[%mul3A_290] : memref<10240xf32, #tpu.memory_space<vmem_shared>> -> memref<640xf32, #tpu.memory_space<vmem_shared>>
      tpu.wait_dma2 semaphore(%run_scoped3A : memref<!tpu.dma_semaphore, #tpu.memory_space<semaphore_mem>>) src(%arg6 : memref<640xf32, #tpu.memory_space<vmem>>) dst(%dma_wait3A_330 : memref<640xf32, #tpu.memory_space<vmem_shared>>)
      tpu.yield
    }) : () -> ()
    %barrier3A = arith.constant 0 : index
    tpu.barrier barrier_id(%barrier3A)
    %dma_start3A = arith.constant 0 : i32
    %dma_start3A_291 = arith.constant 0 : i32
    %dma_start3A_292 = tpu.memref_slice %arg4[%dma_start3A, %dma_start3A_291] : memref<80x128xi32, #tpu.memory_space<vmem>> -> memref<1x128xi32, #tpu.memory_space<vmem>>
    %dma_start3A_293 = tpu.memref_squeeze %dma_start3A_292 : memref<1x128xi32, #tpu.memory_space<vmem>> -> memref<128xi32, #tpu.memory_space<vmem>>
    %dma_start3A_294 = arith.constant 0 : i32
    %dma_start3A_295 = tpu.memref_slice %arg7[%dma_start3A_294] : memref<10240xf32, #tpu.memory_space<vmem_shared>> -> memref<10240xf32, #tpu.memory_space<vmem_shared>>
    tpu.enqueue_indirect_dma source(%arg5 : memref<128xf32, #tpu.memory_space<vmem>>) target(%dma_start3A_295 : memref<10240xf32, #tpu.memory_space<vmem_shared>>) offsets(%dma_start3A_293 : memref<128xi32, #tpu.memory_space<vmem>>) semaphore(%arg8 : memref<!tpu.dma_semaphore, #tpu.memory_space<semaphore_mem>>) {add = true}
    %dma_start3A_296 = arith.constant 1 : i32
    %dma_start3A_297 = arith.constant 0 : i32
    %dma_start3A_298 = tpu.memref_slice %arg4[%dma_start3A_296, %dma_start3A_297] : memref<80x128xi32, #tpu.memory_space<vmem>> -> memref<1x128xi32, #tpu.memory_space<vmem>>
    %dma_start3A_299 = tpu.memref_squeeze %dma_start3A_298 : memref<1x128xi32, #tpu.memory_space<vmem>> -> memref<128xi32, #tpu.memory_space<vmem>>
    %dma_start3A_300 = arith.constant 0 : i32
    %dma_start3A_301 = tpu.memref_slice %arg7[%dma_start3A_300] : memref<10240xf32, #tpu.memory_space<vmem_shared>> -> memref<10240xf32, #tpu.memory_space<vmem_shared>>
    tpu.enqueue_indirect_dma source(%arg5 : memref<128xf32, #tpu.memory_space<vmem>>) target(%dma_start3A_301 : memref<10240xf32, #tpu.memory_space<vmem_shared>>) offsets(%dma_start3A_299 : memref<128xi32, #tpu.memory_space<vmem>>) semaphore(%arg9 : memref<!tpu.dma_semaphore, #tpu.memory_space<semaphore_mem>>) {add = true}
    %scan3A = arith.constant 0 : i32
    %scan3A_302 = arith.constant 1 : i32
    %scan3A_303 = arith.constant 39 : i32
    %scan3A_304 = arith.addi %scan3A_302, %scan3A_303 : i32
    %scan3A_305 = arith.constant 1 : i32
    %scan3A_306 = scf.for %scan3A_327 = %scan3A_302 to %scan3A_304 step %scan3A_305 iter_args(%scan3A_328 = %scan3A) -> (i32)  : i32 {
      %mul3A_329 = arith.constant 2 : i32
      %mul3A_330 = arith.muli %scan3A_327, %mul3A_329 : i32
      %sub3A = arith.constant 2 : i32
      %sub3A_331 = arith.subi %mul3A_330, %sub3A : i32
      %dma_wait3A_332 = arith.constant 0 : i32
      %dma_wait3A_333 = tpu.memref_slice %arg4[%sub3A_331, %dma_wait3A_332] : memref<80x128xi32, #tpu.memory_space<vmem>> -> memref<1x128xi32, #tpu.memory_space<vmem>>
      %dma_wait3A_334 = tpu.memref_squeeze %dma_wait3A_333 : memref<1x128xi32, #tpu.memory_space<vmem>> -> memref<128xi32, #tpu.memory_space<vmem>>
      %dma_wait3A_335 = arith.constant 0 : i32
      %dma_wait3A_336 = tpu.memref_slice %arg7[%dma_wait3A_335] : memref<10240xf32, #tpu.memory_space<vmem_shared>> -> memref<10240xf32, #tpu.memory_space<vmem_shared>>
      tpu.wait_indirect_dma semaphore(%arg8 : memref<!tpu.dma_semaphore, #tpu.memory_space<semaphore_mem>>) src(%arg5 : memref<128xf32, #tpu.memory_space<vmem>>) dst(%dma_wait3A_336 : memref<10240xf32, #tpu.memory_space<vmem_shared>>)
      %dma_start3A_337 = arith.constant 0 : i32
      %dma_start3A_338 = tpu.memref_slice %arg4[%mul3A_330, %dma_start3A_337] : memref<80x128xi32, #tpu.memory_space<vmem>> -> memref<1x128xi32, #tpu.memory_space<vmem>>
      %dma_start3A_339 = tpu.memref_squeeze %dma_start3A_338 : memref<1x128xi32, #tpu.memory_space<vmem>> -> memref<128xi32, #tpu.memory_space<vmem>>
      %dma_start3A_340 = arith.constant 0 : i32
      %dma_start3A_341 = tpu.memref_slice %arg7[%dma_start3A_340] : memref<10240xf32, #tpu.memory_space<vmem_shared>> -> memref<10240xf32, #tpu.memory_space<vmem_shared>>
      tpu.enqueue_indirect_dma source(%arg5 : memref<128xf32, #tpu.memory_space<vmem>>) target(%dma_start3A_341 : memref<10240xf32, #tpu.memory_space<vmem_shared>>) offsets(%dma_start3A_339 : memref<128xi32, #tpu.memory_space<vmem>>) semaphore(%arg8 : memref<!tpu.dma_semaphore, #tpu.memory_space<semaphore_mem>>) {add = true}
      %sub3A_342 = arith.constant 1 : i32
      %sub3A_343 = arith.subi %mul3A_330, %sub3A_342 : i32
      %dma_wait3A_344 = arith.constant 0 : i32
      %dma_wait3A_345 = tpu.memref_slice %arg4[%sub3A_343, %dma_wait3A_344] : memref<80x128xi32, #tpu.memory_space<vmem>> -> memref<1x128xi32, #tpu.memory_space<vmem>>
      %dma_wait3A_346 = tpu.memref_squeeze %dma_wait3A_345 : memref<1x128xi32, #tpu.memory_space<vmem>> -> memref<128xi32, #tpu.memory_space<vmem>>
      %dma_wait3A_347 = arith.constant 0 : i32
      %dma_wait3A_348 = tpu.memref_slice %arg7[%dma_wait3A_347] : memref<10240xf32, #tpu.memory_space<vmem_shared>> -> memref<10240xf32, #tpu.memory_space<vmem_shared>>
      tpu.wait_indirect_dma semaphore(%arg9 : memref<!tpu.dma_semaphore, #tpu.memory_space<semaphore_mem>>) src(%arg5 : memref<128xf32, #tpu.memory_space<vmem>>) dst(%dma_wait3A_348 : memref<10240xf32, #tpu.memory_space<vmem_shared>>)
      %add3A_349 = arith.constant 1 : i32
      %add3A_350 = arith.addi %mul3A_330, %add3A_349 : i32
      %dma_start3A_351 = arith.constant 0 : i32
      %dma_start3A_352 = tpu.memref_slice %arg4[%add3A_350, %dma_start3A_351] : memref<80x128xi32, #tpu.memory_space<vmem>> -> memref<1x128xi32, #tpu.memory_space<vmem>>
      %dma_start3A_353 = tpu.memref_squeeze %dma_start3A_352 : memref<1x128xi32, #tpu.memory_space<vmem>> -> memref<128xi32, #tpu.memory_space<vmem>>
      %dma_start3A_354 = arith.constant 0 : i32
      %dma_start3A_355 = tpu.memref_slice %arg7[%dma_start3A_354] : memref<10240xf32, #tpu.memory_space<vmem_shared>> -> memref<10240xf32, #tpu.memory_space<vmem_shared>>
      tpu.enqueue_indirect_dma source(%arg5 : memref<128xf32, #tpu.memory_space<vmem>>) target(%dma_start3A_355 : memref<10240xf32, #tpu.memory_space<vmem_shared>>) offsets(%dma_start3A_353 : memref<128xi32, #tpu.memory_space<vmem>>) semaphore(%arg9 : memref<!tpu.dma_semaphore, #tpu.memory_space<semaphore_mem>>) {add = true}
      %scan3A_356 = arith.constant 0 : i32
      scf.yield %scan3A_356 : i32
    }
    %scan3A_307 = arith.constant 39 : i32
    %dma_wait3A = arith.constant 78 : i32
    %dma_wait3A_308 = arith.constant 0 : i32
    %dma_wait3A_309 = tpu.memref_slice %arg4[%dma_wait3A, %dma_wait3A_308] : memref<80x128xi32, #tpu.memory_space<vmem>> -> memref<1x128xi32, #tpu.memory_space<vmem>>
    %dma_wait3A_310 = tpu.memref_squeeze %dma_wait3A_309 : memref<1x128xi32, #tpu.memory_space<vmem>> -> memref<128xi32, #tpu.memory_space<vmem>>
    %dma_wait3A_311 = arith.constant 0 : i32
    %dma_wait3A_312 = tpu.memref_slice %arg7[%dma_wait3A_311] : memref<10240xf32, #tpu.memory_space<vmem_shared>> -> memref<10240xf32, #tpu.memory_space<vmem_shared>>
    tpu.wait_indirect_dma semaphore(%arg8 : memref<!tpu.dma_semaphore, #tpu.memory_space<semaphore_mem>>) src(%arg5 : memref<128xf32, #tpu.memory_space<vmem>>) dst(%dma_wait3A_312 : memref<10240xf32, #tpu.memory_space<vmem_shared>>)
    %dma_wait3A_313 = arith.constant 79 : i32
    %dma_wait3A_314 = arith.constant 0 : i32
    %dma_wait3A_315 = tpu.memref_slice %arg4[%dma_wait3A_313, %dma_wait3A_314] : memref<80x128xi32, #tpu.memory_space<vmem>> -> memref<1x128xi32, #tpu.memory_space<vmem>>
    %dma_wait3A_316 = tpu.memref_squeeze %dma_wait3A_315 : memref<1x128xi32, #tpu.memory_space<vmem>> -> memref<128xi32, #tpu.memory_space<vmem>>
    %dma_wait3A_317 = arith.constant 0 : i32
    %dma_wait3A_318 = tpu.memref_slice %arg7[%dma_wait3A_317] : memref<10240xf32, #tpu.memory_space<vmem_shared>> -> memref<10240xf32, #tpu.memory_space<vmem_shared>>
    tpu.wait_indirect_dma semaphore(%arg9 : memref<!tpu.dma_semaphore, #tpu.memory_space<semaphore_mem>>) src(%arg5 : memref<128xf32, #tpu.memory_space<vmem>>) dst(%dma_wait3A_318 : memref<10240xf32, #tpu.memory_space<vmem_shared>>)
    %barrier3A_319 = arith.constant 0 : index
    tpu.barrier barrier_id(%barrier3A_319)
    %mul3A_320 = arith.constant 640 : i32
    %mul3A_321 = arith.muli %arg1, %mul3A_320 : i32
    %mul3A_322 = arith.constant 10240 : i32
    %mul3A_323 = arith.muli %arg0, %mul3A_322 : i32
    %mul3A_324 = arith.constant 640 : i32
    %mul3A_325 = arith.muli %arg1, %mul3A_324 : i32
    %add3A_326 = arith.addi %mul3A_323, %mul3A_325 : i32
    "tpu.region"() ({
      %run_scoped3A = tpu.sem_alloc : memref<!tpu.dma_semaphore, #tpu.memory_space<semaphore_mem>>
      %dma_start3A_327 = tpu.memref_slice %arg3[%add3A_326] : memref<20480xf32, #tpu.memory_space<hbm>> -> memref<640xf32, #tpu.memory_space<hbm>>
      %dma_start3A_328 = tpu.memref_slice %arg7[%mul3A_321] : memref<10240xf32, #tpu.memory_space<vmem_shared>> -> memref<640xf32, #tpu.memory_space<vmem_shared>>
      tpu.enqueue_dma source(%dma_start3A_328 : memref<640xf32, #tpu.memory_space<vmem_shared>>) target(%dma_start3A_327 : memref<640xf32, #tpu.memory_space<hbm>>) target_semaphore(%run_scoped3A : memref<!tpu.dma_semaphore, #tpu.memory_space<semaphore_mem>>)
      %dma_wait3A_329 = tpu.memref_slice %arg3[%add3A_326] : memref<20480xf32, #tpu.memory_space<hbm>> -> memref<640xf32, #tpu.memory_space<hbm>>
      %dma_wait3A_330 = tpu.memref_slice %arg7[%mul3A_321] : memref<10240xf32, #tpu.memory_space<vmem_shared>> -> memref<640xf32, #tpu.memory_space<vmem_shared>>
      tpu.wait_dma2 semaphore(%run_scoped3A : memref<!tpu.dma_semaphore, #tpu.memory_space<semaphore_mem>>) src(%dma_wait3A_330 : memref<640xf32, #tpu.memory_space<vmem_shared>>) dst(%dma_wait3A_329 : memref<640xf32, #tpu.memory_space<hbm>>)
      tpu.yield
    }) : () -> ()
    return
  }
}

#map = affine_map<(d0, d1) -> (0, 0)>
#map1 = affine_map<(d0, d1) -> (0, 0, 0)>
module attributes {stable_mosaic.version = 14 : i64} {
  func.func @scat(%arg0: i32, %arg1: i32, %arg2: memref<20000x32xf32, #tpu.memory_space<hbm>>, %arg3: memref<2x2560x128xi32, #tpu.memory_space<hbm>>, %arg4: memref<2560x128xi32, #tpu.memory_space<hbm>>, %arg5: memref<20480x32xf32, #tpu.memory_space<hbm>>, %arg6: memref<160x128xi32, #tpu.memory_space<vmem>>, %arg7: memref<160x128xi32, #tpu.memory_space<vmem>>, %arg8: memref<128x32xf32, #tpu.memory_space<vmem>>, %arg9: memref<128x32xf32, #tpu.memory_space<vmem>>, %arg10: memref<10240x32xf32, #tpu.memory_space<vmem_shared>>, %arg11: memref<!tpu.dma_semaphore, #tpu.memory_space<semaphore_mem>>, %arg12: memref<!tpu.dma_semaphore, #tpu.memory_space<semaphore_mem>>, %arg13: memref<!tpu.dma_semaphore, #tpu.memory_space<semaphore_mem>>, %arg14: memref<!tpu.dma_semaphore, #tpu.memory_space<semaphore_mem>>) attributes {dimension_semantics = [#tpu.dimension_semantics<core_parallel>, #tpu.dimension_semantics<subcore_parallel>], iteration_bounds = array<i64: 2, 16>, scalar_prefetch = 0 : i64, scratch_operands = 9 : i64, tpu.core_type = #tpu.core_type<sc_vector_subcore>, window_params = [{transform_indices = #map}, {transform_indices = #map1}, {transform_indices = #map}, {transform_indices = #map}]} {
    %mul3A = arith.constant 160 : i32
    %mul3A_0 = arith.muli %arg1, %mul3A : i32
    "tpu.region"() ({
      %run_scoped3A = tpu.sem_alloc : memref<!tpu.dma_semaphore, #tpu.memory_space<semaphore_mem>>
      %dma_start3A_153 = arith.constant 0 : i32
      %dma_start3A_154 = tpu.memref_slice %arg3[%arg0, %mul3A_0, %dma_start3A_153] : memref<2x2560x128xi32, #tpu.memory_space<hbm>> -> memref<1x160x128xi32, #tpu.memory_space<hbm>>
      %dma_start3A_155 = tpu.memref_squeeze %dma_start3A_154 : memref<1x160x128xi32, #tpu.memory_space<hbm>> -> memref<160x128xi32, #tpu.memory_space<hbm>>
      %dma_start3A_156 = arith.constant 0 : i32
      %dma_start3A_157 = tpu.memref_slice %arg3[%arg0, %mul3A_0, %dma_start3A_156] : memref<2x2560x128xi32, #tpu.memory_space<hbm>> -> memref<1x160x128xi32, #tpu.memory_space<hbm>>
      %dma_start3A_158 = tpu.memref_squeeze %dma_start3A_157 : memref<1x160x128xi32, #tpu.memory_space<hbm>> -> memref<160x128xi32, #tpu.memory_space<hbm>>
      tpu.enqueue_dma source(%dma_start3A_158 : memref<160x128xi32, #tpu.memory_space<hbm>>) target(%arg6 : memref<160x128xi32, #tpu.memory_space<vmem>>) target_semaphore(%run_scoped3A : memref<!tpu.dma_semaphore, #tpu.memory_space<semaphore_mem>>)
      %dma_wait3A_159 = arith.constant 0 : i32
      %dma_wait3A_160 = tpu.memref_slice %arg3[%arg0, %mul3A_0, %dma_wait3A_159] : memref<2x2560x128xi32, #tpu.memory_space<hbm>> -> memref<1x160x128xi32, #tpu.memory_space<hbm>>
      %dma_wait3A_161 = tpu.memref_squeeze %dma_wait3A_160 : memref<1x160x128xi32, #tpu.memory_space<hbm>> -> memref<160x128xi32, #tpu.memory_space<hbm>>
      %dma_wait3A_162 = arith.constant 0 : i32
      %dma_wait3A_163 = tpu.memref_slice %arg3[%arg0, %mul3A_0, %dma_wait3A_162] : memref<2x2560x128xi32, #tpu.memory_space<hbm>> -> memref<1x160x128xi32, #tpu.memory_space<hbm>>
      %dma_wait3A_164 = tpu.memref_squeeze %dma_wait3A_163 : memref<1x160x128xi32, #tpu.memory_space<hbm>> -> memref<160x128xi32, #tpu.memory_space<hbm>>
      tpu.wait_dma2 semaphore(%run_scoped3A : memref<!tpu.dma_semaphore, #tpu.memory_space<semaphore_mem>>) src(%dma_wait3A_164 : memref<160x128xi32, #tpu.memory_space<hbm>>) dst(%arg6 : memref<160x128xi32, #tpu.memory_space<vmem>>)
      tpu.yield
    }) : () -> ()
    %mul3A_1 = arith.constant 160 : i32
    %mul3A_2 = arith.muli %arg1, %mul3A_1 : i32
    "tpu.region"() ({
      %run_scoped3A = tpu.sem_alloc : memref<!tpu.dma_semaphore, #tpu.memory_space<semaphore_mem>>
      %dma_start3A_153 = arith.constant 0 : i32
      %dma_start3A_154 = tpu.memref_slice %arg4[%mul3A_2, %dma_start3A_153] : memref<2560x128xi32, #tpu.memory_space<hbm>> -> memref<160x128xi32, #tpu.memory_space<hbm>>
      %dma_start3A_155 = arith.constant 0 : i32
      %dma_start3A_156 = tpu.memref_slice %arg4[%mul3A_2, %dma_start3A_155] : memref<2560x128xi32, #tpu.memory_space<hbm>> -> memref<160x128xi32, #tpu.memory_space<hbm>>
      tpu.enqueue_dma source(%dma_start3A_156 : memref<160x128xi32, #tpu.memory_space<hbm>>) target(%arg7 : memref<160x128xi32, #tpu.memory_space<vmem>>) target_semaphore(%run_scoped3A : memref<!tpu.dma_semaphore, #tpu.memory_space<semaphore_mem>>)
      %dma_wait3A_157 = arith.constant 0 : i32
      %dma_wait3A_158 = tpu.memref_slice %arg4[%mul3A_2, %dma_wait3A_157] : memref<2560x128xi32, #tpu.memory_space<hbm>> -> memref<160x128xi32, #tpu.memory_space<hbm>>
      %dma_wait3A_159 = arith.constant 0 : i32
      %dma_wait3A_160 = tpu.memref_slice %arg4[%mul3A_2, %dma_wait3A_159] : memref<2560x128xi32, #tpu.memory_space<hbm>> -> memref<160x128xi32, #tpu.memory_space<hbm>>
      tpu.wait_dma2 semaphore(%run_scoped3A : memref<!tpu.dma_semaphore, #tpu.memory_space<semaphore_mem>>) src(%dma_wait3A_160 : memref<160x128xi32, #tpu.memory_space<hbm>>) dst(%arg7 : memref<160x128xi32, #tpu.memory_space<vmem>>)
      tpu.yield
    }) : () -> ()
    %scan3A = arith.constant 0 : i32
    %scan3A_3 = arith.constant 0 : i32
    %scan3A_4 = arith.constant 128 : i32
    %scan3A_5 = arith.addi %scan3A_3, %scan3A_4 : i32
    %scan3A_6 = arith.constant 1 : i32
    %scan3A_7 = scf.for %scan3A_153 = %scan3A_3 to %scan3A_5 step %scan3A_6 iter_args(%scan3A_154 = %scan3A) -> (i32)  : i32 {
      %broadcast_in_dim3A = arith.constant 0.000000e+00 : f32
      %broadcast_in_dim3A_155 = vector.broadcast %broadcast_in_dim3A : f32 to vector<16xf32>
      %swap3A = arith.index_cast %scan3A_153 : i32 to index
      %swap3A_156 = arith.constant 0 : index
      %swap3A_157 = tpu.vector_load %arg8[%swap3A, %swap3A_156] {strides = array<i32>} : memref<128x32xf32, #tpu.memory_space<vmem>>, vector<1x16xf32>,
      %swap3A_158 = vector.shape_cast %swap3A_157 : vector<1x16xf32> to vector<16xf32>
      %swap3A_159 = vector.shape_cast %broadcast_in_dim3A_155 : vector<16xf32> to vector<1x16xf32>
      tpu.vector_store %arg8[%swap3A, %swap3A_156], %swap3A_159 {strides = array<i32>} : memref<128x32xf32, #tpu.memory_space<vmem>>, vector<1x16xf32>,
      %broadcast_in_dim3A_160 = arith.constant 0.000000e+00 : f32
      %broadcast_in_dim3A_161 = vector.broadcast %broadcast_in_dim3A_160 : f32 to vector<16xf32>
      %swap3A_162 = arith.index_cast %scan3A_153 : i32 to index
      %swap3A_163 = arith.constant 16 : index
      %swap3A_164 = tpu.vector_load %arg8[%swap3A_162, %swap3A_163] {strides = array<i32>} : memref<128x32xf32, #tpu.memory_space<vmem>>, vector<1x16xf32>,
      %swap3A_165 = vector.shape_cast %swap3A_164 : vector<1x16xf32> to vector<16xf32>
      %swap3A_166 = vector.shape_cast %broadcast_in_dim3A_161 : vector<16xf32> to vector<1x16xf32>
      tpu.vector_store %arg8[%swap3A_162, %swap3A_163], %swap3A_166 {strides = array<i32>} : memref<128x32xf32, #tpu.memory_space<vmem>>, vector<1x16xf32>,
      %scan3A_167 = arith.constant 0 : i32
      scf.yield %scan3A_167 : i32
    }
    %scan3A_8 = arith.constant 128 : i32
    %mul3A_9 = arith.constant 640 : i32
    %mul3A_10 = arith.muli %arg1, %mul3A_9 : i32
    %add3A = arith.constant 0 : i32
    %add3A_11 = arith.addi %mul3A_10, %add3A : i32
    "tpu.region"() ({
      %run_scoped3A = tpu.sem_alloc : memref<!tpu.dma_semaphore, #tpu.memory_space<semaphore_mem>>
      %dma_start3A_153 = arith.constant 0 : i32
      %dma_start3A_154 = tpu.memref_slice %arg10[%add3A_11, %dma_start3A_153] : memref<10240x32xf32, #tpu.memory_space<vmem_shared>> -> memref<128x32xf32, #tpu.memory_space<vmem_shared>>
      %dma_start3A_155 = arith.constant 0 : i32
      %dma_start3A_156 = tpu.memref_slice %arg10[%add3A_11, %dma_start3A_155] : memref<10240x32xf32, #tpu.memory_space<vmem_shared>> -> memref<128x32xf32, #tpu.memory_space<vmem_shared>>
      tpu.enqueue_dma source(%arg8 : memref<128x32xf32, #tpu.memory_space<vmem>>) target(%dma_start3A_156 : memref<128x32xf32, #tpu.memory_space<vmem_shared>>) target_semaphore(%run_scoped3A : memref<!tpu.dma_semaphore, #tpu.memory_space<semaphore_mem>>)
      %dma_wait3A_157 = arith.constant 0 : i32
      %dma_wait3A_158 = tpu.memref_slice %arg10[%add3A_11, %dma_wait3A_157] : memref<10240x32xf32, #tpu.memory_space<vmem_shared>> -> memref<128x32xf32, #tpu.memory_space<vmem_shared>>
      %dma_wait3A_159 = arith.constant 0 : i32
      %dma_wait3A_160 = tpu.memref_slice %arg10[%add3A_11, %dma_wait3A_159] : memref<10240x32xf32, #tpu.memory_space<vmem_shared>> -> memref<128x32xf32, #tpu.memory_space<vmem_shared>>
      tpu.wait_dma2 semaphore(%run_scoped3A : memref<!tpu.dma_semaphore, #tpu.memory_space<semaphore_mem>>) src(%arg8 : memref<128x32xf32, #tpu.memory_space<vmem>>) dst(%dma_wait3A_160 : memref<128x32xf32, #tpu.memory_space<vmem_shared>>)
      tpu.yield
    }) : () -> ()
    %mul3A_12 = arith.constant 640 : i32
    %mul3A_13 = arith.muli %arg1, %mul3A_12 : i32
    %add3A_14 = arith.constant 128 : i32
    %add3A_15 = arith.addi %mul3A_13, %add3A_14 : i32
    "tpu.region"() ({
      %run_scoped3A = tpu.sem_alloc : memref<!tpu.dma_semaphore, #tpu.memory_space<semaphore_mem>>
      %dma_start3A_153 = arith.constant 0 : i32
      %dma_start3A_154 = tpu.memref_slice %arg10[%add3A_15, %dma_start3A_153] : memref<10240x32xf32, #tpu.memory_space<vmem_shared>> -> memref<128x32xf32, #tpu.memory_space<vmem_shared>>
      %dma_start3A_155 = arith.constant 0 : i32
      %dma_start3A_156 = tpu.memref_slice %arg10[%add3A_15, %dma_start3A_155] : memref<10240x32xf32, #tpu.memory_space<vmem_shared>> -> memref<128x32xf32, #tpu.memory_space<vmem_shared>>
      tpu.enqueue_dma source(%arg8 : memref<128x32xf32, #tpu.memory_space<vmem>>) target(%dma_start3A_156 : memref<128x32xf32, #tpu.memory_space<vmem_shared>>) target_semaphore(%run_scoped3A : memref<!tpu.dma_semaphore, #tpu.memory_space<semaphore_mem>>)
      %dma_wait3A_157 = arith.constant 0 : i32
      %dma_wait3A_158 = tpu.memref_slice %arg10[%add3A_15, %dma_wait3A_157] : memref<10240x32xf32, #tpu.memory_space<vmem_shared>> -> memref<128x32xf32, #tpu.memory_space<vmem_shared>>
      %dma_wait3A_159 = arith.constant 0 : i32
      %dma_wait3A_160 = tpu.memref_slice %arg10[%add3A_15, %dma_wait3A_159] : memref<10240x32xf32, #tpu.memory_space<vmem_shared>> -> memref<128x32xf32, #tpu.memory_space<vmem_shared>>
      tpu.wait_dma2 semaphore(%run_scoped3A : memref<!tpu.dma_semaphore, #tpu.memory_space<semaphore_mem>>) src(%arg8 : memref<128x32xf32, #tpu.memory_space<vmem>>) dst(%dma_wait3A_160 : memref<128x32xf32, #tpu.memory_space<vmem_shared>>)
      tpu.yield
    }) : () -> ()
    %mul3A_16 = arith.constant 640 : i32
    %mul3A_17 = arith.muli %arg1, %mul3A_16 : i32
    %add3A_18 = arith.constant 256 : i32
    %add3A_19 = arith.addi %mul3A_17, %add3A_18 : i32
    "tpu.region"() ({
      %run_scoped3A = tpu.sem_alloc : memref<!tpu.dma_semaphore, #tpu.memory_space<semaphore_mem>>
      %dma_start3A_153 = arith.constant 0 : i32
      %dma_start3A_154 = tpu.memref_slice %arg10[%add3A_19, %dma_start3A_153] : memref<10240x32xf32, #tpu.memory_space<vmem_shared>> -> memref<128x32xf32, #tpu.memory_space<vmem_shared>>
      %dma_start3A_155 = arith.constant 0 : i32
      %dma_start3A_156 = tpu.memref_slice %arg10[%add3A_19, %dma_start3A_155] : memref<10240x32xf32, #tpu.memory_space<vmem_shared>> -> memref<128x32xf32, #tpu.memory_space<vmem_shared>>
      tpu.enqueue_dma source(%arg8 : memref<128x32xf32, #tpu.memory_space<vmem>>) target(%dma_start3A_156 : memref<128x32xf32, #tpu.memory_space<vmem_shared>>) target_semaphore(%run_scoped3A : memref<!tpu.dma_semaphore, #tpu.memory_space<semaphore_mem>>)
      %dma_wait3A_157 = arith.constant 0 : i32
      %dma_wait3A_158 = tpu.memref_slice %arg10[%add3A_19, %dma_wait3A_157] : memref<10240x32xf32, #tpu.memory_space<vmem_shared>> -> memref<128x32xf32, #tpu.memory_space<vmem_shared>>
      %dma_wait3A_159 = arith.constant 0 : i32
      %dma_wait3A_160 = tpu.memref_slice %arg10[%add3A_19, %dma_wait3A_159] : memref<10240x32xf32, #tpu.memory_space<vmem_shared>> -> memref<128x32xf32, #tpu.memory_space<vmem_shared>>
      tpu.wait_dma2 semaphore(%run_scoped3A : memref<!tpu.dma_semaphore, #tpu.memory_space<semaphore_mem>>) src(%arg8 : memref<128x32xf32, #tpu.memory_space<vmem>>) dst(%dma_wait3A_160 : memref<128x32xf32, #tpu.memory_space<vmem_shared>>)
      tpu.yield
    }) : () -> ()
    %mul3A_20 = arith.constant 640 : i32
    %mul3A_21 = arith.muli %arg1, %mul3A_20 : i32
    %add3A_22 = arith.constant 384 : i32
    %add3A_23 = arith.addi %mul3A_21, %add3A_22 : i32
    "tpu.region"() ({
      %run_scoped3A = tpu.sem_alloc : memref<!tpu.dma_semaphore, #tpu.memory_space<semaphore_mem>>
      %dma_start3A_153 = arith.constant 0 : i32
      %dma_start3A_154 = tpu.memref_slice %arg10[%add3A_23, %dma_start3A_153] : memref<10240x32xf32, #tpu.memory_space<vmem_shared>> -> memref<128x32xf32, #tpu.memory_space<vmem_shared>>
      %dma_start3A_155 = arith.constant 0 : i32
      %dma_start3A_156 = tpu.memref_slice %arg10[%add3A_23, %dma_start3A_155] : memref<10240x32xf32, #tpu.memory_space<vmem_shared>> -> memref<128x32xf32, #tpu.memory_space<vmem_shared>>
      tpu.enqueue_dma source(%arg8 : memref<128x32xf32, #tpu.memory_space<vmem>>) target(%dma_start3A_156 : memref<128x32xf32, #tpu.memory_space<vmem_shared>>) target_semaphore(%run_scoped3A : memref<!tpu.dma_semaphore, #tpu.memory_space<semaphore_mem>>)
      %dma_wait3A_157 = arith.constant 0 : i32
      %dma_wait3A_158 = tpu.memref_slice %arg10[%add3A_23, %dma_wait3A_157] : memref<10240x32xf32, #tpu.memory_space<vmem_shared>> -> memref<128x32xf32, #tpu.memory_space<vmem_shared>>
      %dma_wait3A_159 = arith.constant 0 : i32
      %dma_wait3A_160 = tpu.memref_slice %arg10[%add3A_23, %dma_wait3A_159] : memref<10240x32xf32, #tpu.memory_space<vmem_shared>> -> memref<128x32xf32, #tpu.memory_space<vmem_shared>>
      tpu.wait_dma2 semaphore(%run_scoped3A : memref<!tpu.dma_semaphore, #tpu.memory_space<semaphore_mem>>) src(%arg8 : memref<128x32xf32, #tpu.memory_space<vmem>>) dst(%dma_wait3A_160 : memref<128x32xf32, #tpu.memory_space<vmem_shared>>)
      tpu.yield
    }) : () -> ()
    %mul3A_24 = arith.constant 640 : i32
    %mul3A_25 = arith.muli %arg1, %mul3A_24 : i32
    %add3A_26 = arith.constant 512 : i32
    %add3A_27 = arith.addi %mul3A_25, %add3A_26 : i32
    "tpu.region"() ({
      %run_scoped3A = tpu.sem_alloc : memref<!tpu.dma_semaphore, #tpu.memory_space<semaphore_mem>>
      %dma_start3A_153 = arith.constant 0 : i32
      %dma_start3A_154 = tpu.memref_slice %arg10[%add3A_27, %dma_start3A_153] : memref<10240x32xf32, #tpu.memory_space<vmem_shared>> -> memref<128x32xf32, #tpu.memory_space<vmem_shared>>
      %dma_start3A_155 = arith.constant 0 : i32
      %dma_start3A_156 = tpu.memref_slice %arg10[%add3A_27, %dma_start3A_155] : memref<10240x32xf32, #tpu.memory_space<vmem_shared>> -> memref<128x32xf32, #tpu.memory_space<vmem_shared>>
      tpu.enqueue_dma source(%arg8 : memref<128x32xf32, #tpu.memory_space<vmem>>) target(%dma_start3A_156 : memref<128x32xf32, #tpu.memory_space<vmem_shared>>) target_semaphore(%run_scoped3A : memref<!tpu.dma_semaphore, #tpu.memory_space<semaphore_mem>>)
      %dma_wait3A_157 = arith.constant 0 : i32
      %dma_wait3A_158 = tpu.memref_slice %arg10[%add3A_27, %dma_wait3A_157] : memref<10240x32xf32, #tpu.memory_space<vmem_shared>> -> memref<128x32xf32, #tpu.memory_space<vmem_shared>>
      %dma_wait3A_159 = arith.constant 0 : i32
      %dma_wait3A_160 = tpu.memref_slice %arg10[%add3A_27, %dma_wait3A_159] : memref<10240x32xf32, #tpu.memory_space<vmem_shared>> -> memref<128x32xf32, #tpu.memory_space<vmem_shared>>
      tpu.wait_dma2 semaphore(%run_scoped3A : memref<!tpu.dma_semaphore, #tpu.memory_space<semaphore_mem>>) src(%arg8 : memref<128x32xf32, #tpu.memory_space<vmem>>) dst(%dma_wait3A_160 : memref<128x32xf32, #tpu.memory_space<vmem_shared>>)
      tpu.yield
    }) : () -> ()
    %barrier3A = arith.constant 0 : index
    tpu.barrier barrier_id(%barrier3A)
    %dma_start3A = arith.constant 0 : i32
    %dma_start3A_28 = arith.constant 0 : i32
    %dma_start3A_29 = tpu.memref_slice %arg6[%dma_start3A, %dma_start3A_28] : memref<160x128xi32, #tpu.memory_space<vmem>> -> memref<1x128xi32, #tpu.memory_space<vmem>>
    %dma_start3A_30 = tpu.memref_squeeze %dma_start3A_29 : memref<1x128xi32, #tpu.memory_space<vmem>> -> memref<128xi32, #tpu.memory_space<vmem>>
    %dma_start3A_31 = arith.constant 0 : i32
    %dma_start3A_32 = arith.constant 0 : i32
    %dma_start3A_33 = tpu.memref_slice %arg2[%dma_start3A_31, %dma_start3A_32] : memref<20000x32xf32, #tpu.memory_space<hbm>> -> memref<20000x32xf32, #tpu.memory_space<hbm>>
    tpu.enqueue_indirect_dma source(%dma_start3A_33 : memref<20000x32xf32, #tpu.memory_space<hbm>>) target(%arg8 : memref<128x32xf32, #tpu.memory_space<vmem>>) offsets(%dma_start3A_30 : memref<128xi32, #tpu.memory_space<vmem>>) semaphore(%arg11 : memref<!tpu.dma_semaphore, #tpu.memory_space<semaphore_mem>>)
    %dma_wait3A = arith.constant 0 : i32
    %dma_wait3A_34 = arith.constant 0 : i32
    %dma_wait3A_35 = tpu.memref_slice %arg6[%dma_wait3A, %dma_wait3A_34] : memref<160x128xi32, #tpu.memory_space<vmem>> -> memref<1x128xi32, #tpu.memory_space<vmem>>
    %dma_wait3A_36 = tpu.memref_squeeze %dma_wait3A_35 : memref<1x128xi32, #tpu.memory_space<vmem>> -> memref<128xi32, #tpu.memory_space<vmem>>
    %dma_wait3A_37 = arith.constant 0 : i32
    %dma_wait3A_38 = arith.constant 0 : i32
    %dma_wait3A_39 = tpu.memref_slice %arg2[%dma_wait3A_37, %dma_wait3A_38] : memref<20000x32xf32, #tpu.memory_space<hbm>> -> memref<20000x32xf32, #tpu.memory_space<hbm>>
    tpu.wait_indirect_dma semaphore(%arg11 : memref<!tpu.dma_semaphore, #tpu.memory_space<semaphore_mem>>) src(%dma_wait3A_39 : memref<20000x32xf32, #tpu.memory_space<hbm>>) dst(%arg8 : memref<128x32xf32, #tpu.memory_space<vmem>>)
    %dma_start3A_40 = arith.constant 0 : i32
    %dma_start3A_41 = arith.constant 0 : i32
    %dma_start3A_42 = tpu.memref_slice %arg7[%dma_start3A_40, %dma_start3A_41] : memref<160x128xi32, #tpu.memory_space<vmem>> -> memref<1x128xi32, #tpu.memory_space<vmem>>
    %dma_start3A_43 = tpu.memref_squeeze %dma_start3A_42 : memref<1x128xi32, #tpu.memory_space<vmem>> -> memref<128xi32, #tpu.memory_space<vmem>>
    %dma_start3A_44 = arith.constant 0 : i32
    %dma_start3A_45 = arith.constant 0 : i32
    %dma_start3A_46 = tpu.memref_slice %arg10[%dma_start3A_44, %dma_start3A_45] : memref<10240x32xf32, #tpu.memory_space<vmem_shared>> -> memref<10240x32xf32, #tpu.memory_space<vmem_shared>>
    tpu.enqueue_indirect_dma source(%arg8 : memref<128x32xf32, #tpu.memory_space<vmem>>) target(%dma_start3A_46 : memref<10240x32xf32, #tpu.memory_space<vmem_shared>>) offsets(%dma_start3A_43 : memref<128xi32, #tpu.memory_space<vmem>>) semaphore(%arg13 : memref<!tpu.dma_semaphore, #tpu.memory_space<semaphore_mem>>) {add = true}
    %dma_start3A_47 = arith.constant 1 : i32
    %dma_start3A_48 = arith.constant 0 : i32
    %dma_start3A_49 = tpu.memref_slice %arg6[%dma_start3A_47, %dma_start3A_48] : memref<160x128xi32, #tpu.memory_space<vmem>> -> memref<1x128xi32, #tpu.memory_space<vmem>>
    %dma_start3A_50 = tpu.memref_squeeze %dma_start3A_49 : memref<1x128xi32, #tpu.memory_space<vmem>> -> memref<128xi32, #tpu.memory_space<vmem>>
    %dma_start3A_51 = arith.constant 0 : i32
    %dma_start3A_52 = arith.constant 0 : i32
    %dma_start3A_53 = tpu.memref_slice %arg2[%dma_start3A_51, %dma_start3A_52] : memref<20000x32xf32, #tpu.memory_space<hbm>> -> memref<20000x32xf32, #tpu.memory_space<hbm>>
    tpu.enqueue_indirect_dma source(%dma_start3A_53 : memref<20000x32xf32, #tpu.memory_space<hbm>>) target(%arg9 : memref<128x32xf32, #tpu.memory_space<vmem>>) offsets(%dma_start3A_50 : memref<128xi32, #tpu.memory_space<vmem>>) semaphore(%arg12 : memref<!tpu.dma_semaphore, #tpu.memory_space<semaphore_mem>>)
    %dma_wait3A_54 = arith.constant 1 : i32
    %dma_wait3A_55 = arith.constant 0 : i32
    %dma_wait3A_56 = tpu.memref_slice %arg6[%dma_wait3A_54, %dma_wait3A_55] : memref<160x128xi32, #tpu.memory_space<vmem>> -> memref<1x128xi32, #tpu.memory_space<vmem>>
    %dma_wait3A_57 = tpu.memref_squeeze %dma_wait3A_56 : memref<1x128xi32, #tpu.memory_space<vmem>> -> memref<128xi32, #tpu.memory_space<vmem>>
    %dma_wait3A_58 = arith.constant 0 : i32
    %dma_wait3A_59 = arith.constant 0 : i32
    %dma_wait3A_60 = tpu.memref_slice %arg2[%dma_wait3A_58, %dma_wait3A_59] : memref<20000x32xf32, #tpu.memory_space<hbm>> -> memref<20000x32xf32, #tpu.memory_space<hbm>>
    tpu.wait_indirect_dma semaphore(%arg12 : memref<!tpu.dma_semaphore, #tpu.memory_space<semaphore_mem>>) src(%dma_wait3A_60 : memref<20000x32xf32, #tpu.memory_space<hbm>>) dst(%arg9 : memref<128x32xf32, #tpu.memory_space<vmem>>)
    %dma_start3A_61 = arith.constant 1 : i32
    %dma_start3A_62 = arith.constant 0 : i32
    %dma_start3A_63 = tpu.memref_slice %arg7[%dma_start3A_61, %dma_start3A_62] : memref<160x128xi32, #tpu.memory_space<vmem>> -> memref<1x128xi32, #tpu.memory_space<vmem>>
    %dma_start3A_64 = tpu.memref_squeeze %dma_start3A_63 : memref<1x128xi32, #tpu.memory_space<vmem>> -> memref<128xi32, #tpu.memory_space<vmem>>
    %dma_start3A_65 = arith.constant 0 : i32
    %dma_start3A_66 = arith.constant 0 : i32
    %dma_start3A_67 = tpu.memref_slice %arg10[%dma_start3A_65, %dma_start3A_66] : memref<10240x32xf32, #tpu.memory_space<vmem_shared>> -> memref<10240x32xf32, #tpu.memory_space<vmem_shared>>
    tpu.enqueue_indirect_dma source(%arg9 : memref<128x32xf32, #tpu.memory_space<vmem>>) target(%dma_start3A_67 : memref<10240x32xf32, #tpu.memory_space<vmem_shared>>) offsets(%dma_start3A_64 : memref<128xi32, #tpu.memory_space<vmem>>) semaphore(%arg14 : memref<!tpu.dma_semaphore, #tpu.memory_space<semaphore_mem>>) {add = true}
    %dma_wait3A_68 = arith.constant 0 : i32
    %dma_wait3A_69 = arith.constant 0 : i32
    %dma_wait3A_70 = tpu.memref_slice %arg7[%dma_wait3A_68, %dma_wait3A_69] : memref<160x128xi32, #tpu.memory_space<vmem>> -> memref<1x128xi32, #tpu.memory_space<vmem>>
    %dma_wait3A_71 = tpu.memref_squeeze %dma_wait3A_70 : memref<1x128xi32, #tpu.memory_space<vmem>> -> memref<128xi32, #tpu.memory_space<vmem>>
    %dma_wait3A_72 = arith.constant 0 : i32
    %dma_wait3A_73 = arith.constant 0 : i32
    %dma_wait3A_74 = tpu.memref_slice %arg10[%dma_wait3A_72, %dma_wait3A_73] : memref<10240x32xf32, #tpu.memory_space<vmem_shared>> -> memref<10240x32xf32, #tpu.memory_space<vmem_shared>>
    tpu.wait_indirect_dma semaphore(%arg13 : memref<!tpu.dma_semaphore, #tpu.memory_space<semaphore_mem>>) src(%arg8 : memref<128x32xf32, #tpu.memory_space<vmem>>) dst(%dma_wait3A_74 : memref<10240x32xf32, #tpu.memory_space<vmem_shared>>)
    %dma_start3A_75 = arith.constant 2 : i32
    %dma_start3A_76 = arith.constant 0 : i32
    %dma_start3A_77 = tpu.memref_slice %arg6[%dma_start3A_75, %dma_start3A_76] : memref<160x128xi32, #tpu.memory_space<vmem>> -> memref<1x128xi32, #tpu.memory_space<vmem>>
    %dma_start3A_78 = tpu.memref_squeeze %dma_start3A_77 : memref<1x128xi32, #tpu.memory_space<vmem>> -> memref<128xi32, #tpu.memory_space<vmem>>
    %dma_start3A_79 = arith.constant 0 : i32
    %dma_start3A_80 = arith.constant 0 : i32
    %dma_start3A_81 = tpu.memref_slice %arg2[%dma_start3A_79, %dma_start3A_80] : memref<20000x32xf32, #tpu.memory_space<hbm>> -> memref<20000x32xf32, #tpu.memory_space<hbm>>
    tpu.enqueue_indirect_dma source(%dma_start3A_81 : memref<20000x32xf32, #tpu.memory_space<hbm>>) target(%arg8 : memref<128x32xf32, #tpu.memory_space<vmem>>) offsets(%dma_start3A_78 : memref<128xi32, #tpu.memory_space<vmem>>) semaphore(%arg11 : memref<!tpu.dma_semaphore, #tpu.memory_space<semaphore_mem>>)
    %scan3A_82 = arith.constant 0 : i32
    %scan3A_83 = arith.constant 1 : i32
    %scan3A_84 = arith.constant 78 : i32
    %scan3A_85 = arith.addi %scan3A_83, %scan3A_84 : i32
    %scan3A_86 = arith.constant 1 : i32
    %scan3A_87 = scf.for %scan3A_153 = %scan3A_83 to %scan3A_85 step %scan3A_86 iter_args(%scan3A_154 = %scan3A_82) -> (i32)  : i32 {
      %mul3A_155 = arith.constant 2 : i32
      %mul3A_156 = arith.muli %scan3A_153, %mul3A_155 : i32
      %dma_wait3A_157 = arith.constant 0 : i32
      %dma_wait3A_158 = tpu.memref_slice %arg6[%mul3A_156, %dma_wait3A_157] : memref<160x128xi32, #tpu.memory_space<vmem>> -> memref<1x128xi32, #tpu.memory_space<vmem>>
      %dma_wait3A_159 = tpu.memref_squeeze %dma_wait3A_158 : memref<1x128xi32, #tpu.memory_space<vmem>> -> memref<128xi32, #tpu.memory_space<vmem>>
      %dma_wait3A_160 = arith.constant 0 : i32
      %dma_wait3A_161 = arith.constant 0 : i32
      %dma_wait3A_162 = tpu.memref_slice %arg2[%dma_wait3A_160, %dma_wait3A_161] : memref<20000x32xf32, #tpu.memory_space<hbm>> -> memref<20000x32xf32, #tpu.memory_space<hbm>>
      tpu.wait_indirect_dma semaphore(%arg11 : memref<!tpu.dma_semaphore, #tpu.memory_space<semaphore_mem>>) src(%dma_wait3A_162 : memref<20000x32xf32, #tpu.memory_space<hbm>>) dst(%arg8 : memref<128x32xf32, #tpu.memory_space<vmem>>)
      %dma_start3A_163 = arith.constant 0 : i32
      %dma_start3A_164 = tpu.memref_slice %arg7[%mul3A_156, %dma_start3A_163] : memref<160x128xi32, #tpu.memory_space<vmem>> -> memref<1x128xi32, #tpu.memory_space<vmem>>
      %dma_start3A_165 = tpu.memref_squeeze %dma_start3A_164 : memref<1x128xi32, #tpu.memory_space<vmem>> -> memref<128xi32, #tpu.memory_space<vmem>>
      %dma_start3A_166 = arith.constant 0 : i32
      %dma_start3A_167 = arith.constant 0 : i32
      %dma_start3A_168 = tpu.memref_slice %arg10[%dma_start3A_166, %dma_start3A_167] : memref<10240x32xf32, #tpu.memory_space<vmem_shared>> -> memref<10240x32xf32, #tpu.memory_space<vmem_shared>>
      tpu.enqueue_indirect_dma source(%arg8 : memref<128x32xf32, #tpu.memory_space<vmem>>) target(%dma_start3A_168 : memref<10240x32xf32, #tpu.memory_space<vmem_shared>>) offsets(%dma_start3A_165 : memref<128xi32, #tpu.memory_space<vmem>>) semaphore(%arg13 : memref<!tpu.dma_semaphore, #tpu.memory_space<semaphore_mem>>) {add = true}
      %sub3A = arith.constant 1 : i32
      %sub3A_169 = arith.subi %mul3A_156, %sub3A : i32
      %dma_wait3A_170 = arith.constant 0 : i32
      %dma_wait3A_171 = tpu.memref_slice %arg7[%sub3A_169, %dma_wait3A_170] : memref<160x128xi32, #tpu.memory_space<vmem>> -> memref<1x128xi32, #tpu.memory_space<vmem>>
      %dma_wait3A_172 = tpu.memref_squeeze %dma_wait3A_171 : memref<1x128xi32, #tpu.memory_space<vmem>> -> memref<128xi32, #tpu.memory_space<vmem>>
      %dma_wait3A_173 = arith.constant 0 : i32
      %dma_wait3A_174 = arith.constant 0 : i32
      %dma_wait3A_175 = tpu.memref_slice %arg10[%dma_wait3A_173, %dma_wait3A_174] : memref<10240x32xf32, #tpu.memory_space<vmem_shared>> -> memref<10240x32xf32, #tpu.memory_space<vmem_shared>>
      tpu.wait_indirect_dma semaphore(%arg14 : memref<!tpu.dma_semaphore, #tpu.memory_space<semaphore_mem>>) src(%arg9 : memref<128x32xf32, #tpu.memory_space<vmem>>) dst(%dma_wait3A_175 : memref<10240x32xf32, #tpu.memory_space<vmem_shared>>)
      %add3A_176 = arith.constant 1 : i32
      %add3A_177 = arith.addi %mul3A_156, %add3A_176 : i32
      %dma_start3A_178 = arith.constant 0 : i32
      %dma_start3A_179 = tpu.memref_slice %arg6[%add3A_177, %dma_start3A_178] : memref<160x128xi32, #tpu.memory_space<vmem>> -> memref<1x128xi32, #tpu.memory_space<vmem>>
      %dma_start3A_180 = tpu.memref_squeeze %dma_start3A_179 : memref<1x128xi32, #tpu.memory_space<vmem>> -> memref<128xi32, #tpu.memory_space<vmem>>
      %dma_start3A_181 = arith.constant 0 : i32
      %dma_start3A_182 = arith.constant 0 : i32
      %dma_start3A_183 = tpu.memref_slice %arg2[%dma_start3A_181, %dma_start3A_182] : memref<20000x32xf32, #tpu.memory_space<hbm>> -> memref<20000x32xf32, #tpu.memory_space<hbm>>
      tpu.enqueue_indirect_dma source(%dma_start3A_183 : memref<20000x32xf32, #tpu.memory_space<hbm>>) target(%arg9 : memref<128x32xf32, #tpu.memory_space<vmem>>) offsets(%dma_start3A_180 : memref<128xi32, #tpu.memory_space<vmem>>) semaphore(%arg12 : memref<!tpu.dma_semaphore, #tpu.memory_space<semaphore_mem>>)
      %add3A_184 = arith.constant 1 : i32
      %add3A_185 = arith.addi %mul3A_156, %add3A_184 : i32
      %dma_wait3A_186 = arith.constant 0 : i32
      %dma_wait3A_187 = tpu.memref_slice %arg6[%add3A_185, %dma_wait3A_186] : memref<160x128xi32, #tpu.memory_space<vmem>> -> memref<1x128xi32, #tpu.memory_space<vmem>>
      %dma_wait3A_188 = tpu.memref_squeeze %dma_wait3A_187 : memref<1x128xi32, #tpu.memory_space<vmem>> -> memref<128xi32, #tpu.memory_space<vmem>>
      %dma_wait3A_189 = arith.constant 0 : i32
      %dma_wait3A_190 = arith.constant 0 : i32
      %dma_wait3A_191 = tpu.memref_slice %arg2[%dma_wait3A_189, %dma_wait3A_190] : memref<20000x32xf32, #tpu.memory_space<hbm>> -> memref<20000x32xf32, #tpu.memory_space<hbm>>
      tpu.wait_indirect_dma semaphore(%arg12 : memref<!tpu.dma_semaphore, #tpu.memory_space<semaphore_mem>>) src(%dma_wait3A_191 : memref<20000x32xf32, #tpu.memory_space<hbm>>) dst(%arg9 : memref<128x32xf32, #tpu.memory_space<vmem>>)
      %dma_start3A_192 = arith.constant 0 : i32
      %dma_start3A_193 = tpu.memref_slice %arg7[%add3A_185, %dma_start3A_192] : memref<160x128xi32, #tpu.memory_space<vmem>> -> memref<1x128xi32, #tpu.memory_space<vmem>>
      %dma_start3A_194 = tpu.memref_squeeze %dma_start3A_193 : memref<1x128xi32, #tpu.memory_space<vmem>> -> memref<128xi32, #tpu.memory_space<vmem>>
      %dma_start3A_195 = arith.constant 0 : i32
      %dma_start3A_196 = arith.constant 0 : i32
      %dma_start3A_197 = tpu.memref_slice %arg10[%dma_start3A_195, %dma_start3A_196] : memref<10240x32xf32, #tpu.memory_space<vmem_shared>> -> memref<10240x32xf32, #tpu.memory_space<vmem_shared>>
      tpu.enqueue_indirect_dma source(%arg9 : memref<128x32xf32, #tpu.memory_space<vmem>>) target(%dma_start3A_197 : memref<10240x32xf32, #tpu.memory_space<vmem_shared>>) offsets(%dma_start3A_194 : memref<128xi32, #tpu.memory_space<vmem>>) semaphore(%arg14 : memref<!tpu.dma_semaphore, #tpu.memory_space<semaphore_mem>>) {add = true}
      %sub3A_198 = arith.constant 1 : i32
      %sub3A_199 = arith.subi %add3A_185, %sub3A_198 : i32
      %dma_wait3A_200 = arith.constant 0 : i32
      %dma_wait3A_201 = tpu.memref_slice %arg7[%sub3A_199, %dma_wait3A_200] : memref<160x128xi32, #tpu.memory_space<vmem>> -> memref<1x128xi32, #tpu.memory_space<vmem>>
      %dma_wait3A_202 = tpu.memref_squeeze %dma_wait3A_201 : memref<1x128xi32, #tpu.memory_space<vmem>> -> memref<128xi32, #tpu.memory_space<vmem>>
      %dma_wait3A_203 = arith.constant 0 : i32
      %dma_wait3A_204 = arith.constant 0 : i32
      %dma_wait3A_205 = tpu.memref_slice %arg10[%dma_wait3A_203, %dma_wait3A_204] : memref<10240x32xf32, #tpu.memory_space<vmem_shared>> -> memref<10240x32xf32, #tpu.memory_space<vmem_shared>>
      tpu.wait_indirect_dma semaphore(%arg13 : memref<!tpu.dma_semaphore, #tpu.memory_space<semaphore_mem>>) src(%arg8 : memref<128x32xf32, #tpu.memory_space<vmem>>) dst(%dma_wait3A_205 : memref<10240x32xf32, #tpu.memory_space<vmem_shared>>)
      %add3A_206 = arith.constant 1 : i32
      %add3A_207 = arith.addi %add3A_185, %add3A_206 : i32
      %dma_start3A_208 = arith.constant 0 : i32
      %dma_start3A_209 = tpu.memref_slice %arg6[%add3A_207, %dma_start3A_208] : memref<160x128xi32, #tpu.memory_space<vmem>> -> memref<1x128xi32, #tpu.memory_space<vmem>>
      %dma_start3A_210 = tpu.memref_squeeze %dma_start3A_209 : memref<1x128xi32, #tpu.memory_space<vmem>> -> memref<128xi32, #tpu.memory_space<vmem>>
      %dma_start3A_211 = arith.constant 0 : i32
      %dma_start3A_212 = arith.constant 0 : i32
      %dma_start3A_213 = tpu.memref_slice %arg2[%dma_start3A_211, %dma_start3A_212] : memref<20000x32xf32, #tpu.memory_space<hbm>> -> memref<20000x32xf32, #tpu.memory_space<hbm>>
      tpu.enqueue_indirect_dma source(%dma_start3A_213 : memref<20000x32xf32, #tpu.memory_space<hbm>>) target(%arg8 : memref<128x32xf32, #tpu.memory_space<vmem>>) offsets(%dma_start3A_210 : memref<128xi32, #tpu.memory_space<vmem>>) semaphore(%arg11 : memref<!tpu.dma_semaphore, #tpu.memory_space<semaphore_mem>>)
      %scan3A_214 = arith.constant 0 : i32
      scf.yield %scan3A_214 : i32
    }
    %scan3A_88 = arith.constant 78 : i32
    %dma_wait3A_89 = arith.constant 158 : i32
    %dma_wait3A_90 = arith.constant 0 : i32
    %dma_wait3A_91 = tpu.memref_slice %arg6[%dma_wait3A_89, %dma_wait3A_90] : memref<160x128xi32, #tpu.memory_space<vmem>> -> memref<1x128xi32, #tpu.memory_space<vmem>>
    %dma_wait3A_92 = tpu.memref_squeeze %dma_wait3A_91 : memref<1x128xi32, #tpu.memory_space<vmem>> -> memref<128xi32, #tpu.memory_space<vmem>>
    %dma_wait3A_93 = arith.constant 0 : i32
    %dma_wait3A_94 = arith.constant 0 : i32
    %dma_wait3A_95 = tpu.memref_slice %arg2[%dma_wait3A_93, %dma_wait3A_94] : memref<20000x32xf32, #tpu.memory_space<hbm>> -> memref<20000x32xf32, #tpu.memory_space<hbm>>
    tpu.wait_indirect_dma semaphore(%arg11 : memref<!tpu.dma_semaphore, #tpu.memory_space<semaphore_mem>>) src(%dma_wait3A_95 : memref<20000x32xf32, #tpu.memory_space<hbm>>) dst(%arg8 : memref<128x32xf32, #tpu.memory_space<vmem>>)
    %dma_start3A_96 = arith.constant 158 : i32
    %dma_start3A_97 = arith.constant 0 : i32
    %dma_start3A_98 = tpu.memref_slice %arg7[%dma_start3A_96, %dma_start3A_97] : memref<160x128xi32, #tpu.memory_space<vmem>> -> memref<1x128xi32, #tpu.memory_space<vmem>>
    %dma_start3A_99 = tpu.memref_squeeze %dma_start3A_98 : memref<1x128xi32, #tpu.memory_space<vmem>> -> memref<128xi32, #tpu.memory_space<vmem>>
    %dma_start3A_100 = arith.constant 0 : i32
    %dma_start3A_101 = arith.constant 0 : i32
    %dma_start3A_102 = tpu.memref_slice %arg10[%dma_start3A_100, %dma_start3A_101] : memref<10240x32xf32, #tpu.memory_space<vmem_shared>> -> memref<10240x32xf32, #tpu.memory_space<vmem_shared>>
    tpu.enqueue_indirect_dma source(%arg8 : memref<128x32xf32, #tpu.memory_space<vmem>>) target(%dma_start3A_102 : memref<10240x32xf32, #tpu.memory_space<vmem_shared>>) offsets(%dma_start3A_99 : memref<128xi32, #tpu.memory_space<vmem>>) semaphore(%arg13 : memref<!tpu.dma_semaphore, #tpu.memory_space<semaphore_mem>>) {add = true}
    %dma_wait3A_103 = arith.constant 157 : i32
    %dma_wait3A_104 = arith.constant 0 : i32
    %dma_wait3A_105 = tpu.memref_slice %arg7[%dma_wait3A_103, %dma_wait3A_104] : memref<160x128xi32, #tpu.memory_space<vmem>> -> memref<1x128xi32, #tpu.memory_space<vmem>>
    %dma_wait3A_106 = tpu.memref_squeeze %dma_wait3A_105 : memref<1x128xi32, #tpu.memory_space<vmem>> -> memref<128xi32, #tpu.memory_space<vmem>>
    %dma_wait3A_107 = arith.constant 0 : i32
    %dma_wait3A_108 = arith.constant 0 : i32
    %dma_wait3A_109 = tpu.memref_slice %arg10[%dma_wait3A_107, %dma_wait3A_108] : memref<10240x32xf32, #tpu.memory_space<vmem_shared>> -> memref<10240x32xf32, #tpu.memory_space<vmem_shared>>
    tpu.wait_indirect_dma semaphore(%arg14 : memref<!tpu.dma_semaphore, #tpu.memory_space<semaphore_mem>>) src(%arg9 : memref<128x32xf32, #tpu.memory_space<vmem>>) dst(%dma_wait3A_109 : memref<10240x32xf32, #tpu.memory_space<vmem_shared>>)
    %dma_start3A_110 = arith.constant 159 : i32
    %dma_start3A_111 = arith.constant 0 : i32
    %dma_start3A_112 = tpu.memref_slice %arg6[%dma_start3A_110, %dma_start3A_111] : memref<160x128xi32, #tpu.memory_space<vmem>> -> memref<1x128xi32, #tpu.memory_space<vmem>>
    %dma_start3A_113 = tpu.memref_squeeze %dma_start3A_112 : memref<1x128xi32, #tpu.memory_space<vmem>> -> memref<128xi32, #tpu.memory_space<vmem>>
    %dma_start3A_114 = arith.constant 0 : i32
    %dma_start3A_115 = arith.constant 0 : i32
    %dma_start3A_116 = tpu.memref_slice %arg2[%dma_start3A_114, %dma_start3A_115] : memref<20000x32xf32, #tpu.memory_space<hbm>> -> memref<20000x32xf32, #tpu.memory_space<hbm>>
    tpu.enqueue_indirect_dma source(%dma_start3A_116 : memref<20000x32xf32, #tpu.memory_space<hbm>>) target(%arg9 : memref<128x32xf32, #tpu.memory_space<vmem>>) offsets(%dma_start3A_113 : memref<128xi32, #tpu.memory_space<vmem>>) semaphore(%arg12 : memref<!tpu.dma_semaphore, #tpu.memory_space<semaphore_mem>>)
    %dma_wait3A_117 = arith.constant 159 : i32
    %dma_wait3A_118 = arith.constant 0 : i32
    %dma_wait3A_119 = tpu.memref_slice %arg6[%dma_wait3A_117, %dma_wait3A_118] : memref<160x128xi32, #tpu.memory_space<vmem>> -> memref<1x128xi32, #tpu.memory_space<vmem>>
    %dma_wait3A_120 = tpu.memref_squeeze %dma_wait3A_119 : memref<1x128xi32, #tpu.memory_space<vmem>> -> memref<128xi32, #tpu.memory_space<vmem>>
    %dma_wait3A_121 = arith.constant 0 : i32
    %dma_wait3A_122 = arith.constant 0 : i32
    %dma_wait3A_123 = tpu.memref_slice %arg2[%dma_wait3A_121, %dma_wait3A_122] : memref<20000x32xf32, #tpu.memory_space<hbm>> -> memref<20000x32xf32, #tpu.memory_space<hbm>>
    tpu.wait_indirect_dma semaphore(%arg12 : memref<!tpu.dma_semaphore, #tpu.memory_space<semaphore_mem>>) src(%dma_wait3A_123 : memref<20000x32xf32, #tpu.memory_space<hbm>>) dst(%arg9 : memref<128x32xf32, #tpu.memory_space<vmem>>)
    %dma_start3A_124 = arith.constant 159 : i32
    %dma_start3A_125 = arith.constant 0 : i32
    %dma_start3A_126 = tpu.memref_slice %arg7[%dma_start3A_124, %dma_start3A_125] : memref<160x128xi32, #tpu.memory_space<vmem>> -> memref<1x128xi32, #tpu.memory_space<vmem>>
    %dma_start3A_127 = tpu.memref_squeeze %dma_start3A_126 : memref<1x128xi32, #tpu.memory_space<vmem>> -> memref<128xi32, #tpu.memory_space<vmem>>
    %dma_start3A_128 = arith.constant 0 : i32
    %dma_start3A_129 = arith.constant 0 : i32
    %dma_start3A_130 = tpu.memref_slice %arg10[%dma_start3A_128, %dma_start3A_129] : memref<10240x32xf32, #tpu.memory_space<vmem_shared>> -> memref<10240x32xf32, #tpu.memory_space<vmem_shared>>
    tpu.enqueue_indirect_dma source(%arg9 : memref<128x32xf32, #tpu.memory_space<vmem>>) target(%dma_start3A_130 : memref<10240x32xf32, #tpu.memory_space<vmem_shared>>) offsets(%dma_start3A_127 : memref<128xi32, #tpu.memory_space<vmem>>) semaphore(%arg14 : memref<!tpu.dma_semaphore, #tpu.memory_space<semaphore_mem>>) {add = true}
    %dma_wait3A_131 = arith.constant 158 : i32
    %dma_wait3A_132 = arith.constant 0 : i32
    %dma_wait3A_133 = tpu.memref_slice %arg7[%dma_wait3A_131, %dma_wait3A_132] : memref<160x128xi32, #tpu.memory_space<vmem>> -> memref<1x128xi32, #tpu.memory_space<vmem>>
    %dma_wait3A_134 = tpu.memref_squeeze %dma_wait3A_133 : memref<1x128xi32, #tpu.memory_space<vmem>> -> memref<128xi32, #tpu.memory_space<vmem>>
    %dma_wait3A_135 = arith.constant 0 : i32
    %dma_wait3A_136 = arith.constant 0 : i32
    %dma_wait3A_137 = tpu.memref_slice %arg10[%dma_wait3A_135, %dma_wait3A_136] : memref<10240x32xf32, #tpu.memory_space<vmem_shared>> -> memref<10240x32xf32, #tpu.memory_space<vmem_shared>>
    tpu.wait_indirect_dma semaphore(%arg13 : memref<!tpu.dma_semaphore, #tpu.memory_space<semaphore_mem>>) src(%arg8 : memref<128x32xf32, #tpu.memory_space<vmem>>) dst(%dma_wait3A_137 : memref<10240x32xf32, #tpu.memory_space<vmem_shared>>)
    %dma_wait3A_138 = arith.constant 159 : i32
    %dma_wait3A_139 = arith.constant 0 : i32
    %dma_wait3A_140 = tpu.memref_slice %arg7[%dma_wait3A_138, %dma_wait3A_139] : memref<160x128xi32, #tpu.memory_space<vmem>> -> memref<1x128xi32, #tpu.memory_space<vmem>>
    %dma_wait3A_141 = tpu.memref_squeeze %dma_wait3A_140 : memref<1x128xi32, #tpu.memory_space<vmem>> -> memref<128xi32, #tpu.memory_space<vmem>>
    %dma_wait3A_142 = arith.constant 0 : i32
    %dma_wait3A_143 = arith.constant 0 : i32
    %dma_wait3A_144 = tpu.memref_slice %arg10[%dma_wait3A_142, %dma_wait3A_143] : memref<10240x32xf32, #tpu.memory_space<vmem_shared>> -> memref<10240x32xf32, #tpu.memory_space<vmem_shared>>
    tpu.wait_indirect_dma semaphore(%arg14 : memref<!tpu.dma_semaphore, #tpu.memory_space<semaphore_mem>>) src(%arg9 : memref<128x32xf32, #tpu.memory_space<vmem>>) dst(%dma_wait3A_144 : memref<10240x32xf32, #tpu.memory_space<vmem_shared>>)
    %barrier3A_145 = arith.constant 0 : index
    tpu.barrier barrier_id(%barrier3A_145)
    %mul3A_146 = arith.constant 640 : i32
    %mul3A_147 = arith.muli %arg1, %mul3A_146 : i32
    %mul3A_148 = arith.constant 10240 : i32
    %mul3A_149 = arith.muli %arg0, %mul3A_148 : i32
    %mul3A_150 = arith.constant 640 : i32
    %mul3A_151 = arith.muli %arg1, %mul3A_150 : i32
    %add3A_152 = arith.addi %mul3A_149, %mul3A_151 : i32
    "tpu.region"() ({
      %run_scoped3A = tpu.sem_alloc : memref<!tpu.dma_semaphore, #tpu.memory_space<semaphore_mem>>
      %dma_start3A_153 = arith.constant 0 : i32
      %dma_start3A_154 = tpu.memref_slice %arg5[%add3A_152, %dma_start3A_153] : memref<20480x32xf32, #tpu.memory_space<hbm>> -> memref<640x32xf32, #tpu.memory_space<hbm>>
      %dma_start3A_155 = arith.constant 0 : i32
      %dma_start3A_156 = tpu.memref_slice %arg10[%mul3A_147, %dma_start3A_155] : memref<10240x32xf32, #tpu.memory_space<vmem_shared>> -> memref<640x32xf32, #tpu.memory_space<vmem_shared>>
      tpu.enqueue_dma source(%dma_start3A_156 : memref<640x32xf32, #tpu.memory_space<vmem_shared>>) target(%dma_start3A_154 : memref<640x32xf32, #tpu.memory_space<hbm>>) target_semaphore(%run_scoped3A : memref<!tpu.dma_semaphore, #tpu.memory_space<semaphore_mem>>)
      %dma_wait3A_157 = arith.constant 0 : i32
      %dma_wait3A_158 = tpu.memref_slice %arg5[%add3A_152, %dma_wait3A_157] : memref<20480x32xf32, #tpu.memory_space<hbm>> -> memref<640x32xf32, #tpu.memory_space<hbm>>
      %dma_wait3A_159 = arith.constant 0 : i32
      %dma_wait3A_160 = tpu.memref_slice %arg10[%mul3A_147, %dma_wait3A_159] : memref<10240x32xf32, #tpu.memory_space<vmem_shared>> -> memref<640x32xf32, #tpu.memory_space<vmem_shared>>
      tpu.wait_dma2 semaphore(%run_scoped3A : memref<!tpu.dma_semaphore, #tpu.memory_space<semaphore_mem>>) src(%dma_wait3A_160 : memref<640x32xf32, #tpu.memory_space<vmem_shared>>) dst(%dma_wait3A_158 : memref<640x32xf32, #tpu.memory_space<hbm>>)
      tpu.yield
    }) : () -> ()
    return
  }
}

module attributes {stable_mosaic.version = 14 : i64} {
  func.func @_tc1_body(%arg0: i32, %arg1: memref<1000x128xf32, #tpu.memory_space<vmem>>, %arg2: memref<128x128xf32, #tpu.memory_space<vmem>>, %arg3: memref<1000x1xf32, #tpu.memory_space<vmem>>, %arg4: memref<1000x1xf32, #tpu.memory_space<vmem>>, %arg5: memref<1000x128xf32, #tpu.memory_space<vmem>>, %arg6: memref<1000x1xf32, #tpu.memory_space<vmem>>) attributes {dimension_semantics = [#tpu.dimension_semantics<arbitrary>], iteration_bounds = array<i64: 10>, scalar_prefetch = 0 : i64, scratch_operands = 0 : i64, tpu.core_type = #tpu.core_type<tc>, window_params = [{transform_indices = @transform_0, window_bounds = array<i64: 1000, 128>}, {pipeline_mode = #tpu.pipeline_mode<synchronous>, transform_indices = @transform_1, window_bounds = array<i64: 128, 128>}, {transform_indices = @transform_2, window_bounds = array<i64: 1000, 1>}, {transform_indices = @transform_3, window_bounds = array<i64: 1000, 1>}, {transform_indices = @transform_4, window_bounds = array<i64: 1000, 128>}, {transform_indices = @transform_5, window_bounds = array<i64: 1000, 1>}]} {
    %get3A = arith.constant 0 : index
    %get3A_0 = arith.constant 0 : index
    %get3A_1 = vector.load %arg3[%get3A, %get3A_0] : memref<1000x1xf32, #tpu.memory_space<vmem>>, vector<1000x1xf32>
    %get3A_2 = arith.constant 0 : index
    %get3A_3 = arith.constant 0 : index
    %get3A_4 = vector.load %arg4[%get3A_2, %get3A_3] : memref<1000x1xf32, #tpu.memory_space<vmem>>, vector<1000x1xf32>
    %add3A = arith.addf %get3A_1, %get3A_4 : vector<1000x1xf32>
    %add3A_5 = arith.constant 1.000000e+00 : f32
    %add3A_6 = vector.broadcast %add3A_5 : f32 to vector<1000x1xf32>
    %add3A_7 = arith.addf %add3A, %add3A_6 : vector<1000x1xf32>
    %rsqrt3A = math.rsqrt %add3A_7 : vector<1000x1xf32>
    %swap3A = arith.constant 0 : index
    %swap3A_8 = arith.constant 0 : index
    %swap3A_9 = vector.load %arg6[%swap3A, %swap3A_8] : memref<1000x1xf32, #tpu.memory_space<vmem>>, vector<1000x1xf32>
    tpu.vector_store %arg6[%swap3A, %swap3A_8], %rsqrt3A {strides = array<i32>} : memref<1000x1xf32, #tpu.memory_space<vmem>>, vector<1000x1xf32>,
    %get3A_10 = arith.constant 0 : index
    %get3A_11 = arith.constant 0 : index
    %get3A_12 = vector.load %arg1[%get3A_10, %get3A_11] : memref<1000x128xf32, #tpu.memory_space<vmem>>, vector<1000x128xf32>
    %get3A_13 = arith.constant 0 : index
    %get3A_14 = arith.constant 0 : index
    %get3A_15 = vector.load %arg2[%get3A_13, %get3A_14] : memref<128x128xf32, #tpu.memory_space<vmem>>, vector<128x128xf32>
    %dot_general3A = arith.constant dense<0.000000e+00> : vector<1000x128xf32>
    %dot_general3A_16 = tpu.matmul %get3A_12, %get3A_15, %dot_general3A {dimension_numbers = #tpu.dot_dimension_numbers<[1], [0], [0], [1], [0, 0, 1, 1], [], []>, transpose_lhs_hint = false} : vector<1000x128xf32>, vector<128x128xf32>, vector<1000x128xf32> -> vector<1000x128xf32>
    %mul3A = vector.broadcast %rsqrt3A : vector<1000x1xf32> to vector<1000x128xf32>
    %mul3A_17 = arith.mulf %dot_general3A_16, %mul3A : vector<1000x128xf32>
    %swap3A_18 = arith.constant 0 : index
    %swap3A_19 = arith.constant 0 : index
    %swap3A_20 = vector.load %arg5[%swap3A_18, %swap3A_19] : memref<1000x128xf32, #tpu.memory_space<vmem>>, vector<1000x128xf32>
    tpu.vector_store %arg5[%swap3A_18, %swap3A_19], %mul3A_17 {strides = array<i32>} : memref<1000x128xf32, #tpu.memory_space<vmem>>, vector<1000x128xf32>,
    return
  }
  func.func @transform_0(%arg0: i32) -> (i32, i32) {
    %c0_i32 = arith.constant 0 : i32
    %c0_i32_0 = arith.constant 0 : i32
    return %arg0, %c0_i32 : i32, i32
  }
  func.func @transform_1(%arg0: i32) -> (i32, i32) {
    %c0_i32 = arith.constant 0 : i32
    %c0_i32_0 = arith.constant 0 : i32
    %c0_i32_1 = arith.constant 0 : i32
    return %c0_i32, %c0_i32_0 : i32, i32
  }
  func.func @transform_2(%arg0: i32) -> (i32, i32) {
    %c0_i32 = arith.constant 0 : i32
    %c0_i32_0 = arith.constant 0 : i32
    return %arg0, %c0_i32 : i32, i32
  }
  func.func @transform_3(%arg0: i32) -> (i32, i32) {
    %c0_i32 = arith.constant 0 : i32
    %c0_i32_0 = arith.constant 0 : i32
    return %arg0, %c0_i32 : i32, i32
  }
  func.func @transform_4(%arg0: i32) -> (i32, i32) {
    %c0_i32 = arith.constant 0 : i32
    %c0_i32_0 = arith.constant 0 : i32
    return %arg0, %c0_i32 : i32, i32
  }
  func.func @transform_5(%arg0: i32) -> (i32, i32) {
    %c0_i32 = arith.constant 0 : i32
    %c0_i32_0 = arith.constant 0 : i32
    return %arg0, %c0_i32 : i32, i32
  }
}

module attributes {stable_mosaic.version = 14 : i64} {
  func.func @_tc2_body(%arg0: i32, %arg1: memref<1000x128xf32, #tpu.memory_space<vmem>>, %arg2: memref<1000x64xf32, #tpu.memory_space<vmem>>, %arg3: memref<1000x64xf32, #tpu.memory_space<vmem>>, %arg4: memref<1000x1xf32, #tpu.memory_space<vmem>>, %arg5: memref<128x64xf32, #tpu.memory_space<vmem>>, %arg6: memref<1000x64xf32, #tpu.memory_space<vmem>>) attributes {dimension_semantics = [#tpu.dimension_semantics<arbitrary>], iteration_bounds = array<i64: 10>, scalar_prefetch = 0 : i64, scratch_operands = 0 : i64, tpu.core_type = #tpu.core_type<tc>, window_params = [{transform_indices = @transform_0, window_bounds = array<i64: 1000, 128>}, {transform_indices = @transform_1, window_bounds = array<i64: 1000, 64>}, {transform_indices = @transform_2, window_bounds = array<i64: 1000, 64>}, {transform_indices = @transform_3, window_bounds = array<i64: 1000, 1>}, {pipeline_mode = #tpu.pipeline_mode<synchronous>, transform_indices = @transform_4, window_bounds = array<i64: 128, 64>}, {transform_indices = @transform_5, window_bounds = array<i64: 1000, 64>}]} {
    %get3A = arith.constant 0 : index
    %get3A_0 = arith.constant 0 : index
    %get3A_1 = vector.load %arg4[%get3A, %get3A_0] : memref<1000x1xf32, #tpu.memory_space<vmem>>, vector<1000x1xf32>
    %get3A_2 = arith.constant 0 : index
    %get3A_3 = arith.constant 0 : index
    %get3A_4 = vector.load %arg2[%get3A_2, %get3A_3] : memref<1000x64xf32, #tpu.memory_space<vmem>>, vector<1000x64xf32>
    %get3A_5 = arith.constant 0 : index
    %get3A_6 = arith.constant 0 : index
    %get3A_7 = vector.load %arg3[%get3A_5, %get3A_6] : memref<1000x64xf32, #tpu.memory_space<vmem>>, vector<1000x64xf32>
    %concatenate3A = tpu.concatenate %get3A_4, %get3A_7 in 1 : vector<1000x64xf32>, vector<1000x64xf32> -> vector<1000x128xf32>
    %get3A_8 = arith.constant 0 : index
    %get3A_9 = arith.constant 0 : index
    %get3A_10 = vector.load %arg1[%get3A_8, %get3A_9] : memref<1000x128xf32, #tpu.memory_space<vmem>>, vector<1000x128xf32>
    %add3A = arith.addf %get3A_10, %concatenate3A : vector<1000x128xf32>
    %mul3A = vector.broadcast %get3A_1 : vector<1000x1xf32> to vector<1000x128xf32>
    %mul3A_11 = arith.mulf %add3A, %mul3A : vector<1000x128xf32>
    %max3A = arith.constant 0.000000e+00 : f32
    %max3A_12 = vector.broadcast %max3A : f32 to vector<1000x128xf32>
    %max3A_13 = arith.maximumf %mul3A_11, %max3A_12 : vector<1000x128xf32>
    %get3A_14 = arith.constant 0 : index
    %get3A_15 = arith.constant 0 : index
    %get3A_16 = vector.load %arg5[%get3A_14, %get3A_15] : memref<128x64xf32, #tpu.memory_space<vmem>>, vector<128x64xf32>
    %dot_general3A = arith.constant dense<0.000000e+00> : vector<1000x64xf32>
    %dot_general3A_17 = tpu.matmul %max3A_13, %get3A_16, %dot_general3A {dimension_numbers = #tpu.dot_dimension_numbers<[1], [0], [0], [1], [0, 0, 1, 1], [], []>, transpose_lhs_hint = false} : vector<1000x128xf32>, vector<128x64xf32>, vector<1000x64xf32> -> vector<1000x64xf32>
    %mul3A_18 = vector.broadcast %get3A_1 : vector<1000x1xf32> to vector<1000x64xf32>
    %mul3A_19 = arith.mulf %dot_general3A_17, %mul3A_18 : vector<1000x64xf32>
    %swap3A = arith.constant 0 : index
    %swap3A_20 = arith.constant 0 : index
    %swap3A_21 = vector.load %arg6[%swap3A, %swap3A_20] : memref<1000x64xf32, #tpu.memory_space<vmem>>, vector<1000x64xf32>
    tpu.vector_store %arg6[%swap3A, %swap3A_20], %mul3A_19 {strides = array<i32>} : memref<1000x64xf32, #tpu.memory_space<vmem>>, vector<1000x64xf32>,
    return
  }
  func.func @transform_0(%arg0: i32) -> (i32, i32) {
    %c0_i32 = arith.constant 0 : i32
    %c0_i32_0 = arith.constant 0 : i32
    return %arg0, %c0_i32 : i32, i32
  }
  func.func @transform_1(%arg0: i32) -> (i32, i32) {
    %c0_i32 = arith.constant 0 : i32
    %c0_i32_0 = arith.constant 0 : i32
    return %arg0, %c0_i32 : i32, i32
  }
  func.func @transform_2(%arg0: i32) -> (i32, i32) {
    %c0_i32 = arith.constant 0 : i32
    %c0_i32_0 = arith.constant 0 : i32
    return %arg0, %c0_i32 : i32, i32
  }
  func.func @transform_3(%arg0: i32) -> (i32, i32) {
    %c0_i32 = arith.constant 0 : i32
    %c0_i32_0 = arith.constant 0 : i32
    return %arg0, %c0_i32 : i32, i32
  }
  func.func @transform_4(%arg0: i32) -> (i32, i32) {
    %c0_i32 = arith.constant 0 : i32
    %c0_i32_0 = arith.constant 0 : i32
    %c0_i32_1 = arith.constant 0 : i32
    return %c0_i32, %c0_i32_0 : i32, i32
  }
  func.func @transform_5(%arg0: i32) -> (i32, i32) {
    %c0_i32 = arith.constant 0 : i32
    %c0_i32_0 = arith.constant 0 : i32
    return %arg0, %c0_i32 : i32, i32
  }
}

module attributes {stable_mosaic.version = 14 : i64} {
  func.func @_tc3_body(%arg0: i32, %arg1: memref<1000x64xf32, #tpu.memory_space<vmem>>, %arg2: memref<1000x32xf32, #tpu.memory_space<vmem>>, %arg3: memref<1000x32xf32, #tpu.memory_space<vmem>>, %arg4: memref<1000x1xf32, #tpu.memory_space<vmem>>, %arg5: memref<1000x64xf32, #tpu.memory_space<vmem>>) attributes {dimension_semantics = [#tpu.dimension_semantics<arbitrary>], iteration_bounds = array<i64: 10>, scalar_prefetch = 0 : i64, scratch_operands = 0 : i64, tpu.core_type = #tpu.core_type<tc>, window_params = [{transform_indices = @transform_0, window_bounds = array<i64: 1000, 64>}, {transform_indices = @transform_1, window_bounds = array<i64: 1000, 32>}, {transform_indices = @transform_2, window_bounds = array<i64: 1000, 32>}, {transform_indices = @transform_3, window_bounds = array<i64: 1000, 1>}, {transform_indices = @transform_4, window_bounds = array<i64: 1000, 64>}]} {
    %get3A = arith.constant 0 : index
    %get3A_0 = arith.constant 0 : index
    %get3A_1 = vector.load %arg2[%get3A, %get3A_0] : memref<1000x32xf32, #tpu.memory_space<vmem>>, vector<1000x32xf32>
    %get3A_2 = arith.constant 0 : index
    %get3A_3 = arith.constant 0 : index
    %get3A_4 = vector.load %arg3[%get3A_2, %get3A_3] : memref<1000x32xf32, #tpu.memory_space<vmem>>, vector<1000x32xf32>
    %concatenate3A = tpu.concatenate %get3A_1, %get3A_4 in 1 : vector<1000x32xf32>, vector<1000x32xf32> -> vector<1000x64xf32>
    %get3A_5 = arith.constant 0 : index
    %get3A_6 = arith.constant 0 : index
    %get3A_7 = vector.load %arg1[%get3A_5, %get3A_6] : memref<1000x64xf32, #tpu.memory_space<vmem>>, vector<1000x64xf32>
    %add3A = arith.addf %get3A_7, %concatenate3A : vector<1000x64xf32>
    %get3A_8 = arith.constant 0 : index
    %get3A_9 = arith.constant 0 : index
    %get3A_10 = vector.load %arg4[%get3A_8, %get3A_9] : memref<1000x1xf32, #tpu.memory_space<vmem>>, vector<1000x1xf32>
    %mul3A = vector.broadcast %get3A_10 : vector<1000x1xf32> to vector<1000x64xf32>
    %mul3A_11 = arith.mulf %add3A, %mul3A : vector<1000x64xf32>
    %max3A = arith.constant 0.000000e+00 : f32
    %max3A_12 = vector.broadcast %max3A : f32 to vector<1000x64xf32>
    %max3A_13 = arith.maximumf %mul3A_11, %max3A_12 : vector<1000x64xf32>
    %swap3A = arith.constant 0 : index
    %swap3A_14 = arith.constant 0 : index
    %swap3A_15 = vector.load %arg5[%swap3A, %swap3A_14] : memref<1000x64xf32, #tpu.memory_space<vmem>>, vector<1000x64xf32>
    tpu.vector_store %arg5[%swap3A, %swap3A_14], %max3A_13 {strides = array<i32>} : memref<1000x64xf32, #tpu.memory_space<vmem>>, vector<1000x64xf32>,
    return
  }
  func.func @transform_0(%arg0: i32) -> (i32, i32) {
    %c0_i32 = arith.constant 0 : i32
    %c0_i32_0 = arith.constant 0 : i32
    return %arg0, %c0_i32 : i32, i32
  }
  func.func @transform_1(%arg0: i32) -> (i32, i32) {
    %c0_i32 = arith.constant 0 : i32
    %c0_i32_0 = arith.constant 0 : i32
    return %arg0, %c0_i32 : i32, i32
  }
  func.func @transform_2(%arg0: i32) -> (i32, i32) {
    %c0_i32 = arith.constant 0 : i32
    %c0_i32_0 = arith.constant 0 : i32
    return %arg0, %c0_i32 : i32, i32
  }
  func.func @transform_3(%arg0: i32) -> (i32, i32) {
    %c0_i32 = arith.constant 0 : i32
    %c0_i32_0 = arith.constant 0 : i32
    return %arg0, %c0_i32 : i32, i32
  }
  func.func @transform_4(%arg0: i32) -> (i32, i32) {
    %c0_i32 = arith.constant 0 : i32
    %c0_i32_0 = arith.constant 0 : i32
    return %arg0, %c0_i32 : i32, i32
  }
}

</mosaic_0001>

<sc_bundles>
// kernel: kernel.11.cloned.1.call-start
scs
__scs_entry_jumppad:
0x0: {  	(pc) =	sbr.rel $0x88, $3  }
0x1: {  	(tag) =	ssettag $0x0;
	lr =	simm.s32 $0x1  }
0x2: {  	[smem:$0x3F9D] =	sst lr;
	_ =	strace $0xD0000000  }
0x3: {  	_ = 	snop  }
0x4: {  	_ = 	snop  }
0x5: {  	_ = 	snop  }
0x6: {  	_ = 	snop  }
0x7: {  	_ = 	snop  }
__scs_overlays_trampoline_lowered:
0x8: {  	[smem:$0x3FAC] =	sst s0  }
0x9: {  	[smem:$0x3FAD] =	sst s1  }
0xa: {  	[smem:$0x3FAE] =	sst s2  }
0xb: {  	[smem:$0x3FAF] =	sst s3  }
0xc: {  	[smem:$0x3FB0] =	sst s4  }
0xd: {  	[smem:$0x3FB1] =	sst s5  }
0xe: {  	[smem:$0x3FB2] =	sst s6  }
0xf: {  	[smem:$0x3FB3] =	sst s7  }
0x10: {  	[smem:$0x3FB4] =	sst s8  }
0x11: {  	[smem:$0x3FB5] =	sst s9;
	s0 =	simm.s32 @!p0 $0x0  }
0x12: {  	s1 =	sld [smem:$0x3F9B];
	s0 =	simm.s32 @p0 $0x1  }
0x13: {  	[smem:$0x3FB6] =	sst s0;
	s0 =	simm.s32 @!p1 $0x0  }
0x14: {  	s2 =	sld [smem:$0x3F9A];
	s0 =	simm.s32 @p1 $0x1  }
0x15: {  	[smem:$0x3FB7] =	sst s0;
	s0 =	simm.s32 @!p2 $0x0  }
0x16: {  	s3 =	sld [smem:$0x3FDB];
	s0 =	simm.s32 @p2 $0x1  }
0x17: {  	s4 =	simm.s32 $0x1BF5;
	[smem:$0x3FB9] =	sst s0  }
0x18: {  	s0 =	sld [smem:$0x3F9C];
	_ =	swait.ge [sflag:s4], $0x0  }
0x19: {  	s7 =	sld [smem:$0x3F9D]  }
0x1a: {  	s8 =	sadd.s32 $0xFFFFE003, lr  }
0x1b: {  	s9 =	sadd.s32 $0xFFFFFEF7, lr;
	s5 =	simm.s32 $0xFFFFFFFF;
	p2 =	slt.u32 s8, $0xFFFFF086  }
0x1c: {  	p1 =	slt.u32 s9, $0xF7A;
	s5 =	simm.s32 @!p2 $0x0  }
0x1d: {  	s5 =	simm.s32 @p1 $0x1;
	p0 =	seq.s32 s7, s2  }
0x1e: {  	s7 =	smul.u32 @!p0 $0xF7A, s2;
	p2 =	seq.s32 @!p0 s5, $0x0  }
0x1f: {  	s9 =	smul.u32 $0xF7A, s1;
	s8 =	simm.s32 @!p0 $0x1BF5;
	p2 =	por !p2, p0  }
0x20: {  	[sflag:s8] =	ssyncset.s32 @!p0 $0xFFFFF086;
	s6 =	sadd.s32 @!p0 s3, s7;
	s7 =	simm.s32 @!p0 $0x108  }
0x21: {  	s3 =	sadd.s32 s3, s9;
	s6 =	sadd.s32 @!p0 $0x88, s6;
	s7 =	simm.s32 @p2 $0x1082  }
0x22: {  	[simem:s7], [sflag:s8] =	dma.local @!p0 [hbm:s6], $0xF7A  }
0x23: {  	s9 =	sor.u32 $0xD0000000, s2;
	s6 =	simm.s32 $0x108;
	_ =	swait.ge @!p0 [sflag:s8], $0x0  }
0x24: {  	s3 =	sadd.s32 $0x88, s3;
	s6 =	simm.s32 @!p1 $0x1082;
	[sflag:s4] =	ssyncset.s32 $0xFFFFF086  }
0x25: {  	[simem:s6], [sflag:s4] =	dma.local [hbm:s3], $0xF7A  }
0x26: {  	[smem:$0x3F9D] =	sst s1;
	(tag) =	ssettag s2;
	_ =	strace s9  }
0x27: {  	s1 =	sld [smem:$0x3FAD]  }
0x28: {  	s2 =	sld [smem:$0x3FAE]  }
0x29: {  	s4 =	sld [smem:$0x3FB0]  }
0x2a: {  	p0 =	seq.s32 s5, $0x0;
	s5 =	sld [smem:$0x3FB1]  }
0x2b: {  	s6 =	sld [smem:$0x3FB2]  }
0x2c: {  	s7 =	sld [smem:$0x3FB3]  }
0x2d: {  	s3 =	simm.s32 $0x108;
	s8 =	sld [smem:$0x3FB4]  }
0x2e: {  	s3 =	simm.s32 @!p0 $0x1082;
	s9 =	sld [smem:$0x3FB5]  }
0x2f: {  	lr =	sadd.s32 s0, s3;
	s0 =	sld [smem:$0x3FAC]  }
0x30: {  	s3 =	sld [smem:$0x3FAF]  }
0x31: {  	[smem:$0x3FB8] =	sst s10  }
0x32: {  	s10 =	sld [smem:$0x3FB6];
	_ =	sdelay $0x3  }
0x33: {  	p0 =	seq.s32 s10, $0x1;
	s10 =	sld [smem:$0x3FB8];
	_ =	sdelay $0x3  }
0x34: {  	[smem:$0x3FB8] =	sst s10  }
0x35: {  	s10 =	sld [smem:$0x3FB7];
	_ =	sdelay $0x3  }
0x36: {  	p1 =	seq.s32 s10, $0x1;
	s10 =	sld [smem:$0x3FB8];
	_ =	sdelay $0x3  }
0x37: {  	[smem:$0x3FB8] =	sst s10  }
0x38: {  	s10 =	sld [smem:$0x3FB9]  }
0x39: {  	_ = 	snop;
	(pc) =	sbr.ind lr, $3  }
0x3a: {  	_ = 	snop  }
0x3b: {  	_ = 	snop  }
0x3c: {  	p2 =	seq.s32 s10, $0x1;
	s10 =	sld [smem:$0x3FB8]  }
0x3d: {  	_ =	shalt  }
0x3e: {  	_ =	shalt  }
0x3f: {  	_ =	shalt  }
0x40: {  	_ =	shalt  }
0x41: {  	_ =	shalt  }
0x42: {  	_ =	shalt  }
0x43: {  	_ =	shalt  }
0x44: {  	_ =	shalt  }
0x45: {  	_ =	shalt  }
0x46: {  	_ =	shalt  }
0x47: {  	_ =	shalt  }
0x48: {  	_ =	shalt  }
0x49: {  	_ =	shalt  }
0x4a: {  	_ =	shalt  }
0x4b: {  	_ =	shalt  }
0x4c: {  	_ =	shalt  }
0x4d: {  	_ =	shalt  }
0x4e: {  	_ =	shalt  }
0x4f: {  	_ =	shalt  }
0x50: {  	_ =	shalt  }
0x51: {  	_ =	shalt  }
0x52: {  	_ =	shalt  }
0x53: {  	_ =	shalt  }
0x54: {  	_ =	shalt  }
0x55: {  	_ =	shalt  }
0x56: {  	_ =	shalt  }
0x57: {  	_ =	shalt  }
0x58: {  	_ =	shalt  }
0x59: {  	_ =	shalt  }
0x5a: {  	_ =	shalt  }
0x5b: {  	_ =	shalt  }
0x5c: {  	_ =	shalt  }
0x5d: {  	_ =	shalt  }
0x5e: {  	_ =	shalt  }
0x5f: {  	_ =	shalt  }
0x60: {  	_ =	shalt  }
0x61: {  	_ =	shalt  }
0x62: {  	_ =	shalt  }
0x63: {  	_ =	shalt  }
0x64: {  	_ =	shalt  }
0x65: {  	_ =	shalt  }
0x66: {  	_ =	shalt  }
0x67: {  	_ =	shalt  }
0x68: {  	_ =	shalt  }
0x69: {  	_ =	shalt  }
0x6a: {  	_ =	shalt  }
0x6b: {  	_ =	shalt  }
0x6c: {  	_ =	shalt  }
0x6d: {  	_ =	shalt  }
0x6e: {  	_ =	shalt  }
0x6f: {  	_ =	shalt  }
0x70: {  	_ =	shalt  }
0x71: {  	_ =	shalt  }
0x72: {  	_ =	shalt  }
0x73: {  	_ =	shalt  }
0x74: {  	_ =	shalt  }
0x75: {  	_ =	shalt  }
0x76: {  	_ =	shalt  }
0x77: {  	_ =	shalt  }
0x78: {  	_ =	shalt  }
0x79: {  	_ =	shalt  }
0x7a: {  	_ =	shalt  }
0x7b: {  	_ =	shalt  }
0x7c: {  	_ =	shalt  }
0x7d: {  	_ =	shalt  }
0x7e: {  	_ =	shalt  }
0x7f: {  	_ =	shalt  }
0x80: {  	_ =	shalt  }
0x81: {  	_ =	shalt  }
0x82: {  	_ =	shalt  }
0x83: {  	_ =	shalt  }
0x84: {  	_ =	shalt  }
0x85: {  	_ =	shalt  }
0x86: {  	_ =	shalt  }
0x87: {  	_ =	shalt  }
.Lfunc_end0:
.L_simem_size_0:
called_computation.1_lowered:
.L_overlay_start_0:
0x88: {  	s2 =	sld [smem:$0x3FD9]  }
0x89: {  	s3 =	sld [smem:$0x3FFE];
	_ =	sdelay $0x1  }
0x8a: {  	s1 =	srdreg.scid  }
0x8b: {  	s0 =	sand.u32 $0x1, s1  }
0x8c: {  	s16 =	sshll.u32 s0, $0xA;
	s2 =	sadd.s32 s3, s2  }
0x8d: {  	s2 =	sadd.s32 s2, s16  }
0x8e: {  	[smem:$0x3FC4] =	sst s2  }
0x8f: {  	_ = 	snop  }
0x90: {  	(tm) =	ssettm $0x1  }
0x91: {  	s17 =	sld [smem:$0x3FFB];
	_ =	sdelay $0x3  }
0x92: {  	_ =	strace s17  }
0x93: {  	s2 =	sld [smem:$0x3FFC];
	_ =	sdelay $0x3  }
0x94: {  	_ =	strace s2  }
0x95: {  	s2 =	sld [smem:$0x3FFD];
	_ =	sdelay $0x3  }
0x96: {  	_ =	strace s2  }
0x97: {  	_ =	strace $0x8FFFFFFF  }
0x98: {  	s18 =	sld [smem:$0x3FDB];
	_ =	sdelay $0x1  }
0x99: {  	s19 =	simm.s32 $_scs_section_size  }
0x9a: {  	s4 =	simm.s32 $_size__tile_overlayer_lowered;
	s5 =	simm.s32 $_tile_overlayer_lowered  }
0x9b: {  	s22 =	simm.s32 $0x1BFF;
	s21 =	sshll.u32 s5, $0x1;
	s2 =	sadd.s32 s19, s18  }
0x9c: {  	s6 =	simm.s32 $0x0;
	s20 =	sshll.u32 s4, $0x1;
	s4 =	sadd.s32 s21, s2  }
0x9d: {  	[timem:s6], [sflag:s22] =	dma.local [hbm:s4], s20  }
0x9e: {  	_ =	swait.ge [sflag:s22], s20  }
0x9f: {  	s3 =	ssub.s32 $0x0, s20;
	[sflag:s22] =	ssyncset.done $0x0  }
0xa0: {  	[sflag:s22] =	ssyncadd.s32 s3;
	_ =	sdelay $0x1  }
0xa1: {  	s23 =	simm.s32 $0x1B8B  }
0xa2: {  	_ =	swait.ge [sflag:s23], $0x1  }
0xa3: {  	[sflag:s23] =	ssyncset.done $0x0  }
0xa4: {  	s25 =	simm.s32 $0x1B8E;
	s24 =	sld [smem:$0x3FFE];
	[sflag:s23] =	ssyncadd.s32 $0xFFFFFFFF  }
0xa5: {  	s26 =	simm.s32 $execute0_lowered;
	[smem:$0x3FD2] =	sst s25  }
0xa6: {  	s4 =	sshll.u32 s26, $0x1;
	_ =	strace $0x80000049;
	[dreg:$0x1] =	wrdreg $0xFFFFFFFF  }
0xa7: {  	s28 =	simm.s32 $_size_execute0_lowered;
	s2 =	sadd.s32 s2, s4;
	[dreg:$0x0] =	wrdreg $0x0  }
0xa8: {  	s4 =	sshll.u32 s28, $0x1;
	[dreg:$0x2] =	wrdreg s2  }
0xa9: {  	[dreg:$0x3] =	wrdreg s4  }
0xaa: {  	[dreg:$0x4] =	wrdreg $0xC0  }
0xab: {  	_ =	task [dreg:s6], $0x5FFFF  }
0xac: {  	[dreg:$0x1] =	wrdreg $0xFFFFFFFF  }
0xad: {  	[dreg:$0x0] =	wrdreg $0x60  }
0xae: {  	[dreg:$0x2] =	wrdreg s24  }
0xaf: {  	[dreg:$0x3] =	wrdreg $0xE0000  }
0xb0: {  	[dreg:$0x4] =	wrdreg $0x9  }
0xb1: {  	_ =	task.clear_ibuf [dreg:s6], $0x5FFFF;
	_ =	strace $0x90000049  }
0xb2: {  	s29 =	simm.s32 $0x9;
	_ =	strace $0x8000004B  }
0xb3: {  	_ =	swait.ge [sflag:s29], $0x1  }
0xb4: {  	[sflag:s29] =	ssyncadd.s32 $0xFFFFFFFF  }
0xb5: {  	_ =	strace $0x9000004B  }
0xb6: {  	_ =	sfence  }
0xb7: {  	s30 =	sld [smem:$0x0];
	_ =	sdelay $0x2  }
0xb8: {  	s31 =	sshll.u32 s1, $0xD;
	s1 =	sshrl.u32 s1, $0x2  }
0xb9: {  	s3 =	sand.u32 $0x4000, s31;
	s1 =	sadd.s32 s1, s30  }
0xba: {  	s0 =	sor.u32 s3, s0;
	s1 =	sshll.u32 s1, $0x11  }
0xbb: {  	s0 =	sor.u32 s1, s0  }
0xbc: {  	s0 =	sadd.s32 $0x8F2B, s0  }
0xbd: {  	[sflag:s0] =	ssyncadd.remote.s32 $0x1  }
0xbe: {  	_ =	sfence.sel $0xFFFF  }
0xbf: {  	[dreg:$0x0] =	wrdreg $0xFFFFFFFF;
	(pc) =	sbr.abs _section_cstart, $3  }
0xc0: {  	[dreg:$0x1] =	wrdreg $0xFFFFFFFF  }
0xc1: {  	_ =	task.clear_ibuf [dreg:s6], $0x2FFFF;
	_ =	strace $0x9FFFFFFF  }
0xc2: {  	(tm) =	ssettm $0x7FFFFFFF  }
0xc3: {  	_ =	shalt  }
tec
execute0_lowered:
.L_overlay_start_1:
0x0: {  	(tag) =	ssettag $0x1  }
0x1: {  	s1 =	srdreg.scid;
	s5 =	rddreg [dreg:$0x0]  }
0x2: {  	s0 =	stileid.u32;
	s2 =	rddreg [dreg:$0x1]  }
0x3: {  	s3 =	simm.s32 $0x0;
	s14 =	simm.s32 $0x5;
	s15 =	simm.s32 $0x5000  }
0x4: {  	s16 =	simm.s32 $0xA000;
	s17 =	simm.s32 $0x80;
	s18 =	simm.s32 $0x1  }
0x5: {  	s19 =	simm.s32 $0xC000;
	s20 =	simm.s32 $0x2;
	s21 =	simm.s32 $0x5080  }
0x6: {  	s22 =	simm.s32 $0x3;
	s23 =	simm.s32 $0x100;
	s7 =	smul.u32 $0x5000, s0  }
0x7: {  	s24 =	simm.s32 $0x4;
	s25 =	simm.s32 $0x9F00;
	s9 =	smul.u32 $0x1400, s0  }
0x8: {  	s26 =	simm.s32 $0x4F80;
	s6 =	sand.u32 $0x1, s1;
	s11 =	smul.u32 $0x28000, s0  }
0x9: {  	s28 =	simm.s32 $0x9F80;
	s29 =	simm.s32 $0x0;
	s4 =	smul.u32 $0x50000, s6  }
0xa: {  	[smem:$0x7FF] =	sst s3;
	s10 =	smul.u32 $0x14000, s6;
	s6 =	ssub.s32 $0x2, s6  }
0xb: {  	_ =	strace $0x8000004A;
	s30 =	sshrl.u32 s6, $0x1;
	s31 =	sshrl.u32 s11, $0x2  }
0xc: {  	s4 =	sadd.s32 s7, s4;
	s7 =	sshrl.u32 s7, $0x3;
	s9 =	sadd.s32 s9, s10  }
0xd: {  	s13 =	ssub.s32 s6, s30;
	s8 =	sshrl.u32 s4, $0x3;
	s4 =	sadd.s32 $0x21200, s5  }
0xe: {  	s7 =	sadd.s32 s7, s5;
	s12 =	sadd.s32 s9, s5;
	s13 =	smax.u32 s13, $0x1  }
0xf: {  	s8 =	sadd.s32 s8, s5;
	s6 =	sadd.s32 $0x2800, s7;
	s7 =	sadd.s32 s31, s2  }
0x10: {  	s12 =	sadd.s32 $0x6F600, s12;
	s5 =	sadd.s32 $0xD200, s8;
	s8 =	sadd.s32 $0x2000, s7  }
0x11: {  	v0 =	vimm.f32 $0.0e+00;
	s9 =	sadd.s32 $0x4000, s7;
	s10 =	sadd.s32 $0x6000, s7;
	s11 =	sadd.s32 $0x8000, s7  }
.LBB2_1:
0x12: {  	[tilespmem:s3], [sflag:$0x5] =	stream.linear.gather [hbm4b:s5+s3], $0x5000, $0x38;
	[tilespmem:$0x18000] =	vst v63  }
0x13: {  	_ =	swait.ge [sflag:s14], $0x5000  }
0x14: {  	[sflag:s14] =	ssyncset.done $0x0  }
0x15: {  	[sflag:s14] =	ssyncadd.s32 $0xFFFFB000  }
0x16: {  	[tilespmem:s15], [sflag:$0x5] =	stream.linear.gather [hbm4b:s6+s3], $0x5000, $0x38;
	[tilespmem:$0x18000] =	vst v63  }
0x17: {  	_ =	swait.ge [sflag:s14], $0x5000  }
0x18: {  	[sflag:s14] =	ssyncset.done $0x0  }
0x19: {  	s31 =	simm.s32 $0x100;
	s30 =	simm.s32 $0x0;
	[sflag:s14] =	ssyncadd.s32 $0xFFFFB000  }
.LBB2_2:
0x1a: {  	p0 =	sne.s32 s31, $0x7F00;
	[tilespmem:s30+$0xA030] =	vst v0;
	s1 =	smov.u32 s31;
	s31 =	sadd.s32 $0x100, s31  }
.Ltmp0:
0x1b: {  	[tilespmem:s30+$0xA020] =	vst v0;
	(pc) =	sbr.rel @p0 .LBB2_2-.Ltmp0, $3  }
0x1c: {  	[tilespmem:s30+$0xA000] =	vst v0  }
0x1d: {  	[tilespmem:s30+$0xA010] =	vst v0;
	_ =	sdelay $0x1  }
0x1e: {  	s30 =	sshra.s32 s1, $0x2  }
0x1f: {  	[tilespmem:s30+$0xA030] =	vst v0  }
0x20: {  	[tilespmem:s30+$0xA020] =	vst v0  }
0x21: {  	[tilespmem:s30+$0xA000] =	vst v0  }
0x22: {  	[tilespmem:s30+$0xA010] =	vst v0  }
0x23: {  	[spmem:s7] =	stream.linear.scatter [tilespmem:s16], [sflag:$0x5], $0x2000, $0x38;
	[tilespmem:$0x18000] =	vst v63  }
0x24: {  	_ =	swait.ge [sflag:s14], $0x2000  }
0x25: {  	[sflag:s14] =	ssyncset.done $0x0  }
0x26: {  	[sflag:s14] =	ssyncadd.s32 $0xFFFFE000  }
0x27: {  	[spmem:s8] =	stream.linear.scatter [tilespmem:s16], [sflag:$0x5], $0x2000, $0x38;
	[tilespmem:$0x18000] =	vst v63  }
0x28: {  	_ =	swait.ge [sflag:s14], $0x2000  }
0x29: {  	[sflag:s14] =	ssyncset.done $0x0  }
0x2a: {  	[sflag:s14] =	ssyncadd.s32 $0xFFFFE000  }
0x2b: {  	[spmem:s9] =	stream.linear.scatter [tilespmem:s16], [sflag:$0x5], $0x2000, $0x38;
	[tilespmem:$0x18000] =	vst v63  }
0x2c: {  	_ =	swait.ge [sflag:s14], $0x2000  }
0x2d: {  	[sflag:s14] =	ssyncset.done $0x0  }
0x2e: {  	[sflag:s14] =	ssyncadd.s32 $0xFFFFE000  }
0x2f: {  	[spmem:s10] =	stream.linear.scatter [tilespmem:s16], [sflag:$0x5], $0x2000, $0x38;
	[tilespmem:$0x18000] =	vst v63  }
0x30: {  	_ =	swait.ge [sflag:s14], $0x2000  }
0x31: {  	[sflag:s14] =	ssyncset.done $0x0  }
0x32: {  	[sflag:s14] =	ssyncadd.s32 $0xFFFFE000  }
0x33: {  	[spmem:s11] =	stream.linear.scatter [tilespmem:s16], [sflag:$0x5], $0x2000, $0x38;
	[tilespmem:$0x18000] =	vst v63  }
0x34: {  	_ =	swait.ge [sflag:s14], $0x2000  }
0x35: {  	[sflag:s14] =	ssyncset.done $0x0  }
0x36: {  	[sflag:s14] =	ssyncadd.s32 $0xFFFFE000  }
0x37: {  	[bflag:$0x0] =	sbarrier.arrive $0xFFFF  }
0x38: {  	[tilespmem:s16], [sflag:$0x1] =	stream.indirect.gather [hbm4b:s4+s17], $0x40, s3, s17, $0xb8;
	[tilespmem:$0x18000] =	vst v63  }
0x39: {  	_ =	swait.ge [sflag:s18], $0x2000  }
0x3a: {  	[sflag:s18] =	ssyncset.done $0x0  }
0x3b: {  	[sflag:s18] =	ssyncadd.s32 $0xFFFFE000  }
0x3c: {  	[spmem:s2] =	stream.indirect.scatter.add.f32 [tilespmem:s16], [sflag:$0x3], $0x40, s15, s17, $0xb8;
	[tilespmem:$0x18000] =	vst v63  }
0x3d: {  	_ = 	snop  }
0x3e: {  	[tilespmem:s19], [sflag:$0x2] =	stream.indirect.gather [hbm4b:s4+s17], $0x40, s17, s17, $0xb8;
	[tilespmem:$0x18000] =	vst v63  }
0x3f: {  	_ =	swait.ge [sflag:s20], $0x2000  }
0x40: {  	[sflag:s20] =	ssyncset.done $0x0  }
0x41: {  	[sflag:s20] =	ssyncadd.s32 $0xFFFFE000  }
0x42: {  	[spmem:s2] =	stream.indirect.scatter.add.f32 [tilespmem:s19], [sflag:$0x4], $0x40, s21, s17, $0xb8;
	[tilespmem:$0x18000] =	vst v63  }
0x43: {  	_ =	swait.ge [sflag:s22], $0x2000  }
0x44: {  	[sflag:s22] =	ssyncset.done $0x0  }
0x45: {  	[sflag:s22] =	ssyncadd.s32 $0xFFFFE000  }
0x46: {  	[tilespmem:s16], [sflag:$0x1] =	stream.indirect.gather [hbm4b:s4+s17], $0x40, s23, s17, $0xb8;
	[tilespmem:$0x18000] =	vst v63  }
0x47: {  	_ =	swait.ge [sflag:s18], $0x2000  }
0x48: {  	[sflag:s18] =	ssyncset.done $0x0  }
0x49: {  	s1 =	simm.s32 $0x5100;
	[sflag:s18] =	ssyncadd.s32 $0xFFFFE000  }
0x4a: {  	[spmem:s2] =	stream.indirect.scatter.add.f32 [tilespmem:s16], [sflag:$0x3], $0x40, s1, s17, $0xb8;
	[tilespmem:$0x18000] =	vst v63  }
0x4b: {  	_ =	swait.ge [sflag:s24], $0x2000  }
0x4c: {  	[sflag:s24] =	ssyncset.done $0x0  }
0x4d: {  	s1 =	simm.s32 $0x180;
	[sflag:s24] =	ssyncadd.s32 $0xFFFFE000  }
0x4e: {  	[tilespmem:s19], [sflag:$0x2] =	stream.indirect.gather [hbm4b:s4+s17], $0x40, s1, s17, $0xb8;
	[tilespmem:$0x18000] =	vst v63  }
0x4f: {  	_ =	swait.ge [sflag:s20], $0x2000  }
0x50: {  	[sflag:s20] =	ssyncset.done $0x0  }
0x51: {  	s1 =	simm.s32 $0x5180;
	[sflag:s20] =	ssyncadd.s32 $0xFFFFE000  }
0x52: {  	[spmem:s2] =	stream.indirect.scatter.add.f32 [tilespmem:s19], [sflag:$0x4], $0x40, s1, s17, $0xb8;
	[tilespmem:$0x18000] =	vst v63  }
0x53: {  	_ =	swait.ge [sflag:s22], $0x2000  }
0x54: {  	[sflag:s22] =	ssyncset.done $0x0  }
0x55: {  	s30 =	simm.s32 $0xFFFECC00;
	s31 =	simm.s32 $0x200;
	[sflag:s22] =	ssyncadd.s32 $0xFFFFE000  }
.LBB2_4:
0x56: {  	[tilespmem:s16], [sflag:$0x1] =	stream.indirect.gather [hbm4b:s4+s17], $0x40, s31, s17, $0xb8;
	[tilespmem:$0x18000] =	vst v63  }
0x57: {  	s1 =	smov.u32 s30  }
0x58: {  	p0 =	sne.s32 s30, $0xFFFFFC00;
	s30 =	sadd.s32 $0x400, s30;
	_ =	swait.ge [sflag:s18], $0x2000  }
0x59: {  	s1 =	sshra.s32 s1, $0x2;
	[sflag:s18] =	ssyncset.done $0x0  }
0x5a: {  	s31 =	sadd.s32 $0x9F00, s1;
	[sflag:s18] =	ssyncadd.s32 $0xFFFFE000  }
0x5b: {  	[spmem:s2] =	stream.indirect.scatter.add.f32 [tilespmem:s16], [sflag:$0x3], $0x40, s31, s17, $0xb8;
	[tilespmem:$0x18000] =	vst v63  }
0x5c: {  	_ =	swait.ge [sflag:s24], $0x2000  }
0x5d: {  	[sflag:s24] =	ssyncset.done $0x0  }
0x5e: {  	s31 =	sadd.s32 $0x4F80, s1;
	[sflag:s24] =	ssyncadd.s32 $0xFFFFE000  }
0x5f: {  	[tilespmem:s19], [sflag:$0x2] =	stream.indirect.gather [hbm4b:s4+s17], $0x40, s31, s17, $0xb8;
	[tilespmem:$0x18000] =	vst v63  }
0x60: {  	_ =	swait.ge [sflag:s20], $0x2000  }
0x61: {  	[sflag:s20] =	ssyncset.done $0x0  }
.Ltmp1:
0x62: {  	s31 =	sadd.s32 $0x9F80, s1;
	[sflag:s20] =	ssyncadd.s32 $0xFFFFE000;
	(pc) =	sbr.rel @p0 .LBB2_4-.Ltmp1, $4  }
0x63: {  	[spmem:s2] =	stream.indirect.scatter.add.f32 [tilespmem:s19], [sflag:$0x4], $0x40, s31, s17, $0xb8;
	[tilespmem:$0x18000] =	vst v63  }
0x64: {  	_ =	swait.ge [sflag:s22], $0x2000  }
0x65: {  	[sflag:s22] =	ssyncset.done $0x0  }
0x66: {  	s31 =	sadd.s32 $0x5000, s1;
	[sflag:s22] =	ssyncadd.s32 $0xFFFFE000  }
0x67: {  	[tilespmem:s16], [sflag:$0x1] =	stream.indirect.gather [hbm4b:s4+s17], $0x40, s31, s17, $0xb8;
	[tilespmem:$0x18000] =	vst v63  }
0x68: {  	_ =	swait.ge [sflag:s18], $0x2000  }
0x69: {  	[sflag:s18] =	ssyncset.done $0x0  }
0x6a: {  	[sflag:s18] =	ssyncadd.s32 $0xFFFFE000  }
0x6b: {  	[spmem:s2] =	stream.indirect.scatter.add.f32 [tilespmem:s16], [sflag:$0x3], $0x40, s25, s17, $0xb8;
	[tilespmem:$0x18000] =	vst v63  }
0x6c: {  	_ =	swait.ge [sflag:s24], $0x2000  }
0x6d: {  	[sflag:s24] =	ssyncset.done $0x0  }
0x6e: {  	[sflag:s24] =	ssyncadd.s32 $0xFFFFE000  }
0x6f: {  	[tilespmem:s19], [sflag:$0x2] =	stream.indirect.gather [hbm4b:s4+s17], $0x40, s26, s17, $0xb8;
	[tilespmem:$0x18000] =	vst v63  }
0x70: {  	_ =	swait.ge [sflag:s20], $0x2000  }
0x71: {  	[sflag:s20] =	ssyncset.done $0x0  }
0x72: {  	[sflag:s20] =	ssyncadd.s32 $0xFFFFE000  }
0x73: {  	[spmem:s2] =	stream.indirect.scatter.add.f32 [tilespmem:s19], [sflag:$0x4], $0x40, s28, s17, $0xb8;
	[tilespmem:$0x18000] =	vst v63  }
0x74: {  	_ =	swait.ge [sflag:s22], $0x2000  }
0x75: {  	[sflag:s22] =	ssyncset.done $0x0  }
0x76: {  	[sflag:s22] =	ssyncadd.s32 $0xFFFFE000  }
0x77: {  	_ =	swait.ge [sflag:s24], $0x2000  }
0x78: {  	s1 =	sshll.u32 s0, $0x6;
	s29 =	sadd.s32 $0x1, s29;
	[sflag:s24] =	ssyncset.done $0x0  }
0x79: {  	s30 =	sshrl.u32 s7, $0x3;
	p0 =	sne.s32 s29, s13;
	[sflag:s24] =	ssyncadd.s32 $0xFFFFE000  }
.Ltmp2:
0x7a: {  	s1 =	sor.u32 $0x1C05, s1;
	[bflag:$0x0] =	sbarrier.arrive $0xFFFF;
	(pc) =	sbr.rel @p0 .LBB2_1-.Ltmp2, $4  }
0x7b: {  	[hbm:s12], [sflag:s1] =	dma.local [spmem:s30], $0x1400  }
0x7c: {  	_ =	swait.ge [sflag:s14], $0x1400  }
0x7d: {  	[sflag:s14] =	ssyncset.done $0x0  }
0x7e: {  	[sflag:s14] =	ssyncadd.s32 $0xFFFFEC00  }
0x7f: {  	_ =	sfence.sel $0x180000  }
0x80: {  	[bflag:$0x0] =	sbarrier.arrive $0xFFFF  }
0x81: {  	_ =	strace $0x9000004A  }
0x82: {  	[bflag:$0x2] =	sbarrier.arrive $0xFFFF  }
0x83: {  	p0 =	sne.s32 s0, $0x0;
	s0 =	rddreg [dreg:$0x2]  }
0x84: {  	s0 =	sadd.s32 @!p0 $0x100000, s0  }
0x85: {  	[sflag:s0] =	ssyncadd.tile.s32 @!p0 $0x1;
	_ =	shalt  }
.Lfunc_end2:
_tile_overlayer_lowered:
.L_overlay_start_2:
0x86: {  	(tag) =	ssettag $0x2  }
0x87: {  	s0 =	rddreg [dreg:$0x0];
	s2 =	stileid.u32  }
0x88: {  	s1 =	rddreg [dreg:$0x1];
	p0 =	sne.s32 s2, $0x0  }
0x89: {  	s3 =	rddreg [dreg:$0x2];
	[bflag:$0x3] =	sbarrier.arrive $0xFFFF;
	s2 =	simm.s32 @!p0 $0x1C05  }
0x8a: {  	[timem:s3], [sflag:s2] =	dma.local @!p0 [hbm:s0], s1  }
0x8b: {  	s0 =	simm.s32 @!p0 $0x5  }
0x8c: {  	_ =	swait.ge @!p0 [sflag:s0], s1  }
0x8d: {  	s1 =	ssub.s32 @!p0 $0x0, s1;
	[sflag:s0] =	ssyncset.done @!p0 $0x0  }
0x8e: {  	[sflag:s0] =	ssyncadd.s32 @!p0 s1  }
0x8f: {  	[bflag:$0x3] =	sbarrier.arrive $0xFFFF  }
0x90: {  	_ =	shalt  }

// kernel: kernel.14.cloned.1.call-start
scs
__scs_entry_jumppad:
0x0: {  	(pc) =	sbr.rel $0x88, $3  }
0x1: {  	(tag) =	ssettag $0x0;
	lr =	simm.s32 $0x1  }
0x2: {  	[smem:$0x3F9D] =	sst lr;
	_ =	strace $0xD0000000  }
0x3: {  	_ = 	snop  }
0x4: {  	_ = 	snop  }
0x5: {  	_ = 	snop  }
0x6: {  	_ = 	snop  }
0x7: {  	_ = 	snop  }
__scs_overlays_trampoline_lowered:
0x8: {  	[smem:$0x3FAC] =	sst s0  }
0x9: {  	[smem:$0x3FAD] =	sst s1  }
0xa: {  	[smem:$0x3FAE] =	sst s2  }
0xb: {  	[smem:$0x3FAF] =	sst s3  }
0xc: {  	[smem:$0x3FB0] =	sst s4  }
0xd: {  	[smem:$0x3FB1] =	sst s5  }
0xe: {  	[smem:$0x3FB2] =	sst s6  }
0xf: {  	[smem:$0x3FB3] =	sst s7  }
0x10: {  	[smem:$0x3FB4] =	sst s8  }
0x11: {  	[smem:$0x3FB5] =	sst s9;
	s0 =	simm.s32 @!p0 $0x0  }
0x12: {  	s1 =	sld [smem:$0x3F9B];
	s0 =	simm.s32 @p0 $0x1  }
0x13: {  	[smem:$0x3FB6] =	sst s0;
	s0 =	simm.s32 @!p1 $0x0  }
0x14: {  	s2 =	sld [smem:$0x3F9A];
	s0 =	simm.s32 @p1 $0x1  }
0x15: {  	[smem:$0x3FB7] =	sst s0;
	s0 =	simm.s32 @!p2 $0x0  }
0x16: {  	s3 =	sld [smem:$0x3FDB];
	s0 =	simm.s32 @p2 $0x1  }
0x17: {  	s4 =	simm.s32 $0x1BF5;
	[smem:$0x3FB9] =	sst s0  }
0x18: {  	s0 =	sld [smem:$0x3F9C];
	_ =	swait.ge [sflag:s4], $0x0  }
0x19: {  	s7 =	sld [smem:$0x3F9D]  }
0x1a: {  	s8 =	sadd.s32 $0xFFFFE003, lr  }
0x1b: {  	s9 =	sadd.s32 $0xFFFFFEF7, lr;
	s5 =	simm.s32 $0xFFFFFFFF;
	p2 =	slt.u32 s8, $0xFFFFF086  }
0x1c: {  	p1 =	slt.u32 s9, $0xF7A;
	s5 =	simm.s32 @!p2 $0x0  }
0x1d: {  	s5 =	simm.s32 @p1 $0x1;
	p0 =	seq.s32 s7, s2  }
0x1e: {  	s7 =	smul.u32 @!p0 $0xF7A, s2;
	p2 =	seq.s32 @!p0 s5, $0x0  }
0x1f: {  	s9 =	smul.u32 $0xF7A, s1;
	s8 =	simm.s32 @!p0 $0x1BF5;
	p2 =	por !p2, p0  }
0x20: {  	[sflag:s8] =	ssyncset.s32 @!p0 $0xFFFFF086;
	s6 =	sadd.s32 @!p0 s3, s7;
	s7 =	simm.s32 @!p0 $0x108  }
0x21: {  	s3 =	sadd.s32 s3, s9;
	s6 =	sadd.s32 @!p0 $0x88, s6;
	s7 =	simm.s32 @p2 $0x1082  }
0x22: {  	[simem:s7], [sflag:s8] =	dma.local @!p0 [hbm:s6], $0xF7A  }
0x23: {  	s9 =	sor.u32 $0xD0000000, s2;
	s6 =	simm.s32 $0x108;
	_ =	swait.ge @!p0 [sflag:s8], $0x0  }
0x24: {  	s3 =	sadd.s32 $0x88, s3;
	s6 =	simm.s32 @!p1 $0x1082;
	[sflag:s4] =	ssyncset.s32 $0xFFFFF086  }
0x25: {  	[simem:s6], [sflag:s4] =	dma.local [hbm:s3], $0xF7A  }
0x26: {  	[smem:$0x3F9D] =	sst s1;
	(tag) =	ssettag s2;
	_ =	strace s9  }
0x27: {  	s1 =	sld [smem:$0x3FAD]  }
0x28: {  	s2 =	sld [smem:$0x3FAE]  }
0x29: {  	s4 =	sld [smem:$0x3FB0]  }
0x2a: {  	p0 =	seq.s32 s5, $0x0;
	s5 =	sld [smem:$0x3FB1]  }
0x2b: {  	s6 =	sld [smem:$0x3FB2]  }
0x2c: {  	s7 =	sld [smem:$0x3FB3]  }
0x2d: {  	s3 =	simm.s32 $0x108;
	s8 =	sld [smem:$0x3FB4]  }
0x2e: {  	s3 =	simm.s32 @!p0 $0x1082;
	s9 =	sld [smem:$0x3FB5]  }
0x2f: {  	lr =	sadd.s32 s0, s3;
	s0 =	sld [smem:$0x3FAC]  }
0x30: {  	s3 =	sld [smem:$0x3FAF]  }
0x31: {  	[smem:$0x3FB8] =	sst s10  }
0x32: {  	s10 =	sld [smem:$0x3FB6];
	_ =	sdelay $0x3  }
0x33: {  	p0 =	seq.s32 s10, $0x1;
	s10 =	sld [smem:$0x3FB8];
	_ =	sdelay $0x3  }
0x34: {  	[smem:$0x3FB8] =	sst s10  }
0x35: {  	s10 =	sld [smem:$0x3FB7];
	_ =	sdelay $0x3  }
0x36: {  	p1 =	seq.s32 s10, $0x1;
	s10 =	sld [smem:$0x3FB8];
	_ =	sdelay $0x3  }
0x37: {  	[smem:$0x3FB8] =	sst s10  }
0x38: {  	s10 =	sld [smem:$0x3FB9]  }
0x39: {  	_ = 	snop;
	(pc) =	sbr.ind lr, $3  }
0x3a: {  	_ = 	snop  }
0x3b: {  	_ = 	snop  }
0x3c: {  	p2 =	seq.s32 s10, $0x1;
	s10 =	sld [smem:$0x3FB8]  }
0x3d: {  	_ =	shalt  }
0x3e: {  	_ =	shalt  }
0x3f: {  	_ =	shalt  }
0x40: {  	_ =	shalt  }
0x41: {  	_ =	shalt  }
0x42: {  	_ =	shalt  }
0x43: {  	_ =	shalt  }
0x44: {  	_ =	shalt  }
0x45: {  	_ =	shalt  }
0x46: {  	_ =	shalt  }
0x47: {  	_ =	shalt  }
0x48: {  	_ =	shalt  }
0x49: {  	_ =	shalt  }
0x4a: {  	_ =	shalt  }
0x4b: {  	_ =	shalt  }
0x4c: {  	_ =	shalt  }
0x4d: {  	_ =	shalt  }
0x4e: {  	_ =	shalt  }
0x4f: {  	_ =	shalt  }
0x50: {  	_ =	shalt  }
0x51: {  	_ =	shalt  }
0x52: {  	_ =	shalt  }
0x53: {  	_ =	shalt  }
0x54: {  	_ =	shalt  }
0x55: {  	_ =	shalt  }
0x56: {  	_ =	shalt  }
0x57: {  	_ =	shalt  }
0x58: {  	_ =	shalt  }
0x59: {  	_ =	shalt  }
0x5a: {  	_ =	shalt  }
0x5b: {  	_ =	shalt  }
0x5c: {  	_ =	shalt  }
0x5d: {  	_ =	shalt  }
0x5e: {  	_ =	shalt  }
0x5f: {  	_ =	shalt  }
0x60: {  	_ =	shalt  }
0x61: {  	_ =	shalt  }
0x62: {  	_ =	shalt  }
0x63: {  	_ =	shalt  }
0x64: {  	_ =	shalt  }
0x65: {  	_ =	shalt  }
0x66: {  	_ =	shalt  }
0x67: {  	_ =	shalt  }
0x68: {  	_ =	shalt  }
0x69: {  	_ =	shalt  }
0x6a: {  	_ =	shalt  }
0x6b: {  	_ =	shalt  }
0x6c: {  	_ =	shalt  }
0x6d: {  	_ =	shalt  }
0x6e: {  	_ =	shalt  }
0x6f: {  	_ =	shalt  }
0x70: {  	_ =	shalt  }
0x71: {  	_ =	shalt  }
0x72: {  	_ =	shalt  }
0x73: {  	_ =	shalt  }
0x74: {  	_ =	shalt  }
0x75: {  	_ =	shalt  }
0x76: {  	_ =	shalt  }
0x77: {  	_ =	shalt  }
0x78: {  	_ =	shalt  }
0x79: {  	_ =	shalt  }
0x7a: {  	_ =	shalt  }
0x7b: {  	_ =	shalt  }
0x7c: {  	_ =	shalt  }
0x7d: {  	_ =	shalt  }
0x7e: {  	_ =	shalt  }
0x7f: {  	_ =	shalt  }
0x80: {  	_ =	shalt  }
0x81: {  	_ =	shalt  }
0x82: {  	_ =	shalt  }
0x83: {  	_ =	shalt  }
0x84: {  	_ =	shalt  }
0x85: {  	_ =	shalt  }
0x86: {  	_ =	shalt  }
0x87: {  	_ =	shalt  }
.Lfunc_end0:
.L_simem_size_0:
called_computation.2_lowered:
.L_overlay_start_0:
0x88: {  	s2 =	sld [smem:$0x3FD9]  }
0x89: {  	s3 =	sld [smem:$0x3FFE];
	_ =	sdelay $0x1  }
0x8a: {  	s1 =	srdreg.scid  }
0x8b: {  	s0 =	sand.u32 $0x1, s1  }
0x8c: {  	s17 =	sshll.u32 s0, $0xA;
	s2 =	sadd.s32 s3, s2  }
0x8d: {  	s2 =	sadd.s32 s2, s17  }
0x8e: {  	[smem:$0x3FC4] =	sst s2  }
0x8f: {  	_ = 	snop  }
0x90: {  	s2 =	sld [smem:$0x3FD0];
	(tm) =	ssettm $0x1  }
0x91: {  	s18 =	sld [smem:$0x3FFB];
	_ =	sdelay $0x3  }
0x92: {  	_ =	strace s18  }
0x93: {  	s3 =	sld [smem:$0x3FFC];
	_ =	sdelay $0x3  }
0x94: {  	_ =	strace s3  }
0x95: {  	s3 =	sld [smem:$0x3FFD];
	_ =	sdelay $0x3  }
0x96: {  	_ =	strace s3  }
0x97: {  	_ =	strace $0x8FFFFFFF  }
0x98: {  	s19 =	sld [smem:$0x3FDB];
	_ =	sdelay $0x1  }
0x99: {  	s4 =	simm.s32 $_scs_section_size  }
0x9a: {  	s5 =	simm.s32 $_size__tile_overlayer_lowered;
	s6 =	simm.s32 $_tile_overlayer_lowered  }
0x9b: {  	s22 =	simm.s32 $0x1BFF;
	s21 =	sshll.u32 s6, $0x1;
	s3 =	sadd.s32 s4, s19  }
0x9c: {  	s7 =	simm.s32 $0x0;
	s20 =	sshll.u32 s5, $0x1;
	s5 =	sadd.s32 s21, s3  }
0x9d: {  	[timem:s7], [sflag:s22] =	dma.local [hbm:s5], s20  }
0x9e: {  	_ =	swait.ge [sflag:s22], s20  }
0x9f: {  	s4 =	ssub.s32 $0x0, s20;
	[sflag:s22] =	ssyncset.done $0x0  }
0xa0: {  	[sflag:s22] =	ssyncadd.s32 s4;
	_ =	sdelay $0x1  }
0xa1: {  	s23 =	simm.s32 $0x1B8B  }
0xa2: {  	_ =	swait.ge [sflag:s23], $0x1  }
0xa3: {  	[sflag:s23] =	ssyncset.done $0x0  }
0xa4: {  	s25 =	simm.s32 $0x1B8E;
	s24 =	sld [smem:$0x3FFE];
	[sflag:s23] =	ssyncadd.s32 $0xFFFFFFFF  }
0xa5: {  	s26 =	simm.s32 $execute0_lowered;
	[smem:$0x3FD2] =	sst s25  }
0xa6: {  	s5 =	sshll.u32 s26, $0x1;
	_ =	strace $0x8000004C;
	[dreg:$0x1] =	wrdreg $0xFFFFFFFF  }
0xa7: {  	s28 =	simm.s32 $_size_execute0_lowered;
	s3 =	sadd.s32 s3, s5;
	[dreg:$0x0] =	wrdreg $0x0  }
0xa8: {  	s5 =	sshll.u32 s28, $0x1;
	[dreg:$0x2] =	wrdreg s3  }
0xa9: {  	[dreg:$0x3] =	wrdreg s5  }
0xaa: {  	[dreg:$0x4] =	wrdreg $0xC0  }
0xab: {  	_ =	task [dreg:s7], $0x5FFFF  }
0xac: {  	[dreg:$0x1] =	wrdreg $0xFFFFFFFF  }
0xad: {  	[dreg:$0x0] =	wrdreg $0x60  }
0xae: {  	[dreg:$0x2] =	wrdreg s2  }
0xaf: {  	[dreg:$0x3] =	wrdreg s24  }
0xb0: {  	[dreg:$0x4] =	wrdreg $0xC0000  }
0xb1: {  	[dreg:$0x5] =	wrdreg $0x9  }
0xb2: {  	_ =	task.clear_ibuf [dreg:s7], $0x6FFFF;
	_ =	strace $0x9000004C  }
0xb3: {  	s29 =	simm.s32 $0x9;
	_ =	strace $0x8000004E  }
0xb4: {  	_ =	swait.ge [sflag:s29], $0x1  }
0xb5: {  	[sflag:s29] =	ssyncadd.s32 $0xFFFFFFFF  }
0xb6: {  	_ =	strace $0x9000004E  }
0xb7: {  	_ =	sfence  }
0xb8: {  	s30 =	sld [smem:$0x0];
	_ =	sdelay $0x2  }
0xb9: {  	s31 =	sshll.u32 s1, $0xD;
	s1 =	sshrl.u32 s1, $0x2  }
0xba: {  	s3 =	sand.u32 $0x4000, s31;
	s1 =	sadd.s32 s1, s30  }
0xbb: {  	s0 =	sor.u32 s3, s0;
	s1 =	sshll.u32 s1, $0x11  }
0xbc: {  	s0 =	sor.u32 s1, s0  }
0xbd: {  	s0 =	sadd.s32 $0x8F2B, s0  }
0xbe: {  	[sflag:s0] =	ssyncadd.remote.s32 $0x1  }
0xbf: {  	_ =	sfence.sel $0xFFFF  }
0xc0: {  	[dreg:$0x0] =	wrdreg $0xFFFFFFFF;
	(pc) =	sbr.abs _section_cstart, $3  }
0xc1: {  	[dreg:$0x1] =	wrdreg $0xFFFFFFFF  }
0xc2: {  	_ =	task.clear_ibuf [dreg:s7], $0x2FFFF;
	_ =	strace $0x9FFFFFFF  }
0xc3: {  	(tm) =	ssettm $0x7FFFFFFF  }
tec
execute0_lowered:
.L_overlay_start_1:
0x0: {  	(tag) =	ssettag $0x1  }
0x1: {  	s1 =	srdreg.scid;
	s2 =	rddreg [dreg:$0x0]  }
0x2: {  	s0 =	stileid.u32;
	s7 =	rddreg [dreg:$0x1]  }
0x3: {  	s3 =	rddreg [dreg:$0x2];
	s4 =	simm.s32 $0x0;
	s14 =	simm.s32 $0x5  }
0x4: {  	s15 =	simm.s32 $0x5000;
	s16 =	simm.s32 $0xA000;
	s17 =	simm.s32 $0x80  }
0x5: {  	s18 =	simm.s32 $0x1;
	s19 =	simm.s32 $0xB000;
	s20 =	simm.s32 $0x2  }
0x6: {  	s21 =	simm.s32 $0x5080;
	s22 =	simm.s32 $0x3;
	s23 =	simm.s32 $0x100  }
0x7: {  	s24 =	simm.s32 $0x4;
	s25 =	simm.s32 $0x9F00;
	s6 =	smul.u32 $0x5000, s0  }
0x8: {  	s26 =	simm.s32 $0x4F80;
	s5 =	sand.u32 $0x1, s1;
	s11 =	smul.u32 $0x14000, s0  }
0x9: {  	s28 =	simm.s32 $0x9F80;
	s29 =	simm.s32 $0x0;
	s8 =	smul.u32 $0x50000, s5  }
0xa: {  	[smem:$0x7FF] =	sst s4;
	s10 =	smul.u32 $0xA000, s5;
	s5 =	ssub.s32 $0x2, s5  }
0xb: {  	s9 =	smul.u32 $0xA00, s0;
	_ =	strace $0x8000004D;
	s30 =	sshrl.u32 s5, $0x1  }
0xc: {  	s31 =	sshrl.u32 s11, $0x2;
	s8 =	sadd.s32 s6, s8;
	s6 =	sshrl.u32 s6, $0x3  }
0xd: {  	s9 =	sadd.s32 s9, s10;
	s13 =	ssub.s32 s5, s30;
	s8 =	sshrl.u32 s8, $0x3  }
0xe: {  	s6 =	sadd.s32 s6, s7;
	s12 =	sadd.s32 s9, s7;
	s13 =	smax.u32 s13, $0x1  }
0xf: {  	s8 =	sadd.s32 s8, s7;
	s6 =	sadd.s32 $0x2800, s6;
	s7 =	sadd.s32 s31, s3  }
0x10: {  	s12 =	sadd.s32 $0x21200, s12;
	s5 =	sadd.s32 $0xD200, s8;
	s8 =	sadd.s32 $0x1000, s7  }
0x11: {  	v0 =	vimm.f32 $0.0e+00;
	s9 =	sadd.s32 $0x2000, s7;
	s10 =	sadd.s32 $0x3000, s7;
	s11 =	sadd.s32 $0x4000, s7  }
.LBB2_1:
0x12: {  	[tilespmem:s4], [sflag:$0x5] =	stream.linear.gather [hbm4b:s5+s4], $0x5000, $0x38;
	[tilespmem:$0x11000] =	vst v63  }
0x13: {  	_ =	swait.ge [sflag:s14], $0x5000  }
0x14: {  	[sflag:s14] =	ssyncset.done $0x0  }
0x15: {  	[sflag:s14] =	ssyncadd.s32 $0xFFFFB000  }
0x16: {  	[tilespmem:s15], [sflag:$0x5] =	stream.linear.gather [hbm4b:s6+s4], $0x5000, $0x38;
	[tilespmem:$0x11000] =	vst v63  }
0x17: {  	_ =	swait.ge [sflag:s14], $0x5000  }
0x18: {  	[sflag:s14] =	ssyncset.done $0x0  }
0x19: {  	s30 =	simm.s32 $0x80;
	s31 =	simm.s32 $0x0;
	[sflag:s14] =	ssyncadd.s32 $0xFFFFB000  }
.LBB2_2:
0x1a: {  	p0 =	sne.s32 s30, $0x3F80;
	[tilespmem:s31+$0xA000] =	vst v0;
	s1 =	smov.u32 s30;
	s30 =	sadd.s32 $0x80, s30  }
.Ltmp0:
0x1b: {  	[tilespmem:s31+$0xA010] =	vst v0;
	(pc) =	sbr.rel @p0 .LBB2_2-.Ltmp0, $2  }
0x1c: {  	_ =	sdelay $0x2  }
0x1d: {  	s31 =	sshra.s32 s1, $0x2  }
0x1e: {  	[tilespmem:s31+$0xA000] =	vst v0  }
0x1f: {  	[tilespmem:s31+$0xA010] =	vst v0  }
0x20: {  	[spmem:s7] =	stream.linear.scatter [tilespmem:s16], [sflag:$0x5], $0x1000, $0x38;
	[tilespmem:$0x11000] =	vst v63  }
0x21: {  	_ =	swait.ge [sflag:s14], $0x1000  }
0x22: {  	[sflag:s14] =	ssyncset.done $0x0  }
0x23: {  	[sflag:s14] =	ssyncadd.s32 $0xFFFFF000  }
0x24: {  	[spmem:s8] =	stream.linear.scatter [tilespmem:s16], [sflag:$0x5], $0x1000, $0x38;
	[tilespmem:$0x11000] =	vst v63  }
0x25: {  	_ =	swait.ge [sflag:s14], $0x1000  }
0x26: {  	[sflag:s14] =	ssyncset.done $0x0  }
0x27: {  	[sflag:s14] =	ssyncadd.s32 $0xFFFFF000  }
0x28: {  	[spmem:s9] =	stream.linear.scatter [tilespmem:s16], [sflag:$0x5], $0x1000, $0x38;
	[tilespmem:$0x11000] =	vst v63  }
0x29: {  	_ =	swait.ge [sflag:s14], $0x1000  }
0x2a: {  	[sflag:s14] =	ssyncset.done $0x0  }
0x2b: {  	[sflag:s14] =	ssyncadd.s32 $0xFFFFF000  }
0x2c: {  	[spmem:s10] =	stream.linear.scatter [tilespmem:s16], [sflag:$0x5], $0x1000, $0x38;
	[tilespmem:$0x11000] =	vst v63  }
0x2d: {  	_ =	swait.ge [sflag:s14], $0x1000  }
0x2e: {  	[sflag:s14] =	ssyncset.done $0x0  }
0x2f: {  	[sflag:s14] =	ssyncadd.s32 $0xFFFFF000  }
0x30: {  	[spmem:s11] =	stream.linear.scatter [tilespmem:s16], [sflag:$0x5], $0x1000, $0x38;
	[tilespmem:$0x11000] =	vst v63  }
0x31: {  	_ =	swait.ge [sflag:s14], $0x1000  }
0x32: {  	[sflag:s14] =	ssyncset.done $0x0  }
0x33: {  	[sflag:s14] =	ssyncadd.s32 $0xFFFFF000  }
0x34: {  	[bflag:$0x0] =	sbarrier.arrive $0xFFFF  }
0x35: {  	[tilespmem:s16], [sflag:$0x1] =	stream.indirect.gather [hbm4b:s2+s17], $0x20, s4, s17, $0xb8;
	[tilespmem:$0x11000] =	vst v63  }
0x36: {  	_ =	swait.ge [sflag:s18], $0x1000  }
0x37: {  	[sflag:s18] =	ssyncset.done $0x0  }
0x38: {  	[sflag:s18] =	ssyncadd.s32 $0xFFFFF000  }
0x39: {  	[spmem:s3] =	stream.indirect.scatter.add.f32 [tilespmem:s16], [sflag:$0x3], $0x20, s15, s17, $0xb8;
	[tilespmem:$0x11000] =	vst v63  }
0x3a: {  	_ = 	snop  }
0x3b: {  	[tilespmem:s19], [sflag:$0x2] =	stream.indirect.gather [hbm4b:s2+s17], $0x20, s17, s17, $0xb8;
	[tilespmem:$0x11000] =	vst v63  }
0x3c: {  	_ =	swait.ge [sflag:s20], $0x1000  }
0x3d: {  	[sflag:s20] =	ssyncset.done $0x0  }
0x3e: {  	[sflag:s20] =	ssyncadd.s32 $0xFFFFF000  }
0x3f: {  	[spmem:s3] =	stream.indirect.scatter.add.f32 [tilespmem:s19], [sflag:$0x4], $0x20, s21, s17, $0xb8;
	[tilespmem:$0x11000] =	vst v63  }
0x40: {  	_ =	swait.ge [sflag:s22], $0x1000  }
0x41: {  	[sflag:s22] =	ssyncset.done $0x0  }
0x42: {  	[sflag:s22] =	ssyncadd.s32 $0xFFFFF000  }
0x43: {  	[tilespmem:s16], [sflag:$0x1] =	stream.indirect.gather [hbm4b:s2+s17], $0x20, s23, s17, $0xb8;
	[tilespmem:$0x11000] =	vst v63  }
0x44: {  	_ =	swait.ge [sflag:s18], $0x1000  }
0x45: {  	[sflag:s18] =	ssyncset.done $0x0  }
0x46: {  	s1 =	simm.s32 $0x5100;
	[sflag:s18] =	ssyncadd.s32 $0xFFFFF000  }
0x47: {  	[spmem:s3] =	stream.indirect.scatter.add.f32 [tilespmem:s16], [sflag:$0x3], $0x20, s1, s17, $0xb8;
	[tilespmem:$0x11000] =	vst v63  }
0x48: {  	_ =	swait.ge [sflag:s24], $0x1000  }
0x49: {  	[sflag:s24] =	ssyncset.done $0x0  }
0x4a: {  	s1 =	simm.s32 $0x180;
	[sflag:s24] =	ssyncadd.s32 $0xFFFFF000  }
0x4b: {  	[tilespmem:s19], [sflag:$0x2] =	stream.indirect.gather [hbm4b:s2+s17], $0x20, s1, s17, $0xb8;
	[tilespmem:$0x11000] =	vst v63  }
0x4c: {  	_ =	swait.ge [sflag:s20], $0x1000  }
0x4d: {  	[sflag:s20] =	ssyncset.done $0x0  }
0x4e: {  	s1 =	simm.s32 $0x5180;
	[sflag:s20] =	ssyncadd.s32 $0xFFFFF000  }
0x4f: {  	[spmem:s3] =	stream.indirect.scatter.add.f32 [tilespmem:s19], [sflag:$0x4], $0x20, s1, s17, $0xb8;
	[tilespmem:$0x11000] =	vst v63  }
0x50: {  	_ =	swait.ge [sflag:s22], $0x1000  }
0x51: {  	[sflag:s22] =	ssyncset.done $0x0  }
0x52: {  	s30 =	simm.s32 $0xFFFECC00;
	s31 =	simm.s32 $0x200;
	[sflag:s22] =	ssyncadd.s32 $0xFFFFF000  }
.LBB2_4:
0x53: {  	[tilespmem:s16], [sflag:$0x1] =	stream.indirect.gather [hbm4b:s2+s17], $0x20, s31, s17, $0xb8;
	[tilespmem:$0x11000] =	vst v63  }
0x54: {  	s1 =	smov.u32 s30  }
0x55: {  	p0 =	sne.s32 s30, $0xFFFFFC00;
	s30 =	sadd.s32 $0x400, s30;
	_ =	swait.ge [sflag:s18], $0x1000  }
0x56: {  	s1 =	sshra.s32 s1, $0x2;
	[sflag:s18] =	ssyncset.done $0x0  }
0x57: {  	s31 =	sadd.s32 $0x9F00, s1;
	[sflag:s18] =	ssyncadd.s32 $0xFFFFF000  }
0x58: {  	[spmem:s3] =	stream.indirect.scatter.add.f32 [tilespmem:s16], [sflag:$0x3], $0x20, s31, s17, $0xb8;
	[tilespmem:$0x11000] =	vst v63  }
0x59: {  	_ =	swait.ge [sflag:s24], $0x1000  }
0x5a: {  	[sflag:s24] =	ssyncset.done $0x0  }
0x5b: {  	s31 =	sadd.s32 $0x4F80, s1;
	[sflag:s24] =	ssyncadd.s32 $0xFFFFF000  }
0x5c: {  	[tilespmem:s19], [sflag:$0x2] =	stream.indirect.gather [hbm4b:s2+s17], $0x20, s31, s17, $0xb8;
	[tilespmem:$0x11000] =	vst v63  }
0x5d: {  	_ =	swait.ge [sflag:s20], $0x1000  }
0x5e: {  	[sflag:s20] =	ssyncset.done $0x0  }
.Ltmp1:
0x5f: {  	s31 =	sadd.s32 $0x9F80, s1;
	[sflag:s20] =	ssyncadd.s32 $0xFFFFF000;
	(pc) =	sbr.rel @p0 .LBB2_4-.Ltmp1, $4  }
0x60: {  	[spmem:s3] =	stream.indirect.scatter.add.f32 [tilespmem:s19], [sflag:$0x4], $0x20, s31, s17, $0xb8;
	[tilespmem:$0x11000] =	vst v63  }
0x61: {  	_ =	swait.ge [sflag:s22], $0x1000  }
0x62: {  	[sflag:s22] =	ssyncset.done $0x0  }
0x63: {  	s31 =	sadd.s32 $0x5000, s1;
	[sflag:s22] =	ssyncadd.s32 $0xFFFFF000  }
0x64: {  	[tilespmem:s16], [sflag:$0x1] =	stream.indirect.gather [hbm4b:s2+s17], $0x20, s31, s17, $0xb8;
	[tilespmem:$0x11000] =	vst v63  }
0x65: {  	_ =	swait.ge [sflag:s18], $0x1000  }
0x66: {  	[sflag:s18] =	ssyncset.done $0x0  }
0x67: {  	[sflag:s18] =	ssyncadd.s32 $0xFFFFF000  }
0x68: {  	[spmem:s3] =	stream.indirect.scatter.add.f32 [tilespmem:s16], [sflag:$0x3], $0x20, s25, s17, $0xb8;
	[tilespmem:$0x11000] =	vst v63  }
0x69: {  	_ =	swait.ge [sflag:s24], $0x1000  }
0x6a: {  	[sflag:s24] =	ssyncset.done $0x0  }
0x6b: {  	[sflag:s24] =	ssyncadd.s32 $0xFFFFF000  }
0x6c: {  	[tilespmem:s19], [sflag:$0x2] =	stream.indirect.gather [hbm4b:s2+s17], $0x20, s26, s17, $0xb8;
	[tilespmem:$0x11000] =	vst v63  }
0x6d: {  	_ =	swait.ge [sflag:s20], $0x1000  }
0x6e: {  	[sflag:s20] =	ssyncset.done $0x0  }
0x6f: {  	[sflag:s20] =	ssyncadd.s32 $0xFFFFF000  }
0x70: {  	[spmem:s3] =	stream.indirect.scatter.add.f32 [tilespmem:s19], [sflag:$0x4], $0x20, s28, s17, $0xb8;
	[tilespmem:$0x11000] =	vst v63  }
0x71: {  	_ =	swait.ge [sflag:s22], $0x1000  }
0x72: {  	[sflag:s22] =	ssyncset.done $0x0  }
0x73: {  	[sflag:s22] =	ssyncadd.s32 $0xFFFFF000  }
0x74: {  	_ =	swait.ge [sflag:s24], $0x1000  }
0x75: {  	s1 =	sshll.u32 s0, $0x6;
	s29 =	sadd.s32 $0x1, s29;
	[sflag:s24] =	ssyncset.done $0x0  }
0x76: {  	s30 =	sshrl.u32 s7, $0x3;
	p0 =	sne.s32 s29, s13;
	[sflag:s24] =	ssyncadd.s32 $0xFFFFF000  }
.Ltmp2:
0x77: {  	s1 =	sor.u32 $0x1C05, s1;
	[bflag:$0x0] =	sbarrier.arrive $0xFFFF;
	(pc) =	sbr.rel @p0 .LBB2_1-.Ltmp2, $4  }
0x78: {  	[hbm:s12], [sflag:s1] =	dma.local [spmem:s30], $0xA00  }
0x79: {  	_ =	swait.ge [sflag:s14], $0xA00  }
0x7a: {  	[sflag:s14] =	ssyncset.done $0x0  }
0x7b: {  	[sflag:s14] =	ssyncadd.s32 $0xFFFFF600  }
0x7c: {  	_ =	sfence.sel $0x180000  }
0x7d: {  	[bflag:$0x0] =	sbarrier.arrive $0xFFFF  }
0x7e: {  	_ =	strace $0x9000004D  }
0x7f: {  	[bflag:$0x2] =	sbarrier.arrive $0xFFFF  }
0x80: {  	p0 =	sne.s32 s0, $0x0;
	s0 =	rddreg [dreg:$0x3]  }
0x81: {  	s0 =	sadd.s32 @!p0 $0x100000, s0  }
0x82: {  	[sflag:s0] =	ssyncadd.tile.s32 @!p0 $0x1;
	_ =	shalt  }
.Lfunc_end2:
_tile_overlayer_lowered:
.L_overlay_start_2:
0x83: {  	(tag) =	ssettag $0x2  }
0x84: {  	s0 =	rddreg [dreg:$0x0];
	s2 =	stileid.u32  }
0x85: {  	s1 =	rddreg [dreg:$0x1];
	p0 =	sne.s32 s2, $0x0  }
0x86: {  	s3 =	rddreg [dreg:$0x2];
	[bflag:$0x3] =	sbarrier.arrive $0xFFFF;
	s2 =	simm.s32 @!p0 $0x1C05  }
0x87: {  	[timem:s3], [sflag:s2] =	dma.local @!p0 [hbm:s0], s1  }
0x88: {  	s0 =	simm.s32 @!p0 $0x5  }
0x89: {  	_ =	swait.ge @!p0 [sflag:s0], s1  }
0x8a: {  	s1 =	ssub.s32 @!p0 $0x0, s1;
	[sflag:s0] =	ssyncset.done @!p0 $0x0  }
0x8b: {  	[sflag:s0] =	ssyncadd.s32 @!p0 s1  }
0x8c: {  	[bflag:$0x3] =	sbarrier.arrive $0xFFFF  }
0x8d: {  	_ =	shalt  }

// kernel: kernel.8.cloned.1.call-start
scs
__scs_entry_jumppad:
0x0: {  	(pc) =	sbr.rel $0x88, $3  }
0x1: {  	(tag) =	ssettag $0x0;
	lr =	simm.s32 $0x1  }
0x2: {  	[smem:$0x3F9D] =	sst lr;
	_ =	strace $0xD0000000  }
0x3: {  	_ = 	snop  }
0x4: {  	_ = 	snop  }
0x5: {  	_ = 	snop  }
0x6: {  	_ = 	snop  }
0x7: {  	_ = 	snop  }
__scs_overlays_trampoline_lowered:
0x8: {  	[smem:$0x3FAC] =	sst s0  }
0x9: {  	[smem:$0x3FAD] =	sst s1  }
0xa: {  	[smem:$0x3FAE] =	sst s2  }
0xb: {  	[smem:$0x3FAF] =	sst s3  }
0xc: {  	[smem:$0x3FB0] =	sst s4  }
0xd: {  	[smem:$0x3FB1] =	sst s5  }
0xe: {  	[smem:$0x3FB2] =	sst s6  }
0xf: {  	[smem:$0x3FB3] =	sst s7  }
0x10: {  	[smem:$0x3FB4] =	sst s8  }
0x11: {  	[smem:$0x3FB5] =	sst s9;
	s0 =	simm.s32 @!p0 $0x0  }
0x12: {  	s1 =	sld [smem:$0x3F9B];
	s0 =	simm.s32 @p0 $0x1  }
0x13: {  	[smem:$0x3FB6] =	sst s0;
	s0 =	simm.s32 @!p1 $0x0  }
0x14: {  	s2 =	sld [smem:$0x3F9A];
	s0 =	simm.s32 @p1 $0x1  }
0x15: {  	[smem:$0x3FB7] =	sst s0;
	s0 =	simm.s32 @!p2 $0x0  }
0x16: {  	s3 =	sld [smem:$0x3FDB];
	s0 =	simm.s32 @p2 $0x1  }
0x17: {  	s4 =	simm.s32 $0x1BF5;
	[smem:$0x3FB9] =	sst s0  }
0x18: {  	s0 =	sld [smem:$0x3F9C];
	_ =	swait.ge [sflag:s4], $0x0  }
0x19: {  	s7 =	sld [smem:$0x3F9D]  }
0x1a: {  	s8 =	sadd.s32 $0xFFFFE003, lr  }
0x1b: {  	s9 =	sadd.s32 $0xFFFFFEF7, lr;
	s5 =	simm.s32 $0xFFFFFFFF;
	p2 =	slt.u32 s8, $0xFFFFF086  }
0x1c: {  	p1 =	slt.u32 s9, $0xF7A;
	s5 =	simm.s32 @!p2 $0x0  }
0x1d: {  	s5 =	simm.s32 @p1 $0x1;
	p0 =	seq.s32 s7, s2  }
0x1e: {  	s7 =	smul.u32 @!p0 $0xF7A, s2;
	p2 =	seq.s32 @!p0 s5, $0x0  }
0x1f: {  	s9 =	smul.u32 $0xF7A, s1;
	s8 =	simm.s32 @!p0 $0x1BF5;
	p2 =	por !p2, p0  }
0x20: {  	[sflag:s8] =	ssyncset.s32 @!p0 $0xFFFFF086;
	s6 =	sadd.s32 @!p0 s3, s7;
	s7 =	simm.s32 @!p0 $0x108  }
0x21: {  	s3 =	sadd.s32 s3, s9;
	s6 =	sadd.s32 @!p0 $0x88, s6;
	s7 =	simm.s32 @p2 $0x1082  }
0x22: {  	[simem:s7], [sflag:s8] =	dma.local @!p0 [hbm:s6], $0xF7A  }
0x23: {  	s9 =	sor.u32 $0xD0000000, s2;
	s6 =	simm.s32 $0x108;
	_ =	swait.ge @!p0 [sflag:s8], $0x0  }
0x24: {  	s3 =	sadd.s32 $0x88, s3;
	s6 =	simm.s32 @!p1 $0x1082;
	[sflag:s4] =	ssyncset.s32 $0xFFFFF086  }
0x25: {  	[simem:s6], [sflag:s4] =	dma.local [hbm:s3], $0xF7A  }
0x26: {  	[smem:$0x3F9D] =	sst s1;
	(tag) =	ssettag s2;
	_ =	strace s9  }
0x27: {  	s1 =	sld [smem:$0x3FAD]  }
0x28: {  	s2 =	sld [smem:$0x3FAE]  }
0x29: {  	s4 =	sld [smem:$0x3FB0]  }
0x2a: {  	p0 =	seq.s32 s5, $0x0;
	s5 =	sld [smem:$0x3FB1]  }
0x2b: {  	s6 =	sld [smem:$0x3FB2]  }
0x2c: {  	s7 =	sld [smem:$0x3FB3]  }
0x2d: {  	s3 =	simm.s32 $0x108;
	s8 =	sld [smem:$0x3FB4]  }
0x2e: {  	s3 =	simm.s32 @!p0 $0x1082;
	s9 =	sld [smem:$0x3FB5]  }
0x2f: {  	lr =	sadd.s32 s0, s3;
	s0 =	sld [smem:$0x3FAC]  }
0x30: {  	s3 =	sld [smem:$0x3FAF]  }
0x31: {  	[smem:$0x3FB8] =	sst s10  }
0x32: {  	s10 =	sld [smem:$0x3FB6];
	_ =	sdelay $0x3  }
0x33: {  	p0 =	seq.s32 s10, $0x1;
	s10 =	sld [smem:$0x3FB8];
	_ =	sdelay $0x3  }
0x34: {  	[smem:$0x3FB8] =	sst s10  }
0x35: {  	s10 =	sld [smem:$0x3FB7];
	_ =	sdelay $0x3  }
0x36: {  	p1 =	seq.s32 s10, $0x1;
	s10 =	sld [smem:$0x3FB8];
	_ =	sdelay $0x3  }
0x37: {  	[smem:$0x3FB8] =	sst s10  }
0x38: {  	s10 =	sld [smem:$0x3FB9]  }
0x39: {  	_ = 	snop;
	(pc) =	sbr.ind lr, $3  }
0x3a: {  	_ = 	snop  }
0x3b: {  	_ = 	snop  }
0x3c: {  	p2 =	seq.s32 s10, $0x1;
	s10 =	sld [smem:$0x3FB8]  }
0x3d: {  	_ =	shalt  }
0x3e: {  	_ =	shalt  }
0x3f: {  	_ =	shalt  }
0x40: {  	_ =	shalt  }
0x41: {  	_ =	shalt  }
0x42: {  	_ =	shalt  }
0x43: {  	_ =	shalt  }
0x44: {  	_ =	shalt  }
0x45: {  	_ =	shalt  }
0x46: {  	_ =	shalt  }
0x47: {  	_ =	shalt  }
0x48: {  	_ =	shalt  }
0x49: {  	_ =	shalt  }
0x4a: {  	_ =	shalt  }
0x4b: {  	_ =	shalt  }
0x4c: {  	_ =	shalt  }
0x4d: {  	_ =	shalt  }
0x4e: {  	_ =	shalt  }
0x4f: {  	_ =	shalt  }
0x50: {  	_ =	shalt  }
0x51: {  	_ =	shalt  }
0x52: {  	_ =	shalt  }
0x53: {  	_ =	shalt  }
0x54: {  	_ =	shalt  }
0x55: {  	_ =	shalt  }
0x56: {  	_ =	shalt  }
0x57: {  	_ =	shalt  }
0x58: {  	_ =	shalt  }
0x59: {  	_ =	shalt  }
0x5a: {  	_ =	shalt  }
0x5b: {  	_ =	shalt  }
0x5c: {  	_ =	shalt  }
0x5d: {  	_ =	shalt  }
0x5e: {  	_ =	shalt  }
0x5f: {  	_ =	shalt  }
0x60: {  	_ =	shalt  }
0x61: {  	_ =	shalt  }
0x62: {  	_ =	shalt  }
0x63: {  	_ =	shalt  }
0x64: {  	_ =	shalt  }
0x65: {  	_ =	shalt  }
0x66: {  	_ =	shalt  }
0x67: {  	_ =	shalt  }
0x68: {  	_ =	shalt  }
0x69: {  	_ =	shalt  }
0x6a: {  	_ =	shalt  }
0x6b: {  	_ =	shalt  }
0x6c: {  	_ =	shalt  }
0x6d: {  	_ =	shalt  }
0x6e: {  	_ =	shalt  }
0x6f: {  	_ =	shalt  }
0x70: {  	_ =	shalt  }
0x71: {  	_ =	shalt  }
0x72: {  	_ =	shalt  }
0x73: {  	_ =	shalt  }
0x74: {  	_ =	shalt  }
0x75: {  	_ =	shalt  }
0x76: {  	_ =	shalt  }
0x77: {  	_ =	shalt  }
0x78: {  	_ =	shalt  }
0x79: {  	_ =	shalt  }
0x7a: {  	_ =	shalt  }
0x7b: {  	_ =	shalt  }
0x7c: {  	_ =	shalt  }
0x7d: {  	_ =	shalt  }
0x7e: {  	_ =	shalt  }
0x7f: {  	_ =	shalt  }
0x80: {  	_ =	shalt  }
0x81: {  	_ =	shalt  }
0x82: {  	_ =	shalt  }
0x83: {  	_ =	shalt  }
0x84: {  	_ =	shalt  }
0x85: {  	_ =	shalt  }
0x86: {  	_ =	shalt  }
0x87: {  	_ =	shalt  }
.Lfunc_end0:
.L_simem_size_0:
called_computation_lowered:
.L_overlay_start_0:
0x88: {  	s2 =	sld [smem:$0x3FD9]  }
0x89: {  	s3 =	sld [smem:$0x3FFE];
	_ =	sdelay $0x1  }
0x8a: {  	s1 =	srdreg.scid  }
0x8b: {  	s0 =	sand.u32 $0x1, s1  }
0x8c: {  	s17 =	sshll.u32 s0, $0xA;
	s2 =	sadd.s32 s3, s2  }
0x8d: {  	s2 =	sadd.s32 s2, s17  }
0x8e: {  	[smem:$0x3FC4] =	sst s2  }
0x8f: {  	_ = 	snop  }
0x90: {  	s2 =	sld [smem:$0x3FD0];
	(tm) =	ssettm $0x1  }
0x91: {  	s18 =	sld [smem:$0x3FFB];
	_ =	sdelay $0x3  }
0x92: {  	_ =	strace s18  }
0x93: {  	s3 =	sld [smem:$0x3FFC];
	_ =	sdelay $0x3  }
0x94: {  	_ =	strace s3  }
0x95: {  	s3 =	sld [smem:$0x3FFD];
	_ =	sdelay $0x3  }
0x96: {  	_ =	strace s3  }
0x97: {  	_ =	strace $0x8FFFFFFF  }
0x98: {  	s19 =	sld [smem:$0x3FDB];
	_ =	sdelay $0x1  }
0x99: {  	s4 =	simm.s32 $_scs_section_size  }
0x9a: {  	s5 =	simm.s32 $_size__tile_overlayer_lowered;
	s6 =	simm.s32 $_tile_overlayer_lowered  }
0x9b: {  	s22 =	simm.s32 $0x1BFF;
	s21 =	sshll.u32 s6, $0x1;
	s3 =	sadd.s32 s4, s19  }
0x9c: {  	s7 =	simm.s32 $0x0;
	s20 =	sshll.u32 s5, $0x1;
	s5 =	sadd.s32 s21, s3  }
0x9d: {  	[timem:s7], [sflag:s22] =	dma.local [hbm:s5], s20  }
0x9e: {  	_ =	swait.ge [sflag:s22], s20  }
0x9f: {  	s4 =	ssub.s32 $0x0, s20;
	[sflag:s22] =	ssyncset.done $0x0  }
0xa0: {  	[sflag:s22] =	ssyncadd.s32 s4;
	_ =	sdelay $0x1  }
0xa1: {  	s23 =	simm.s32 $0x1B8B  }
0xa2: {  	_ =	swait.ge [sflag:s23], $0x1  }
0xa3: {  	[sflag:s23] =	ssyncset.done $0x0  }
0xa4: {  	s25 =	simm.s32 $0x1B8E;
	s24 =	sld [smem:$0x3FFE];
	[sflag:s23] =	ssyncadd.s32 $0xFFFFFFFF  }
0xa5: {  	s26 =	simm.s32 $execute0_lowered;
	[smem:$0x3FD2] =	sst s25  }
0xa6: {  	s5 =	sshll.u32 s26, $0x1;
	_ =	strace $0x80000046;
	[dreg:$0x1] =	wrdreg $0xFFFFFFFF  }
0xa7: {  	s28 =	simm.s32 $_size_execute0_lowered;
	s3 =	sadd.s32 s3, s5;
	[dreg:$0x0] =	wrdreg $0x0  }
0xa8: {  	s5 =	sshll.u32 s28, $0x1;
	[dreg:$0x2] =	wrdreg s3  }
0xa9: {  	[dreg:$0x3] =	wrdreg s5  }
0xaa: {  	[dreg:$0x4] =	wrdreg $0xC0  }
0xab: {  	_ =	task [dreg:s7], $0x5FFFF  }
0xac: {  	[dreg:$0x1] =	wrdreg $0xFFFFFFFF  }
0xad: {  	[dreg:$0x0] =	wrdreg $0x60  }
0xae: {  	[dreg:$0x2] =	wrdreg s2  }
0xaf: {  	[dreg:$0x3] =	wrdreg s24  }
0xb0: {  	[dreg:$0x4] =	wrdreg $0x2B000  }
0xb1: {  	[dreg:$0x5] =	wrdreg $0x9  }
0xb2: {  	_ =	task.clear_ibuf [dreg:s7], $0x6FFFF;
	_ =	strace $0x90000046  }
0xb3: {  	s29 =	simm.s32 $0x9;
	_ =	strace $0x80000048  }
0xb4: {  	_ =	swait.ge [sflag:s29], $0x1  }
0xb5: {  	[sflag:s29] =	ssyncadd.s32 $0xFFFFFFFF  }
0xb6: {  	_ =	strace $0x90000048  }
0xb7: {  	_ =	sfence  }
0xb8: {  	s30 =	sld [smem:$0x0];
	_ =	sdelay $0x2  }
0xb9: {  	s31 =	sshll.u32 s1, $0xD;
	s1 =	sshrl.u32 s1, $0x2  }
0xba: {  	s3 =	sand.u32 $0x4000, s31;
	s1 =	sadd.s32 s1, s30  }
0xbb: {  	s0 =	sor.u32 s3, s0;
	s1 =	sshll.u32 s1, $0x11  }
0xbc: {  	s0 =	sor.u32 s1, s0  }
0xbd: {  	s0 =	sadd.s32 $0x8F2B, s0  }
0xbe: {  	[sflag:s0] =	ssyncadd.remote.s32 $0x1  }
0xbf: {  	_ =	sfence.sel $0xFFFF  }
0xc0: {  	[dreg:$0x0] =	wrdreg $0xFFFFFFFF;
	(pc) =	sbr.abs _section_cstart, $3  }
0xc1: {  	[dreg:$0x1] =	wrdreg $0xFFFFFFFF  }
0xc2: {  	_ =	task.clear_ibuf [dreg:s7], $0x2FFFF;
	_ =	strace $0x9FFFFFFF  }
0xc3: {  	(tm) =	ssettm $0x7FFFFFFF  }
tec
execute0_lowered:
.L_overlay_start_1:
0x0: {  	(tag) =	ssettag $0x1  }
0x1: {  	s4 =	rddreg [dreg:$0x0]  }
0x2: {  	s1 =	srdreg.scid;
	s5 =	rddreg [dreg:$0x1]  }
0x3: {  	s0 =	stileid.u32;
	s2 =	rddreg [dreg:$0x2]  }
0x4: {  	s3 =	simm.s32 $0x0;
	s11 =	simm.s32 $0x2800;
	s12 =	simm.s32 $0x1  }
0x5: {  	s13 =	simm.s32 $0x2;
	s16 =	simm.s32 $0x0;
	s6 =	sand.u32 $0x1, s1  }
0x6: {  	s7 =	smul.u32 $0x280, s0;
	s1 =	rddreg [dreg:$0x3];
	s9 =	sshll.u32 s0, $0x1  }
0x7: {  	[smem:$0x7FF] =	sst s3;
	s14 =	sshll.u32 s0, $0x6;
	s8 =	smul.u32 $0x2800, s6  }
0x8: {  	s9 =	sor.u32 s6, s9;
	s6 =	ssub.s32 $0x2, s6;
	_ =	strace $0x80000047  }
0x9: {  	s9 =	smul.u32 $0x500, s9;
	s31 =	sshrl.u32 s6, $0x1;
	s8 =	sadd.s32 s7, s8  }
0xa: {  	s14 =	sor.u32 $0x1C03, s14;
	s10 =	ssub.s32 s6, s31;
	s8 =	sshrl.u32 s8, $0x3  }
0xb: {  	s4 =	sadd.s32 s4, s9;
	s9 =	simm.s32 $0x2880;
	s8 =	sadd.s32 s8, s5  }
0xc: {  	s5 =	sadd.s32 s7, s2;
	s7 =	smax.u32 s10, $0x1;
	s10 =	simm.s32 $0x80  }
0xd: {  	v0 =	vimm.f32 $1.000000000e+00;
	v1 =	vimm.f32 $0.0e+00;
	s6 =	sadd.s32 $0xC800, s8;
	s8 =	simm.s32 $0x3;
	s15 =	sshrl.u32 s5, $0x3  }
.LBB2_1:
0xe: {  	[tilespmem:s3], [sflag:$0x3] =	stream.linear.gather [hbm4b:s4+s3], $0x2800, $0x38;
	[tilespmem:$0x2D80] =	vst v63  }
0xf: {  	_ =	swait.ge [sflag:s8], $0x2800  }
0x10: {  	[sflag:s8] =	ssyncset.done $0x0  }
0x11: {  	[sflag:s8] =	ssyncadd.s32 $0xFFFFD800  }
0x12: {  	[tilespmem:$0x2800] =	vst v0  }
0x13: {  	[tilespmem:$0x2810] =	vst v0  }
0x14: {  	[tilespmem:$0x2820] =	vst v0  }
0x15: {  	[tilespmem:$0x2830] =	vst v0  }
0x16: {  	[tilespmem:$0x2840] =	vst v0  }
0x17: {  	[tilespmem:$0x2850] =	vst v0  }
0x18: {  	[tilespmem:$0x2860] =	vst v0  }
0x19: {  	[tilespmem:$0x2870] =	vst v0  }
0x1a: {  	[tilespmem:$0x2880] =	vst v1  }
0x1b: {  	[tilespmem:$0x2890] =	vst v1  }
0x1c: {  	[tilespmem:$0x28A0] =	vst v1  }
0x1d: {  	[tilespmem:$0x28B0] =	vst v1  }
0x1e: {  	[tilespmem:$0x28C0] =	vst v1  }
0x1f: {  	[tilespmem:$0x28D0] =	vst v1  }
0x20: {  	[tilespmem:$0x28E0] =	vst v1  }
0x21: {  	[tilespmem:$0x28F0] =	vst v1  }
0x22: {  	[tilespmem:$0x2900] =	vst v1  }
0x23: {  	[tilespmem:$0x2910] =	vst v1  }
0x24: {  	[tilespmem:$0x2920] =	vst v1  }
0x25: {  	[tilespmem:$0x2930] =	vst v1  }
0x26: {  	[tilespmem:$0x2940] =	vst v1  }
0x27: {  	[tilespmem:$0x2950] =	vst v1  }
0x28: {  	[tilespmem:$0x2960] =	vst v1  }
0x29: {  	[tilespmem:$0x2970] =	vst v1  }
0x2a: {  	[tilespmem:$0x2980] =	vst v1  }
0x2b: {  	[tilespmem:$0x2990] =	vst v1  }
0x2c: {  	[tilespmem:$0x29A0] =	vst v1  }
0x2d: {  	[tilespmem:$0x29B0] =	vst v1  }
0x2e: {  	[tilespmem:$0x29C0] =	vst v1  }
0x2f: {  	[tilespmem:$0x29D0] =	vst v1  }
0x30: {  	[tilespmem:$0x29E0] =	vst v1  }
0x31: {  	[tilespmem:$0x29F0] =	vst v1  }
0x32: {  	[tilespmem:$0x2A00] =	vst v1  }
0x33: {  	[tilespmem:$0x2A10] =	vst v1  }
0x34: {  	[tilespmem:$0x2A20] =	vst v1  }
0x35: {  	[tilespmem:$0x2A30] =	vst v1  }
0x36: {  	[tilespmem:$0x2A40] =	vst v1  }
0x37: {  	[tilespmem:$0x2A50] =	vst v1  }
0x38: {  	[tilespmem:$0x2A60] =	vst v1  }
0x39: {  	[tilespmem:$0x2A70] =	vst v1  }
0x3a: {  	[tilespmem:$0x2A80] =	vst v1  }
0x3b: {  	[tilespmem:$0x2A90] =	vst v1  }
0x3c: {  	[tilespmem:$0x2AA0] =	vst v1  }
0x3d: {  	[tilespmem:$0x2AB0] =	vst v1  }
0x3e: {  	[tilespmem:$0x2AC0] =	vst v1  }
0x3f: {  	[tilespmem:$0x2AD0] =	vst v1  }
0x40: {  	[tilespmem:$0x2AE0] =	vst v1  }
0x41: {  	[tilespmem:$0x2AF0] =	vst v1  }
0x42: {  	[spmem:s5] =	stream.linear.scatter [tilespmem:s9], [sflag:$0x3], $0x280, $0x38;
	[tilespmem:$0x2D80] =	vst v63  }
0x43: {  	_ =	swait.ge [sflag:s8], $0x280  }
0x44: {  	[sflag:s8] =	ssyncset.done $0x0  }
0x45: {  	[sflag:s8] =	ssyncadd.s32 $0xFFFFFD80  }
0x46: {  	[bflag:$0x0] =	sbarrier.arrive $0xFFFF  }
0x47: {  	[spmem:s2] =	stream.indirect.scatter.add.f32 [tilespmem:s11], [sflag:$0x1], $0x1, s3, s10, $0xb8;
	[tilespmem:$0x2D80] =	vst v63  }
0x48: {  	_ = 	snop  }
0x49: {  	[spmem:s2] =	stream.indirect.scatter.add.f32 [tilespmem:s11], [sflag:$0x2], $0x1, s10, s10, $0xb8;
	[tilespmem:$0x2D80] =	vst v63  }
0x4a: {  	_ =	swait.ge [sflag:s12], $0x80  }
0x4b: {  	[sflag:s12] =	ssyncset.done $0x0  }
0x4c: {  	s17 =	simm.s32 $0x100;
	[sflag:s12] =	ssyncadd.s32 $0xFFFFFF80  }
0x4d: {  	[spmem:s2] =	stream.indirect.scatter.add.f32 [tilespmem:s11], [sflag:$0x1], $0x1, s17, s10, $0xb8;
	[tilespmem:$0x2D80] =	vst v63  }
0x4e: {  	_ =	swait.ge [sflag:s13], $0x80  }
0x4f: {  	[sflag:s13] =	ssyncset.done $0x0  }
0x50: {  	s18 =	simm.s32 $0x180;
	s17 =	simm.s32 $0xFFFF6800;
	[sflag:s13] =	ssyncadd.s32 $0xFFFFFF80  }
.LBB2_2:
0x51: {  	[spmem:s2] =	stream.indirect.scatter.add.f32 [tilespmem:s11], [sflag:$0x2], $0x1, s18, s10, $0xb8;
	[tilespmem:$0x2D80] =	vst v63  }
0x52: {  	s18 =	smov.u32 s17  }
0x53: {  	p0 =	sne.s32 s17, $0xFFFFFC00;
	s17 =	sadd.s32 $0x400, s17;
	_ =	swait.ge [sflag:s12], $0x80  }
0x54: {  	s18 =	sshra.s32 s18, $0x2;
	[sflag:s12] =	ssyncset.done $0x0  }
.Ltmp0:
0x55: {  	s19 =	sadd.s32 $0x2800, s18;
	[sflag:s12] =	ssyncadd.s32 $0xFFFFFF80;
	(pc) =	sbr.rel @p0 .LBB2_2-.Ltmp0, $4  }
0x56: {  	[spmem:s2] =	stream.indirect.scatter.add.f32 [tilespmem:s11], [sflag:$0x1], $0x1, s19, s10, $0xb8;
	[tilespmem:$0x2D80] =	vst v63  }
0x57: {  	_ =	swait.ge [sflag:s13], $0x80  }
0x58: {  	[sflag:s13] =	ssyncset.done $0x0  }
0x59: {  	s18 =	sadd.s32 $0x2880, s18;
	[sflag:s13] =	ssyncadd.s32 $0xFFFFFF80  }
0x5a: {  	[spmem:s2] =	stream.indirect.scatter.add.f32 [tilespmem:s11], [sflag:$0x2], $0x1, s18, s10, $0xb8;
	[tilespmem:$0x2D80] =	vst v63  }
0x5b: {  	_ =	swait.ge [sflag:s12], $0x80  }
0x5c: {  	[sflag:s12] =	ssyncset.done $0x0  }
0x5d: {  	[sflag:s12] =	ssyncadd.s32 $0xFFFFFF80  }
0x5e: {  	_ =	swait.ge [sflag:s13], $0x80  }
0x5f: {  	s16 =	sadd.s32 $0x1, s16;
	[sflag:s13] =	ssyncset.done $0x0  }
0x60: {  	p0 =	sne.s32 s16, s7;
	[sflag:s13] =	ssyncadd.s32 $0xFFFFFF80  }
.Ltmp1:
0x61: {  	[bflag:$0x0] =	sbarrier.arrive $0xFFFF;
	(pc) =	sbr.rel @p0 .LBB2_1-.Ltmp1, $4  }
0x62: {  	[hbm:s6], [sflag:s14] =	dma.local [spmem:s15], $0x50  }
0x63: {  	_ =	swait.ge [sflag:s8], $0x50  }
0x64: {  	[sflag:s8] =	ssyncset.done $0x0  }
0x65: {  	[sflag:s8] =	ssyncadd.s32 $0xFFFFFFB0  }
0x66: {  	_ =	sfence.sel $0x180000  }
0x67: {  	[bflag:$0x0] =	sbarrier.arrive $0xFFFF  }
0x68: {  	p0 =	sne.s32 s0, $0x0;
	_ =	strace $0x90000047  }
0x69: {  	s0 =	sadd.s32 @!p0 $0x100000, s1;
	[bflag:$0x2] =	sbarrier.arrive $0xFFFF  }
0x6a: {  	[sflag:s0] =	ssyncadd.tile.s32 @!p0 $0x1;
	_ =	shalt  }
.Lfunc_end2:
_tile_overlayer_lowered:
.L_overlay_start_2:
0x6b: {  	(tag) =	ssettag $0x2  }
0x6c: {  	s0 =	rddreg [dreg:$0x0];
	s2 =	stileid.u32  }
0x6d: {  	s1 =	rddreg [dreg:$0x1];
	p0 =	sne.s32 s2, $0x0  }
0x6e: {  	s3 =	rddreg [dreg:$0x2];
	[bflag:$0x3] =	sbarrier.arrive $0xFFFF;
	s2 =	simm.s32 @!p0 $0x1C03  }
0x6f: {  	[timem:s3], [sflag:s2] =	dma.local @!p0 [hbm:s0], s1  }
0x70: {  	s0 =	simm.s32 @!p0 $0x3  }
0x71: {  	_ =	swait.ge @!p0 [sflag:s0], s1  }
0x72: {  	s1 =	ssub.s32 @!p0 $0x0, s1;
	[sflag:s0] =	ssyncset.done @!p0 $0x0  }
0x73: {  	[sflag:s0] =	ssyncadd.s32 @!p0 s1  }
0x74: {  	[bflag:$0x3] =	sbarrier.arrive $0xFFFF  }
0x75: {  	_ =	shalt  }

</sc_bundles>
